<compile_context>
chip_gen: v7x
topology: tpu7x:2x2x1
jax: 0.10.2.dev20260603
libtpu: 0.0.44.dev20260713+nightly
codegen_flags: <defaults>
</compile_context>

<pallas_src>
import functools

import jax
import jax.numpy as jnp
from jax import lax
from jax.experimental import pallas as pl
from jax.experimental.pallas import tpu as pltpu
from jax.experimental.pallas import tpu_sc as plsc

NC = 2
NS = 16
NW = NC * NS
NBUF = 8
L = 6


def _sc_gather(nb, h, d, dtype):
    b_w = nb // NW
    hp = (h + 7) // 8 * 8
    dp = 128
    assert b_w * NW == nb and (b_w // 2) % NBUF == 0 and b_w // 2 > NBUF

    mesh = plsc.VectorSubcoreMesh(
        core_axis_name="c", subcore_axis_name="s",
        num_cores=NC, num_subcores=NS)

    @functools.partial(
        pl.kernel,
        out_type=jax.ShapeDtypeStruct((nb, hp, dp), dtype),
        mesh=mesh,
        scratch_types=[
            pltpu.VMEM((b_w // 2, 2 * h), jnp.int32),
            pltpu.VMEM((NBUF, 2 * h, d), dtype),
            [pltpu.SemaphoreType.DMA] * NBUF,
            [pltpu.SemaphoreType.DMA] * NBUF,
        ],
        compiler_params=pltpu.CompilerParams(use_tc_tiling_on_sc=False),
    )
    def run(tab_hbm, idx_hbm, out_hbm, idx_v, bufs, gsem, ssem):
        wid = lax.axis_index("s") * NC + lax.axis_index("c")
        b0 = wid * b_w
        pltpu.sync_copy(idx_hbm.at[pl.ds(wid * (b_w // 2), b_w // 2)], idx_v)

        def fire_gather(j, bf):
            pltpu.async_copy(
                tab_hbm.at[idx_v.at[j]], bufs.at[bf], gsem[bf])

        def wait_gather(j, bf):
            pltpu.make_async_copy(
                tab_hbm.at[idx_v.at[j]], bufs.at[bf], gsem[bf]).wait()

        def fire_out(j, bf):
            for e in range(2):
                pltpu.async_copy(
                    bufs.at[bf, pl.ds(e * h, h)],
                    out_hbm.at[b0 + 2 * j + e, pl.ds(0, h), pl.ds(0, d)],
                    ssem[bf])

        def wait_out(bf):
            for e in range(2):
                pltpu.make_async_copy(
                    bufs.at[bf, pl.ds(e * h, h)],
                    out_hbm.at[0, pl.ds(0, h), pl.ds(0, d)],
                    ssem[bf]).wait()

        for j in range(L):
            fire_gather(j, j % NBUF)

        for j in range(NBUF - L):
            wait_gather(j, j)
            fire_out(j, j)
            fire_gather(j + L, (j + L) % NBUF)

        g_lo = NBUF - L
        g_hi = b_w // 2 - L
        n_steady = ((g_hi - g_lo) // NBUF) * NBUF
        @pl.loop(0, n_steady // NBUF)
        def _step(t):
            for u in range(NBUF):
                j = g_lo + t * NBUF + u
                bf = (g_lo + u) % NBUF
                bn = (bf + L) % NBUF
                wait_gather(j, bf)
                fire_out(j, bf)
                wait_out(bn)
                fire_gather(j + L, bn)

        for j in range(g_lo + n_steady, b_w // 2):
            bf = j % NBUF
            wait_gather(j, bf)
            fire_out(j, bf)
            if j + L < b_w // 2:
                bn = (j + L) % NBUF
                wait_out(bn)
                fire_gather(j + L, bn)

        for bf in range(min(NBUF, b_w // 2)):
            wait_out(bf)

    return run


def kernel(x, table):
    nb, h = x.shape
    n, d = table.shape
    xi = x.reshape(nb // 2, 2 * h).astype(jnp.int32)
    q = _sc_gather(nb, h, d, table.dtype)(table, xi)
    return q[:, :h, :d]

# --- scband reference (transcript-rebuilt; emitter-appended) ---
"""Pipeline reference for scband-label-embed-model-90142773608527 (READ-ONLY COPY).

The authoritative reference and input builder live on the scoring server;
editing this copy changes nothing except your own understanding.
"""

import jax, jax.numpy as jnp
import numpy as np

N_LABELS = 1000000
EMB_DIM = 64
BATCH = 16384
HIST = 50

def setup_inputs(seed: int = 0) -> dict:
    key = jax.random.key(seed)
    k_idx, k_tab = jax.random.split(key)
    x = jax.random.randint(k_idx, (BATCH, HIST), 0, N_LABELS, dtype=jnp.int64)
    # LabelEmbedModel.init_weights uses torch.nn.init.eye_ on the embedding weight:
    # weight[i, j] = 1 if i == j else 0 (rectangular identity)
    rows = jnp.arange(N_LABELS, dtype=jnp.int32)
    table = jnp.zeros((N_LABELS, EMB_DIM), dtype=jnp.float32)
    diag_len = min(N_LABELS, EMB_DIM)
    table = table.at[jnp.arange(diag_len), jnp.arange(diag_len)].set(1.0)
    return {"x": x, "table": table}

def reference(x, table):
    # forward: dropout(embedding(x)); dropout is identity in eval/inference mode
    out = jnp.take(table, x, axis=0)
    return out

if __name__ == "__main__":
    import jax
    _d = setup_inputs()
    print(jax.jit(kernel)(*tuple(_d.values())))

</pallas_src>

<mosaic_0001>
#map = affine_map<(d0, d1) -> (0, 0)>
#map1 = affine_map<(d0, d1) -> (0, 0, 0)>
module attributes {stable_mosaic.version = 14 : i64} {
  func.func @run(%arg0: i32, %arg1: i32, %arg2: memref<1000000x64xf32, #tpu.memory_space<hbm>>, %arg3: memref<8192x100xi32, #tpu.memory_space<hbm>>, %arg4: memref<16384x56x128xf32, #tpu.memory_space<hbm>>, %arg5: memref<256x100xi32, #tpu.memory_space<vmem>>, %arg6: memref<8x100x64xf32, #tpu.memory_space<vmem>>, %arg7: memref<!tpu.dma_semaphore, #tpu.memory_space<semaphore_mem>>, %arg8: memref<!tpu.dma_semaphore, #tpu.memory_space<semaphore_mem>>, %arg9: memref<!tpu.dma_semaphore, #tpu.memory_space<semaphore_mem>>, %arg10: memref<!tpu.dma_semaphore, #tpu.memory_space<semaphore_mem>>, %arg11: memref<!tpu.dma_semaphore, #tpu.memory_space<semaphore_mem>>, %arg12: memref<!tpu.dma_semaphore, #tpu.memory_space<semaphore_mem>>, %arg13: memref<!tpu.dma_semaphore, #tpu.memory_space<semaphore_mem>>, %arg14: memref<!tpu.dma_semaphore, #tpu.memory_space<semaphore_mem>>, %arg15: memref<!tpu.dma_semaphore, #tpu.memory_space<semaphore_mem>>, %arg16: memref<!tpu.dma_semaphore, #tpu.memory_space<semaphore_mem>>, %arg17: memref<!tpu.dma_semaphore, #tpu.memory_space<semaphore_mem>>, %arg18: memref<!tpu.dma_semaphore, #tpu.memory_space<semaphore_mem>>, %arg19: memref<!tpu.dma_semaphore, #tpu.memory_space<semaphore_mem>>, %arg20: memref<!tpu.dma_semaphore, #tpu.memory_space<semaphore_mem>>, %arg21: memref<!tpu.dma_semaphore, #tpu.memory_space<semaphore_mem>>, %arg22: memref<!tpu.dma_semaphore, #tpu.memory_space<semaphore_mem>>) attributes {dimension_semantics = [#tpu.dimension_semantics<core_parallel>, #tpu.dimension_semantics<subcore_parallel>], iteration_bounds = array<i64: 2, 16>, scalar_prefetch = 0 : i64, scratch_operands = 18 : i64, tpu.core_type = #tpu.core_type<sc_vector_subcore>, window_params = [{transform_indices = #map}, {transform_indices = #map}, {transform_indices = #map1}]} {
    %mul3A = arith.constant 2 : i32
    %mul3A_0 = arith.muli %arg1, %mul3A : i32
    %add3A = arith.addi %mul3A_0, %arg0 : i32
    %mul3A_1 = arith.constant 512 : i32
    %mul3A_2 = arith.muli %add3A, %mul3A_1 : i32
    %mul3A_3 = arith.constant 256 : i32
    %mul3A_4 = arith.muli %add3A, %mul3A_3 : i32
    "tpu.region"() ({
      %run_scoped3A = tpu.sem_alloc : memref<!tpu.dma_semaphore, #tpu.memory_space<semaphore_mem>>
      %dma_start3A_823 = arith.constant 0 : i32
      %dma_start3A_824 = tpu.memref_slice %arg3[%mul3A_4, %dma_start3A_823] : memref<8192x100xi32, #tpu.memory_space<hbm>> -> memref<256x100xi32, #tpu.memory_space<hbm>>
      %dma_start3A_825 = arith.constant 0 : i32
      %dma_start3A_826 = tpu.memref_slice %arg3[%mul3A_4, %dma_start3A_825] : memref<8192x100xi32, #tpu.memory_space<hbm>> -> memref<256x100xi32, #tpu.memory_space<hbm>>
      tpu.enqueue_dma source(%dma_start3A_826 : memref<256x100xi32, #tpu.memory_space<hbm>>) target(%arg5 : memref<256x100xi32, #tpu.memory_space<vmem>>) target_semaphore(%run_scoped3A : memref<!tpu.dma_semaphore, #tpu.memory_space<semaphore_mem>>)
      %dma_wait3A_827 = arith.constant 0 : i32
      %dma_wait3A_828 = tpu.memref_slice %arg3[%mul3A_4, %dma_wait3A_827] : memref<8192x100xi32, #tpu.memory_space<hbm>> -> memref<256x100xi32, #tpu.memory_space<hbm>>
      %dma_wait3A_829 = arith.constant 0 : i32
      %dma_wait3A_830 = tpu.memref_slice %arg3[%mul3A_4, %dma_wait3A_829] : memref<8192x100xi32, #tpu.memory_space<hbm>> -> memref<256x100xi32, #tpu.memory_space<hbm>>
      tpu.wait_dma2 semaphore(%run_scoped3A : memref<!tpu.dma_semaphore, #tpu.memory_space<semaphore_mem>>) src(%dma_wait3A_830 : memref<256x100xi32, #tpu.memory_space<hbm>>) dst(%arg5 : memref<256x100xi32, #tpu.memory_space<vmem>>)
      tpu.yield
    }) : () -> ()
    %dma_start3A = arith.constant 0 : i32
    %dma_start3A_5 = arith.constant 0 : i32
    %dma_start3A_6 = arith.constant 0 : i32
    %dma_start3A_7 = arith.constant 0 : i32
    %dma_start3A_8 = tpu.memref_slice %arg6[%dma_start3A_5, %dma_start3A_6, %dma_start3A_7] : memref<8x100x64xf32, #tpu.memory_space<vmem>> -> memref<1x100x64xf32, #tpu.memory_space<vmem>>
    %dma_start3A_9 = tpu.memref_squeeze %dma_start3A_8 : memref<1x100x64xf32, #tpu.memory_space<vmem>> -> memref<100x64xf32, #tpu.memory_space<vmem>>
    %dma_start3A_10 = arith.constant 0 : i32
    %dma_start3A_11 = tpu.memref_slice %arg5[%dma_start3A, %dma_start3A_10] : memref<256x100xi32, #tpu.memory_space<vmem>> -> memref<1x100xi32, #tpu.memory_space<vmem>>
    %dma_start3A_12 = tpu.memref_squeeze %dma_start3A_11 : memref<1x100xi32, #tpu.memory_space<vmem>> -> memref<100xi32, #tpu.memory_space<vmem>>
    %dma_start3A_13 = arith.constant 0 : i32
    %dma_start3A_14 = arith.constant 0 : i32
    %dma_start3A_15 = tpu.memref_slice %arg2[%dma_start3A_13, %dma_start3A_14] : memref<1000000x64xf32, #tpu.memory_space<hbm>> -> memref<1000000x64xf32, #tpu.memory_space<hbm>>
    tpu.enqueue_indirect_dma source(%dma_start3A_15 : memref<1000000x64xf32, #tpu.memory_space<hbm>>) target(%dma_start3A_9 : memref<100x64xf32, #tpu.memory_space<vmem>>) offsets(%dma_start3A_12 : memref<100xi32, #tpu.memory_space<vmem>>) semaphore(%arg7 : memref<!tpu.dma_semaphore, #tpu.memory_space<semaphore_mem>>)
    %dma_start3A_16 = arith.constant 1 : i32
    %dma_start3A_17 = arith.constant 1 : i32
    %dma_start3A_18 = arith.constant 0 : i32
    %dma_start3A_19 = arith.constant 0 : i32
    %dma_start3A_20 = tpu.memref_slice %arg6[%dma_start3A_17, %dma_start3A_18, %dma_start3A_19] : memref<8x100x64xf32, #tpu.memory_space<vmem>> -> memref<1x100x64xf32, #tpu.memory_space<vmem>>
    %dma_start3A_21 = tpu.memref_squeeze %dma_start3A_20 : memref<1x100x64xf32, #tpu.memory_space<vmem>> -> memref<100x64xf32, #tpu.memory_space<vmem>>
    %dma_start3A_22 = arith.constant 0 : i32
    %dma_start3A_23 = tpu.memref_slice %arg5[%dma_start3A_16, %dma_start3A_22] : memref<256x100xi32, #tpu.memory_space<vmem>> -> memref<1x100xi32, #tpu.memory_space<vmem>>
    %dma_start3A_24 = tpu.memref_squeeze %dma_start3A_23 : memref<1x100xi32, #tpu.memory_space<vmem>> -> memref<100xi32, #tpu.memory_space<vmem>>
    %dma_start3A_25 = arith.constant 0 : i32
    %dma_start3A_26 = arith.constant 0 : i32
    %dma_start3A_27 = tpu.memref_slice %arg2[%dma_start3A_25, %dma_start3A_26] : memref<1000000x64xf32, #tpu.memory_space<hbm>> -> memref<1000000x64xf32, #tpu.memory_space<hbm>>
    tpu.enqueue_indirect_dma source(%dma_start3A_27 : memref<1000000x64xf32, #tpu.memory_space<hbm>>) target(%dma_start3A_21 : memref<100x64xf32, #tpu.memory_space<vmem>>) offsets(%dma_start3A_24 : memref<100xi32, #tpu.memory_space<vmem>>) semaphore(%arg8 : memref<!tpu.dma_semaphore, #tpu.memory_space<semaphore_mem>>)
    %dma_start3A_28 = arith.constant 2 : i32
    %dma_start3A_29 = arith.constant 2 : i32
    %dma_start3A_30 = arith.constant 0 : i32
    %dma_start3A_31 = arith.constant 0 : i32
    %dma_start3A_32 = tpu.memref_slice %arg6[%dma_start3A_29, %dma_start3A_30, %dma_start3A_31] : memref<8x100x64xf32, #tpu.memory_space<vmem>> -> memref<1x100x64xf32, #tpu.memory_space<vmem>>
    %dma_start3A_33 = tpu.memref_squeeze %dma_start3A_32 : memref<1x100x64xf32, #tpu.memory_space<vmem>> -> memref<100x64xf32, #tpu.memory_space<vmem>>
    %dma_start3A_34 = arith.constant 0 : i32
    %dma_start3A_35 = tpu.memref_slice %arg5[%dma_start3A_28, %dma_start3A_34] : memref<256x100xi32, #tpu.memory_space<vmem>> -> memref<1x100xi32, #tpu.memory_space<vmem>>
    %dma_start3A_36 = tpu.memref_squeeze %dma_start3A_35 : memref<1x100xi32, #tpu.memory_space<vmem>> -> memref<100xi32, #tpu.memory_space<vmem>>
    %dma_start3A_37 = arith.constant 0 : i32
    %dma_start3A_38 = arith.constant 0 : i32
    %dma_start3A_39 = tpu.memref_slice %arg2[%dma_start3A_37, %dma_start3A_38] : memref<1000000x64xf32, #tpu.memory_space<hbm>> -> memref<1000000x64xf32, #tpu.memory_space<hbm>>
    tpu.enqueue_indirect_dma source(%dma_start3A_39 : memref<1000000x64xf32, #tpu.memory_space<hbm>>) target(%dma_start3A_33 : memref<100x64xf32, #tpu.memory_space<vmem>>) offsets(%dma_start3A_36 : memref<100xi32, #tpu.memory_space<vmem>>) semaphore(%arg9 : memref<!tpu.dma_semaphore, #tpu.memory_space<semaphore_mem>>)
    %dma_start3A_40 = arith.constant 3 : i32
    %dma_start3A_41 = arith.constant 3 : i32
    %dma_start3A_42 = arith.constant 0 : i32
    %dma_start3A_43 = arith.constant 0 : i32
    %dma_start3A_44 = tpu.memref_slice %arg6[%dma_start3A_41, %dma_start3A_42, %dma_start3A_43] : memref<8x100x64xf32, #tpu.memory_space<vmem>> -> memref<1x100x64xf32, #tpu.memory_space<vmem>>
    %dma_start3A_45 = tpu.memref_squeeze %dma_start3A_44 : memref<1x100x64xf32, #tpu.memory_space<vmem>> -> memref<100x64xf32, #tpu.memory_space<vmem>>
    %dma_start3A_46 = arith.constant 0 : i32
    %dma_start3A_47 = tpu.memref_slice %arg5[%dma_start3A_40, %dma_start3A_46] : memref<256x100xi32, #tpu.memory_space<vmem>> -> memref<1x100xi32, #tpu.memory_space<vmem>>
    %dma_start3A_48 = tpu.memref_squeeze %dma_start3A_47 : memref<1x100xi32, #tpu.memory_space<vmem>> -> memref<100xi32, #tpu.memory_space<vmem>>
    %dma_start3A_49 = arith.constant 0 : i32
    %dma_start3A_50 = arith.constant 0 : i32
    %dma_start3A_51 = tpu.memref_slice %arg2[%dma_start3A_49, %dma_start3A_50] : memref<1000000x64xf32, #tpu.memory_space<hbm>> -> memref<1000000x64xf32, #tpu.memory_space<hbm>>
    tpu.enqueue_indirect_dma source(%dma_start3A_51 : memref<1000000x64xf32, #tpu.memory_space<hbm>>) target(%dma_start3A_45 : memref<100x64xf32, #tpu.memory_space<vmem>>) offsets(%dma_start3A_48 : memref<100xi32, #tpu.memory_space<vmem>>) semaphore(%arg10 : memref<!tpu.dma_semaphore, #tpu.memory_space<semaphore_mem>>)
    %dma_start3A_52 = arith.constant 4 : i32
    %dma_start3A_53 = arith.constant 4 : i32
    %dma_start3A_54 = arith.constant 0 : i32
    %dma_start3A_55 = arith.constant 0 : i32
    %dma_start3A_56 = tpu.memref_slice %arg6[%dma_start3A_53, %dma_start3A_54, %dma_start3A_55] : memref<8x100x64xf32, #tpu.memory_space<vmem>> -> memref<1x100x64xf32, #tpu.memory_space<vmem>>
    %dma_start3A_57 = tpu.memref_squeeze %dma_start3A_56 : memref<1x100x64xf32, #tpu.memory_space<vmem>> -> memref<100x64xf32, #tpu.memory_space<vmem>>
    %dma_start3A_58 = arith.constant 0 : i32
    %dma_start3A_59 = tpu.memref_slice %arg5[%dma_start3A_52, %dma_start3A_58] : memref<256x100xi32, #tpu.memory_space<vmem>> -> memref<1x100xi32, #tpu.memory_space<vmem>>
    %dma_start3A_60 = tpu.memref_squeeze %dma_start3A_59 : memref<1x100xi32, #tpu.memory_space<vmem>> -> memref<100xi32, #tpu.memory_space<vmem>>
    %dma_start3A_61 = arith.constant 0 : i32
    %dma_start3A_62 = arith.constant 0 : i32
    %dma_start3A_63 = tpu.memref_slice %arg2[%dma_start3A_61, %dma_start3A_62] : memref<1000000x64xf32, #tpu.memory_space<hbm>> -> memref<1000000x64xf32, #tpu.memory_space<hbm>>
    tpu.enqueue_indirect_dma source(%dma_start3A_63 : memref<1000000x64xf32, #tpu.memory_space<hbm>>) target(%dma_start3A_57 : memref<100x64xf32, #tpu.memory_space<vmem>>) offsets(%dma_start3A_60 : memref<100xi32, #tpu.memory_space<vmem>>) semaphore(%arg11 : memref<!tpu.dma_semaphore, #tpu.memory_space<semaphore_mem>>)
    %dma_start3A_64 = arith.constant 5 : i32
    %dma_start3A_65 = arith.constant 5 : i32
    %dma_start3A_66 = arith.constant 0 : i32
    %dma_start3A_67 = arith.constant 0 : i32
    %dma_start3A_68 = tpu.memref_slice %arg6[%dma_start3A_65, %dma_start3A_66, %dma_start3A_67] : memref<8x100x64xf32, #tpu.memory_space<vmem>> -> memref<1x100x64xf32, #tpu.memory_space<vmem>>
    %dma_start3A_69 = tpu.memref_squeeze %dma_start3A_68 : memref<1x100x64xf32, #tpu.memory_space<vmem>> -> memref<100x64xf32, #tpu.memory_space<vmem>>
    %dma_start3A_70 = arith.constant 0 : i32
    %dma_start3A_71 = tpu.memref_slice %arg5[%dma_start3A_64, %dma_start3A_70] : memref<256x100xi32, #tpu.memory_space<vmem>> -> memref<1x100xi32, #tpu.memory_space<vmem>>
    %dma_start3A_72 = tpu.memref_squeeze %dma_start3A_71 : memref<1x100xi32, #tpu.memory_space<vmem>> -> memref<100xi32, #tpu.memory_space<vmem>>
    %dma_start3A_73 = arith.constant 0 : i32
    %dma_start3A_74 = arith.constant 0 : i32
    %dma_start3A_75 = tpu.memref_slice %arg2[%dma_start3A_73, %dma_start3A_74] : memref<1000000x64xf32, #tpu.memory_space<hbm>> -> memref<1000000x64xf32, #tpu.memory_space<hbm>>
    tpu.enqueue_indirect_dma source(%dma_start3A_75 : memref<1000000x64xf32, #tpu.memory_space<hbm>>) target(%dma_start3A_69 : memref<100x64xf32, #tpu.memory_space<vmem>>) offsets(%dma_start3A_72 : memref<100xi32, #tpu.memory_space<vmem>>) semaphore(%arg12 : memref<!tpu.dma_semaphore, #tpu.memory_space<semaphore_mem>>)
    %dma_wait3A = arith.constant 0 : i32
    %dma_wait3A_76 = arith.constant 0 : i32
    %dma_wait3A_77 = arith.constant 0 : i32
    %dma_wait3A_78 = arith.constant 0 : i32
    %dma_wait3A_79 = tpu.memref_slice %arg6[%dma_wait3A_76, %dma_wait3A_77, %dma_wait3A_78] : memref<8x100x64xf32, #tpu.memory_space<vmem>> -> memref<1x100x64xf32, #tpu.memory_space<vmem>>
    %dma_wait3A_80 = tpu.memref_squeeze %dma_wait3A_79 : memref<1x100x64xf32, #tpu.memory_space<vmem>> -> memref<100x64xf32, #tpu.memory_space<vmem>>
    %dma_wait3A_81 = arith.constant 0 : i32
    %dma_wait3A_82 = tpu.memref_slice %arg5[%dma_wait3A, %dma_wait3A_81] : memref<256x100xi32, #tpu.memory_space<vmem>> -> memref<1x100xi32, #tpu.memory_space<vmem>>
    %dma_wait3A_83 = tpu.memref_squeeze %dma_wait3A_82 : memref<1x100xi32, #tpu.memory_space<vmem>> -> memref<100xi32, #tpu.memory_space<vmem>>
    %dma_wait3A_84 = arith.constant 0 : i32
    %dma_wait3A_85 = arith.constant 0 : i32
    %dma_wait3A_86 = tpu.memref_slice %arg2[%dma_wait3A_84, %dma_wait3A_85] : memref<1000000x64xf32, #tpu.memory_space<hbm>> -> memref<1000000x64xf32, #tpu.memory_space<hbm>>
    tpu.wait_indirect_dma semaphore(%arg7 : memref<!tpu.dma_semaphore, #tpu.memory_space<semaphore_mem>>) src(%dma_wait3A_86 : memref<1000000x64xf32, #tpu.memory_space<hbm>>) dst(%dma_wait3A_80 : memref<100x64xf32, #tpu.memory_space<vmem>>)
    %add3A_87 = arith.constant 0 : i32
    %add3A_88 = arith.addi %mul3A_2, %add3A_87 : i32
    %add3A_89 = arith.constant 0 : i32
    %add3A_90 = arith.addi %add3A_88, %add3A_89 : i32
    %dma_start3A_91 = arith.constant 0 : i32
    %dma_start3A_92 = arith.constant 0 : i32
    %dma_start3A_93 = arith.constant 0 : i32
    %dma_start3A_94 = tpu.memref_slice %arg6[%dma_start3A_91, %dma_start3A_92, %dma_start3A_93] : memref<8x100x64xf32, #tpu.memory_space<vmem>> -> memref<1x50x64xf32, #tpu.memory_space<vmem>>
    %dma_start3A_95 = tpu.memref_squeeze %dma_start3A_94 : memref<1x50x64xf32, #tpu.memory_space<vmem>> -> memref<50x64xf32, #tpu.memory_space<vmem>>
    %dma_start3A_96 = arith.constant 0 : i32
    %dma_start3A_97 = arith.constant 0 : i32
    %dma_start3A_98 = tpu.memref_slice %arg4[%add3A_90, %dma_start3A_96, %dma_start3A_97] : memref<16384x56x128xf32, #tpu.memory_space<hbm>> -> memref<1x50x64xf32, #tpu.memory_space<hbm>>
    %dma_start3A_99 = tpu.memref_squeeze %dma_start3A_98 : memref<1x50x64xf32, #tpu.memory_space<hbm>> -> memref<50x64xf32, #tpu.memory_space<hbm>>
    %dma_start3A_100 = arith.constant 0 : i32
    %dma_start3A_101 = arith.constant 0 : i32
    %dma_start3A_102 = tpu.memref_slice %arg4[%add3A_90, %dma_start3A_100, %dma_start3A_101] : memref<16384x56x128xf32, #tpu.memory_space<hbm>> -> memref<1x50x64xf32, #tpu.memory_space<hbm>>
    %dma_start3A_103 = tpu.memref_squeeze %dma_start3A_102 : memref<1x50x64xf32, #tpu.memory_space<hbm>> -> memref<50x64xf32, #tpu.memory_space<hbm>>
    %dma_start3A_104 = arith.constant 0 : i32
    %dma_start3A_105 = arith.constant 0 : i32
    %dma_start3A_106 = tpu.memref_slice %arg6[%dma_start3A_91, %dma_start3A_104, %dma_start3A_105] : memref<8x100x64xf32, #tpu.memory_space<vmem>> -> memref<1x50x64xf32, #tpu.memory_space<vmem>>
    %dma_start3A_107 = tpu.memref_squeeze %dma_start3A_106 : memref<1x50x64xf32, #tpu.memory_space<vmem>> -> memref<50x64xf32, #tpu.memory_space<vmem>>
    tpu.enqueue_dma source(%dma_start3A_107 : memref<50x64xf32, #tpu.memory_space<vmem>>) target(%dma_start3A_103 : memref<50x64xf32, #tpu.memory_space<hbm>>) target_semaphore(%arg15 : memref<!tpu.dma_semaphore, #tpu.memory_space<semaphore_mem>>)
    %add3A_108 = arith.constant 0 : i32
    %add3A_109 = arith.addi %mul3A_2, %add3A_108 : i32
    %add3A_110 = arith.constant 1 : i32
    %add3A_111 = arith.addi %add3A_109, %add3A_110 : i32
    %dma_start3A_112 = arith.constant 0 : i32
    %dma_start3A_113 = arith.constant 50 : i32
    %dma_start3A_114 = arith.constant 0 : i32
    %dma_start3A_115 = tpu.memref_slice %arg6[%dma_start3A_112, %dma_start3A_113, %dma_start3A_114] : memref<8x100x64xf32, #tpu.memory_space<vmem>> -> memref<1x50x64xf32, #tpu.memory_space<vmem>>
    %dma_start3A_116 = tpu.memref_squeeze %dma_start3A_115 : memref<1x50x64xf32, #tpu.memory_space<vmem>> -> memref<50x64xf32, #tpu.memory_space<vmem>>
    %dma_start3A_117 = arith.constant 0 : i32
    %dma_start3A_118 = arith.constant 0 : i32
    %dma_start3A_119 = tpu.memref_slice %arg4[%add3A_111, %dma_start3A_117, %dma_start3A_118] : memref<16384x56x128xf32, #tpu.memory_space<hbm>> -> memref<1x50x64xf32, #tpu.memory_space<hbm>>
    %dma_start3A_120 = tpu.memref_squeeze %dma_start3A_119 : memref<1x50x64xf32, #tpu.memory_space<hbm>> -> memref<50x64xf32, #tpu.memory_space<hbm>>
    %dma_start3A_121 = arith.constant 0 : i32
    %dma_start3A_122 = arith.constant 0 : i32
    %dma_start3A_123 = tpu.memref_slice %arg4[%add3A_111, %dma_start3A_121, %dma_start3A_122] : memref<16384x56x128xf32, #tpu.memory_space<hbm>> -> memref<1x50x64xf32, #tpu.memory_space<hbm>>
    %dma_start3A_124 = tpu.memref_squeeze %dma_start3A_123 : memref<1x50x64xf32, #tpu.memory_space<hbm>> -> memref<50x64xf32, #tpu.memory_space<hbm>>
    %dma_start3A_125 = arith.constant 50 : i32
    %dma_start3A_126 = arith.constant 0 : i32
    %dma_start3A_127 = tpu.memref_slice %arg6[%dma_start3A_112, %dma_start3A_125, %dma_start3A_126] : memref<8x100x64xf32, #tpu.memory_space<vmem>> -> memref<1x50x64xf32, #tpu.memory_space<vmem>>
    %dma_start3A_128 = tpu.memref_squeeze %dma_start3A_127 : memref<1x50x64xf32, #tpu.memory_space<vmem>> -> memref<50x64xf32, #tpu.memory_space<vmem>>
    tpu.enqueue_dma source(%dma_start3A_128 : memref<50x64xf32, #tpu.memory_space<vmem>>) target(%dma_start3A_124 : memref<50x64xf32, #tpu.memory_space<hbm>>) target_semaphore(%arg15 : memref<!tpu.dma_semaphore, #tpu.memory_space<semaphore_mem>>)
    %dma_start3A_129 = arith.constant 6 : i32
    %dma_start3A_130 = arith.constant 6 : i32
    %dma_start3A_131 = arith.constant 0 : i32
    %dma_start3A_132 = arith.constant 0 : i32
    %dma_start3A_133 = tpu.memref_slice %arg6[%dma_start3A_130, %dma_start3A_131, %dma_start3A_132] : memref<8x100x64xf32, #tpu.memory_space<vmem>> -> memref<1x100x64xf32, #tpu.memory_space<vmem>>
    %dma_start3A_134 = tpu.memref_squeeze %dma_start3A_133 : memref<1x100x64xf32, #tpu.memory_space<vmem>> -> memref<100x64xf32, #tpu.memory_space<vmem>>
    %dma_start3A_135 = arith.constant 0 : i32
    %dma_start3A_136 = tpu.memref_slice %arg5[%dma_start3A_129, %dma_start3A_135] : memref<256x100xi32, #tpu.memory_space<vmem>> -> memref<1x100xi32, #tpu.memory_space<vmem>>
    %dma_start3A_137 = tpu.memref_squeeze %dma_start3A_136 : memref<1x100xi32, #tpu.memory_space<vmem>> -> memref<100xi32, #tpu.memory_space<vmem>>
    %dma_start3A_138 = arith.constant 0 : i32
    %dma_start3A_139 = arith.constant 0 : i32
    %dma_start3A_140 = tpu.memref_slice %arg2[%dma_start3A_138, %dma_start3A_139] : memref<1000000x64xf32, #tpu.memory_space<hbm>> -> memref<1000000x64xf32, #tpu.memory_space<hbm>>
    tpu.enqueue_indirect_dma source(%dma_start3A_140 : memref<1000000x64xf32, #tpu.memory_space<hbm>>) target(%dma_start3A_134 : memref<100x64xf32, #tpu.memory_space<vmem>>) offsets(%dma_start3A_137 : memref<100xi32, #tpu.memory_space<vmem>>) semaphore(%arg13 : memref<!tpu.dma_semaphore, #tpu.memory_space<semaphore_mem>>)
    %dma_wait3A_141 = arith.constant 1 : i32
    %dma_wait3A_142 = arith.constant 1 : i32
    %dma_wait3A_143 = arith.constant 0 : i32
    %dma_wait3A_144 = arith.constant 0 : i32
    %dma_wait3A_145 = tpu.memref_slice %arg6[%dma_wait3A_142, %dma_wait3A_143, %dma_wait3A_144] : memref<8x100x64xf32, #tpu.memory_space<vmem>> -> memref<1x100x64xf32, #tpu.memory_space<vmem>>
    %dma_wait3A_146 = tpu.memref_squeeze %dma_wait3A_145 : memref<1x100x64xf32, #tpu.memory_space<vmem>> -> memref<100x64xf32, #tpu.memory_space<vmem>>
    %dma_wait3A_147 = arith.constant 0 : i32
    %dma_wait3A_148 = tpu.memref_slice %arg5[%dma_wait3A_141, %dma_wait3A_147] : memref<256x100xi32, #tpu.memory_space<vmem>> -> memref<1x100xi32, #tpu.memory_space<vmem>>
    %dma_wait3A_149 = tpu.memref_squeeze %dma_wait3A_148 : memref<1x100xi32, #tpu.memory_space<vmem>> -> memref<100xi32, #tpu.memory_space<vmem>>
    %dma_wait3A_150 = arith.constant 0 : i32
    %dma_wait3A_151 = arith.constant 0 : i32
    %dma_wait3A_152 = tpu.memref_slice %arg2[%dma_wait3A_150, %dma_wait3A_151] : memref<1000000x64xf32, #tpu.memory_space<hbm>> -> memref<1000000x64xf32, #tpu.memory_space<hbm>>
    tpu.wait_indirect_dma semaphore(%arg8 : memref<!tpu.dma_semaphore, #tpu.memory_space<semaphore_mem>>) src(%dma_wait3A_152 : memref<1000000x64xf32, #tpu.memory_space<hbm>>) dst(%dma_wait3A_146 : memref<100x64xf32, #tpu.memory_space<vmem>>)
    %add3A_153 = arith.constant 2 : i32
    %add3A_154 = arith.addi %mul3A_2, %add3A_153 : i32
    %add3A_155 = arith.constant 0 : i32
    %add3A_156 = arith.addi %add3A_154, %add3A_155 : i32
    %dma_start3A_157 = arith.constant 1 : i32
    %dma_start3A_158 = arith.constant 0 : i32
    %dma_start3A_159 = arith.constant 0 : i32
    %dma_start3A_160 = tpu.memref_slice %arg6[%dma_start3A_157, %dma_start3A_158, %dma_start3A_159] : memref<8x100x64xf32, #tpu.memory_space<vmem>> -> memref<1x50x64xf32, #tpu.memory_space<vmem>>
    %dma_start3A_161 = tpu.memref_squeeze %dma_start3A_160 : memref<1x50x64xf32, #tpu.memory_space<vmem>> -> memref<50x64xf32, #tpu.memory_space<vmem>>
    %dma_start3A_162 = arith.constant 0 : i32
    %dma_start3A_163 = arith.constant 0 : i32
    %dma_start3A_164 = tpu.memref_slice %arg4[%add3A_156, %dma_start3A_162, %dma_start3A_163] : memref<16384x56x128xf32, #tpu.memory_space<hbm>> -> memref<1x50x64xf32, #tpu.memory_space<hbm>>
    %dma_start3A_165 = tpu.memref_squeeze %dma_start3A_164 : memref<1x50x64xf32, #tpu.memory_space<hbm>> -> memref<50x64xf32, #tpu.memory_space<hbm>>
    %dma_start3A_166 = arith.constant 0 : i32
    %dma_start3A_167 = arith.constant 0 : i32
    %dma_start3A_168 = tpu.memref_slice %arg4[%add3A_156, %dma_start3A_166, %dma_start3A_167] : memref<16384x56x128xf32, #tpu.memory_space<hbm>> -> memref<1x50x64xf32, #tpu.memory_space<hbm>>
    %dma_start3A_169 = tpu.memref_squeeze %dma_start3A_168 : memref<1x50x64xf32, #tpu.memory_space<hbm>> -> memref<50x64xf32, #tpu.memory_space<hbm>>
    %dma_start3A_170 = arith.constant 0 : i32
    %dma_start3A_171 = arith.constant 0 : i32
    %dma_start3A_172 = tpu.memref_slice %arg6[%dma_start3A_157, %dma_start3A_170, %dma_start3A_171] : memref<8x100x64xf32, #tpu.memory_space<vmem>> -> memref<1x50x64xf32, #tpu.memory_space<vmem>>
    %dma_start3A_173 = tpu.memref_squeeze %dma_start3A_172 : memref<1x50x64xf32, #tpu.memory_space<vmem>> -> memref<50x64xf32, #tpu.memory_space<vmem>>
    tpu.enqueue_dma source(%dma_start3A_173 : memref<50x64xf32, #tpu.memory_space<vmem>>) target(%dma_start3A_169 : memref<50x64xf32, #tpu.memory_space<hbm>>) target_semaphore(%arg16 : memref<!tpu.dma_semaphore, #tpu.memory_space<semaphore_mem>>)
    %add3A_174 = arith.constant 2 : i32
    %add3A_175 = arith.addi %mul3A_2, %add3A_174 : i32
    %add3A_176 = arith.constant 1 : i32
    %add3A_177 = arith.addi %add3A_175, %add3A_176 : i32
    %dma_start3A_178 = arith.constant 1 : i32
    %dma_start3A_179 = arith.constant 50 : i32
    %dma_start3A_180 = arith.constant 0 : i32
    %dma_start3A_181 = tpu.memref_slice %arg6[%dma_start3A_178, %dma_start3A_179, %dma_start3A_180] : memref<8x100x64xf32, #tpu.memory_space<vmem>> -> memref<1x50x64xf32, #tpu.memory_space<vmem>>
    %dma_start3A_182 = tpu.memref_squeeze %dma_start3A_181 : memref<1x50x64xf32, #tpu.memory_space<vmem>> -> memref<50x64xf32, #tpu.memory_space<vmem>>
    %dma_start3A_183 = arith.constant 0 : i32
    %dma_start3A_184 = arith.constant 0 : i32
    %dma_start3A_185 = tpu.memref_slice %arg4[%add3A_177, %dma_start3A_183, %dma_start3A_184] : memref<16384x56x128xf32, #tpu.memory_space<hbm>> -> memref<1x50x64xf32, #tpu.memory_space<hbm>>
    %dma_start3A_186 = tpu.memref_squeeze %dma_start3A_185 : memref<1x50x64xf32, #tpu.memory_space<hbm>> -> memref<50x64xf32, #tpu.memory_space<hbm>>
    %dma_start3A_187 = arith.constant 0 : i32
    %dma_start3A_188 = arith.constant 0 : i32
    %dma_start3A_189 = tpu.memref_slice %arg4[%add3A_177, %dma_start3A_187, %dma_start3A_188] : memref<16384x56x128xf32, #tpu.memory_space<hbm>> -> memref<1x50x64xf32, #tpu.memory_space<hbm>>
    %dma_start3A_190 = tpu.memref_squeeze %dma_start3A_189 : memref<1x50x64xf32, #tpu.memory_space<hbm>> -> memref<50x64xf32, #tpu.memory_space<hbm>>
    %dma_start3A_191 = arith.constant 50 : i32
    %dma_start3A_192 = arith.constant 0 : i32
    %dma_start3A_193 = tpu.memref_slice %arg6[%dma_start3A_178, %dma_start3A_191, %dma_start3A_192] : memref<8x100x64xf32, #tpu.memory_space<vmem>> -> memref<1x50x64xf32, #tpu.memory_space<vmem>>
    %dma_start3A_194 = tpu.memref_squeeze %dma_start3A_193 : memref<1x50x64xf32, #tpu.memory_space<vmem>> -> memref<50x64xf32, #tpu.memory_space<vmem>>
    tpu.enqueue_dma source(%dma_start3A_194 : memref<50x64xf32, #tpu.memory_space<vmem>>) target(%dma_start3A_190 : memref<50x64xf32, #tpu.memory_space<hbm>>) target_semaphore(%arg16 : memref<!tpu.dma_semaphore, #tpu.memory_space<semaphore_mem>>)
    %dma_start3A_195 = arith.constant 7 : i32
    %dma_start3A_196 = arith.constant 7 : i32
    %dma_start3A_197 = arith.constant 0 : i32
    %dma_start3A_198 = arith.constant 0 : i32
    %dma_start3A_199 = tpu.memref_slice %arg6[%dma_start3A_196, %dma_start3A_197, %dma_start3A_198] : memref<8x100x64xf32, #tpu.memory_space<vmem>> -> memref<1x100x64xf32, #tpu.memory_space<vmem>>
    %dma_start3A_200 = tpu.memref_squeeze %dma_start3A_199 : memref<1x100x64xf32, #tpu.memory_space<vmem>> -> memref<100x64xf32, #tpu.memory_space<vmem>>
    %dma_start3A_201 = arith.constant 0 : i32
    %dma_start3A_202 = tpu.memref_slice %arg5[%dma_start3A_195, %dma_start3A_201] : memref<256x100xi32, #tpu.memory_space<vmem>> -> memref<1x100xi32, #tpu.memory_space<vmem>>
    %dma_start3A_203 = tpu.memref_squeeze %dma_start3A_202 : memref<1x100xi32, #tpu.memory_space<vmem>> -> memref<100xi32, #tpu.memory_space<vmem>>
    %dma_start3A_204 = arith.constant 0 : i32
    %dma_start3A_205 = arith.constant 0 : i32
    %dma_start3A_206 = tpu.memref_slice %arg2[%dma_start3A_204, %dma_start3A_205] : memref<1000000x64xf32, #tpu.memory_space<hbm>> -> memref<1000000x64xf32, #tpu.memory_space<hbm>>
    tpu.enqueue_indirect_dma source(%dma_start3A_206 : memref<1000000x64xf32, #tpu.memory_space<hbm>>) target(%dma_start3A_200 : memref<100x64xf32, #tpu.memory_space<vmem>>) offsets(%dma_start3A_203 : memref<100xi32, #tpu.memory_space<vmem>>) semaphore(%arg14 : memref<!tpu.dma_semaphore, #tpu.memory_space<semaphore_mem>>)
    %scan3A = arith.constant 0 : i32
    %scan3A_207 = arith.constant 31 : i32
    %scan3A_208 = arith.addi %scan3A, %scan3A_207 : i32
    %scan3A_209 = arith.constant 1 : i32
    scf.for %scan3A_823 = %scan3A to %scan3A_208 step %scan3A_209  : i32 {
      %mul3A_824 = arith.constant 1 : i32
      %mul3A_825 = arith.muli %scan3A_823, %mul3A_824 : i32
      %add3A_826 = arith.constant 0 : i32
      %add3A_827 = arith.addi %add3A_826, %mul3A_825 : i32
      %mul3A_828 = arith.constant 8 : i32
      %mul3A_829 = arith.muli %add3A_827, %mul3A_828 : i32
      %add3A_830 = arith.constant 2 : i32
      %add3A_831 = arith.addi %add3A_830, %mul3A_829 : i32
      %add3A_832 = arith.constant 0 : i32
      %add3A_833 = arith.addi %add3A_831, %add3A_832 : i32
      %dma_wait3A_834 = arith.constant 2 : i32
      %dma_wait3A_835 = arith.constant 0 : i32
      %dma_wait3A_836 = arith.constant 0 : i32
      %dma_wait3A_837 = tpu.memref_slice %arg6[%dma_wait3A_834, %dma_wait3A_835, %dma_wait3A_836] : memref<8x100x64xf32, #tpu.memory_space<vmem>> -> memref<1x100x64xf32, #tpu.memory_space<vmem>>
      %dma_wait3A_838 = tpu.memref_squeeze %dma_wait3A_837 : memref<1x100x64xf32, #tpu.memory_space<vmem>> -> memref<100x64xf32, #tpu.memory_space<vmem>>
      %dma_wait3A_839 = arith.constant 0 : i32
      %dma_wait3A_840 = tpu.memref_slice %arg5[%add3A_833, %dma_wait3A_839] : memref<256x100xi32, #tpu.memory_space<vmem>> -> memref<1x100xi32, #tpu.memory_space<vmem>>
      %dma_wait3A_841 = tpu.memref_squeeze %dma_wait3A_840 : memref<1x100xi32, #tpu.memory_space<vmem>> -> memref<100xi32, #tpu.memory_space<vmem>>
      %dma_wait3A_842 = arith.constant 0 : i32
      %dma_wait3A_843 = arith.constant 0 : i32
      %dma_wait3A_844 = tpu.memref_slice %arg2[%dma_wait3A_842, %dma_wait3A_843] : memref<1000000x64xf32, #tpu.memory_space<hbm>> -> memref<1000000x64xf32, #tpu.memory_space<hbm>>
      tpu.wait_indirect_dma semaphore(%arg9 : memref<!tpu.dma_semaphore, #tpu.memory_space<semaphore_mem>>) src(%dma_wait3A_844 : memref<1000000x64xf32, #tpu.memory_space<hbm>>) dst(%dma_wait3A_838 : memref<100x64xf32, #tpu.memory_space<vmem>>)
      %mul3A_845 = arith.constant 2 : i32
      %mul3A_846 = arith.muli %mul3A_845, %add3A_833 : i32
      %add3A_847 = arith.addi %mul3A_2, %mul3A_846 : i32
      %add3A_848 = arith.constant 0 : i32
      %add3A_849 = arith.addi %add3A_847, %add3A_848 : i32
      %dma_start3A_850 = arith.constant 2 : i32
      %dma_start3A_851 = arith.constant 0 : i32
      %dma_start3A_852 = arith.constant 0 : i32
      %dma_start3A_853 = tpu.memref_slice %arg6[%dma_start3A_850, %dma_start3A_851, %dma_start3A_852] : memref<8x100x64xf32, #tpu.memory_space<vmem>> -> memref<1x50x64xf32, #tpu.memory_space<vmem>>
      %dma_start3A_854 = tpu.memref_squeeze %dma_start3A_853 : memref<1x50x64xf32, #tpu.memory_space<vmem>> -> memref<50x64xf32, #tpu.memory_space<vmem>>
      %dma_start3A_855 = arith.constant 0 : i32
      %dma_start3A_856 = arith.constant 0 : i32
      %dma_start3A_857 = tpu.memref_slice %arg4[%add3A_849, %dma_start3A_855, %dma_start3A_856] : memref<16384x56x128xf32, #tpu.memory_space<hbm>> -> memref<1x50x64xf32, #tpu.memory_space<hbm>>
      %dma_start3A_858 = tpu.memref_squeeze %dma_start3A_857 : memref<1x50x64xf32, #tpu.memory_space<hbm>> -> memref<50x64xf32, #tpu.memory_space<hbm>>
      %dma_start3A_859 = arith.constant 0 : i32
      %dma_start3A_860 = arith.constant 0 : i32
      %dma_start3A_861 = tpu.memref_slice %arg4[%add3A_849, %dma_start3A_859, %dma_start3A_860] : memref<16384x56x128xf32, #tpu.memory_space<hbm>> -> memref<1x50x64xf32, #tpu.memory_space<hbm>>
      %dma_start3A_862 = tpu.memref_squeeze %dma_start3A_861 : memref<1x50x64xf32, #tpu.memory_space<hbm>> -> memref<50x64xf32, #tpu.memory_space<hbm>>
      %dma_start3A_863 = arith.constant 0 : i32
      %dma_start3A_864 = arith.constant 0 : i32
      %dma_start3A_865 = tpu.memref_slice %arg6[%dma_start3A_850, %dma_start3A_863, %dma_start3A_864] : memref<8x100x64xf32, #tpu.memory_space<vmem>> -> memref<1x50x64xf32, #tpu.memory_space<vmem>>
      %dma_start3A_866 = tpu.memref_squeeze %dma_start3A_865 : memref<1x50x64xf32, #tpu.memory_space<vmem>> -> memref<50x64xf32, #tpu.memory_space<vmem>>
      tpu.enqueue_dma source(%dma_start3A_866 : memref<50x64xf32, #tpu.memory_space<vmem>>) target(%dma_start3A_862 : memref<50x64xf32, #tpu.memory_space<hbm>>) target_semaphore(%arg17 : memref<!tpu.dma_semaphore, #tpu.memory_space<semaphore_mem>>)
      %mul3A_867 = arith.constant 2 : i32
      %mul3A_868 = arith.muli %mul3A_867, %add3A_833 : i32
      %add3A_869 = arith.addi %mul3A_2, %mul3A_868 : i32
      %add3A_870 = arith.constant 1 : i32
      %add3A_871 = arith.addi %add3A_869, %add3A_870 : i32
      %dma_start3A_872 = arith.constant 2 : i32
      %dma_start3A_873 = arith.constant 50 : i32
      %dma_start3A_874 = arith.constant 0 : i32
      %dma_start3A_875 = tpu.memref_slice %arg6[%dma_start3A_872, %dma_start3A_873, %dma_start3A_874] : memref<8x100x64xf32, #tpu.memory_space<vmem>> -> memref<1x50x64xf32, #tpu.memory_space<vmem>>
      %dma_start3A_876 = tpu.memref_squeeze %dma_start3A_875 : memref<1x50x64xf32, #tpu.memory_space<vmem>> -> memref<50x64xf32, #tpu.memory_space<vmem>>
      %dma_start3A_877 = arith.constant 0 : i32
      %dma_start3A_878 = arith.constant 0 : i32
      %dma_start3A_879 = tpu.memref_slice %arg4[%add3A_871, %dma_start3A_877, %dma_start3A_878] : memref<16384x56x128xf32, #tpu.memory_space<hbm>> -> memref<1x50x64xf32, #tpu.memory_space<hbm>>
      %dma_start3A_880 = tpu.memref_squeeze %dma_start3A_879 : memref<1x50x64xf32, #tpu.memory_space<hbm>> -> memref<50x64xf32, #tpu.memory_space<hbm>>
      %dma_start3A_881 = arith.constant 0 : i32
      %dma_start3A_882 = arith.constant 0 : i32
      %dma_start3A_883 = tpu.memref_slice %arg4[%add3A_871, %dma_start3A_881, %dma_start3A_882] : memref<16384x56x128xf32, #tpu.memory_space<hbm>> -> memref<1x50x64xf32, #tpu.memory_space<hbm>>
      %dma_start3A_884 = tpu.memref_squeeze %dma_start3A_883 : memref<1x50x64xf32, #tpu.memory_space<hbm>> -> memref<50x64xf32, #tpu.memory_space<hbm>>
      %dma_start3A_885 = arith.constant 50 : i32
      %dma_start3A_886 = arith.constant 0 : i32
      %dma_start3A_887 = tpu.memref_slice %arg6[%dma_start3A_872, %dma_start3A_885, %dma_start3A_886] : memref<8x100x64xf32, #tpu.memory_space<vmem>> -> memref<1x50x64xf32, #tpu.memory_space<vmem>>
      %dma_start3A_888 = tpu.memref_squeeze %dma_start3A_887 : memref<1x50x64xf32, #tpu.memory_space<vmem>> -> memref<50x64xf32, #tpu.memory_space<vmem>>
      tpu.enqueue_dma source(%dma_start3A_888 : memref<50x64xf32, #tpu.memory_space<vmem>>) target(%dma_start3A_884 : memref<50x64xf32, #tpu.memory_space<hbm>>) target_semaphore(%arg17 : memref<!tpu.dma_semaphore, #tpu.memory_space<semaphore_mem>>)
      %dma_wait3A_889 = arith.constant 0 : i32
      %dma_wait3A_890 = arith.constant 0 : i32
      %dma_wait3A_891 = arith.constant 0 : i32
      %dma_wait3A_892 = arith.constant 0 : i32
      %dma_wait3A_893 = tpu.memref_slice %arg6[%dma_wait3A_889, %dma_wait3A_891, %dma_wait3A_892] : memref<8x100x64xf32, #tpu.memory_space<vmem>> -> memref<1x50x64xf32, #tpu.memory_space<vmem>>
      %dma_wait3A_894 = tpu.memref_squeeze %dma_wait3A_893 : memref<1x50x64xf32, #tpu.memory_space<vmem>> -> memref<50x64xf32, #tpu.memory_space<vmem>>
      %dma_wait3A_895 = arith.constant 0 : i32
      %dma_wait3A_896 = arith.constant 0 : i32
      %dma_wait3A_897 = tpu.memref_slice %arg4[%dma_wait3A_890, %dma_wait3A_895, %dma_wait3A_896] : memref<16384x56x128xf32, #tpu.memory_space<hbm>> -> memref<1x50x64xf32, #tpu.memory_space<hbm>>
      %dma_wait3A_898 = tpu.memref_squeeze %dma_wait3A_897 : memref<1x50x64xf32, #tpu.memory_space<hbm>> -> memref<50x64xf32, #tpu.memory_space<hbm>>
      %dma_wait3A_899 = arith.constant 0 : i32
      %dma_wait3A_900 = arith.constant 0 : i32
      %dma_wait3A_901 = tpu.memref_slice %arg4[%dma_wait3A_890, %dma_wait3A_899, %dma_wait3A_900] : memref<16384x56x128xf32, #tpu.memory_space<hbm>> -> memref<1x50x64xf32, #tpu.memory_space<hbm>>
      %dma_wait3A_902 = tpu.memref_squeeze %dma_wait3A_901 : memref<1x50x64xf32, #tpu.memory_space<hbm>> -> memref<50x64xf32, #tpu.memory_space<hbm>>
      %dma_wait3A_903 = arith.constant 0 : i32
      %dma_wait3A_904 = arith.constant 0 : i32
      %dma_wait3A_905 = tpu.memref_slice %arg6[%dma_wait3A_889, %dma_wait3A_903, %dma_wait3A_904] : memref<8x100x64xf32, #tpu.memory_space<vmem>> -> memref<1x50x64xf32, #tpu.memory_space<vmem>>
      %dma_wait3A_906 = tpu.memref_squeeze %dma_wait3A_905 : memref<1x50x64xf32, #tpu.memory_space<vmem>> -> memref<50x64xf32, #tpu.memory_space<vmem>>
      tpu.wait_dma2 semaphore(%arg15 : memref<!tpu.dma_semaphore, #tpu.memory_space<semaphore_mem>>) src(%dma_wait3A_906 : memref<50x64xf32, #tpu.memory_space<vmem>>) dst(%dma_wait3A_902 : memref<50x64xf32, #tpu.memory_space<hbm>>)
      %dma_wait3A_907 = arith.constant 0 : i32
      %dma_wait3A_908 = arith.constant 0 : i32
      %dma_wait3A_909 = arith.constant 50 : i32
      %dma_wait3A_910 = arith.constant 0 : i32
      %dma_wait3A_911 = tpu.memref_slice %arg6[%dma_wait3A_907, %dma_wait3A_909, %dma_wait3A_910] : memref<8x100x64xf32, #tpu.memory_space<vmem>> -> memref<1x50x64xf32, #tpu.memory_space<vmem>>
      %dma_wait3A_912 = tpu.memref_squeeze %dma_wait3A_911 : memref<1x50x64xf32, #tpu.memory_space<vmem>> -> memref<50x64xf32, #tpu.memory_space<vmem>>
      %dma_wait3A_913 = arith.constant 0 : i32
      %dma_wait3A_914 = arith.constant 0 : i32
      %dma_wait3A_915 = tpu.memref_slice %arg4[%dma_wait3A_908, %dma_wait3A_913, %dma_wait3A_914] : memref<16384x56x128xf32, #tpu.memory_space<hbm>> -> memref<1x50x64xf32, #tpu.memory_space<hbm>>
      %dma_wait3A_916 = tpu.memref_squeeze %dma_wait3A_915 : memref<1x50x64xf32, #tpu.memory_space<hbm>> -> memref<50x64xf32, #tpu.memory_space<hbm>>
      %dma_wait3A_917 = arith.constant 0 : i32
      %dma_wait3A_918 = arith.constant 0 : i32
      %dma_wait3A_919 = tpu.memref_slice %arg4[%dma_wait3A_908, %dma_wait3A_917, %dma_wait3A_918] : memref<16384x56x128xf32, #tpu.memory_space<hbm>> -> memref<1x50x64xf32, #tpu.memory_space<hbm>>
      %dma_wait3A_920 = tpu.memref_squeeze %dma_wait3A_919 : memref<1x50x64xf32, #tpu.memory_space<hbm>> -> memref<50x64xf32, #tpu.memory_space<hbm>>
      %dma_wait3A_921 = arith.constant 50 : i32
      %dma_wait3A_922 = arith.constant 0 : i32
      %dma_wait3A_923 = tpu.memref_slice %arg6[%dma_wait3A_907, %dma_wait3A_921, %dma_wait3A_922] : memref<8x100x64xf32, #tpu.memory_space<vmem>> -> memref<1x50x64xf32, #tpu.memory_space<vmem>>
      %dma_wait3A_924 = tpu.memref_squeeze %dma_wait3A_923 : memref<1x50x64xf32, #tpu.memory_space<vmem>> -> memref<50x64xf32, #tpu.memory_space<vmem>>
      tpu.wait_dma2 semaphore(%arg15 : memref<!tpu.dma_semaphore, #tpu.memory_space<semaphore_mem>>) src(%dma_wait3A_924 : memref<50x64xf32, #tpu.memory_space<vmem>>) dst(%dma_wait3A_920 : memref<50x64xf32, #tpu.memory_space<hbm>>)
      %add3A_925 = arith.constant 6 : i32
      %add3A_926 = arith.addi %add3A_833, %add3A_925 : i32
      %dma_start3A_927 = arith.constant 0 : i32
      %dma_start3A_928 = arith.constant 0 : i32
      %dma_start3A_929 = arith.constant 0 : i32
      %dma_start3A_930 = tpu.memref_slice %arg6[%dma_start3A_927, %dma_start3A_928, %dma_start3A_929] : memref<8x100x64xf32, #tpu.memory_space<vmem>> -> memref<1x100x64xf32, #tpu.memory_space<vmem>>
      %dma_start3A_931 = tpu.memref_squeeze %dma_start3A_930 : memref<1x100x64xf32, #tpu.memory_space<vmem>> -> memref<100x64xf32, #tpu.memory_space<vmem>>
      %dma_start3A_932 = arith.constant 0 : i32
      %dma_start3A_933 = tpu.memref_slice %arg5[%add3A_926, %dma_start3A_932] : memref<256x100xi32, #tpu.memory_space<vmem>> -> memref<1x100xi32, #tpu.memory_space<vmem>>
      %dma_start3A_934 = tpu.memref_squeeze %dma_start3A_933 : memref<1x100xi32, #tpu.memory_space<vmem>> -> memref<100xi32, #tpu.memory_space<vmem>>
      %dma_start3A_935 = arith.constant 0 : i32
      %dma_start3A_936 = arith.constant 0 : i32
      %dma_start3A_937 = tpu.memref_slice %arg2[%dma_start3A_935, %dma_start3A_936] : memref<1000000x64xf32, #tpu.memory_space<hbm>> -> memref<1000000x64xf32, #tpu.memory_space<hbm>>
      tpu.enqueue_indirect_dma source(%dma_start3A_937 : memref<1000000x64xf32, #tpu.memory_space<hbm>>) target(%dma_start3A_931 : memref<100x64xf32, #tpu.memory_space<vmem>>) offsets(%dma_start3A_934 : memref<100xi32, #tpu.memory_space<vmem>>) semaphore(%arg7 : memref<!tpu.dma_semaphore, #tpu.memory_space<semaphore_mem>>)
      %mul3A_938 = arith.constant 8 : i32
      %mul3A_939 = arith.muli %add3A_827, %mul3A_938 : i32
      %add3A_940 = arith.constant 2 : i32
      %add3A_941 = arith.addi %add3A_940, %mul3A_939 : i32
      %add3A_942 = arith.constant 1 : i32
      %add3A_943 = arith.addi %add3A_941, %add3A_942 : i32
      %dma_wait3A_944 = arith.constant 3 : i32
      %dma_wait3A_945 = arith.constant 0 : i32
      %dma_wait3A_946 = arith.constant 0 : i32
      %dma_wait3A_947 = tpu.memref_slice %arg6[%dma_wait3A_944, %dma_wait3A_945, %dma_wait3A_946] : memref<8x100x64xf32, #tpu.memory_space<vmem>> -> memref<1x100x64xf32, #tpu.memory_space<vmem>>
      %dma_wait3A_948 = tpu.memref_squeeze %dma_wait3A_947 : memref<1x100x64xf32, #tpu.memory_space<vmem>> -> memref<100x64xf32, #tpu.memory_space<vmem>>
      %dma_wait3A_949 = arith.constant 0 : i32
      %dma_wait3A_950 = tpu.memref_slice %arg5[%add3A_943, %dma_wait3A_949] : memref<256x100xi32, #tpu.memory_space<vmem>> -> memref<1x100xi32, #tpu.memory_space<vmem>>
      %dma_wait3A_951 = tpu.memref_squeeze %dma_wait3A_950 : memref<1x100xi32, #tpu.memory_space<vmem>> -> memref<100xi32, #tpu.memory_space<vmem>>
      %dma_wait3A_952 = arith.constant 0 : i32
      %dma_wait3A_953 = arith.constant 0 : i32
      %dma_wait3A_954 = tpu.memref_slice %arg2[%dma_wait3A_952, %dma_wait3A_953] : memref<1000000x64xf32, #tpu.memory_space<hbm>> -> memref<1000000x64xf32, #tpu.memory_space<hbm>>
      tpu.wait_indirect_dma semaphore(%arg10 : memref<!tpu.dma_semaphore, #tpu.memory_space<semaphore_mem>>) src(%dma_wait3A_954 : memref<1000000x64xf32, #tpu.memory_space<hbm>>) dst(%dma_wait3A_948 : memref<100x64xf32, #tpu.memory_space<vmem>>)
      %mul3A_955 = arith.constant 2 : i32
      %mul3A_956 = arith.muli %mul3A_955, %add3A_943 : i32
      %add3A_957 = arith.addi %mul3A_2, %mul3A_956 : i32
      %add3A_958 = arith.constant 0 : i32
      %add3A_959 = arith.addi %add3A_957, %add3A_958 : i32
      %dma_start3A_960 = arith.constant 3 : i32
      %dma_start3A_961 = arith.constant 0 : i32
      %dma_start3A_962 = arith.constant 0 : i32
      %dma_start3A_963 = tpu.memref_slice %arg6[%dma_start3A_960, %dma_start3A_961, %dma_start3A_962] : memref<8x100x64xf32, #tpu.memory_space<vmem>> -> memref<1x50x64xf32, #tpu.memory_space<vmem>>
      %dma_start3A_964 = tpu.memref_squeeze %dma_start3A_963 : memref<1x50x64xf32, #tpu.memory_space<vmem>> -> memref<50x64xf32, #tpu.memory_space<vmem>>
      %dma_start3A_965 = arith.constant 0 : i32
      %dma_start3A_966 = arith.constant 0 : i32
      %dma_start3A_967 = tpu.memref_slice %arg4[%add3A_959, %dma_start3A_965, %dma_start3A_966] : memref<16384x56x128xf32, #tpu.memory_space<hbm>> -> memref<1x50x64xf32, #tpu.memory_space<hbm>>
      %dma_start3A_968 = tpu.memref_squeeze %dma_start3A_967 : memref<1x50x64xf32, #tpu.memory_space<hbm>> -> memref<50x64xf32, #tpu.memory_space<hbm>>
      %dma_start3A_969 = arith.constant 0 : i32
      %dma_start3A_970 = arith.constant 0 : i32
      %dma_start3A_971 = tpu.memref_slice %arg4[%add3A_959, %dma_start3A_969, %dma_start3A_970] : memref<16384x56x128xf32, #tpu.memory_space<hbm>> -> memref<1x50x64xf32, #tpu.memory_space<hbm>>
      %dma_start3A_972 = tpu.memref_squeeze %dma_start3A_971 : memref<1x50x64xf32, #tpu.memory_space<hbm>> -> memref<50x64xf32, #tpu.memory_space<hbm>>
      %dma_start3A_973 = arith.constant 0 : i32
      %dma_start3A_974 = arith.constant 0 : i32
      %dma_start3A_975 = tpu.memref_slice %arg6[%dma_start3A_960, %dma_start3A_973, %dma_start3A_974] : memref<8x100x64xf32, #tpu.memory_space<vmem>> -> memref<1x50x64xf32, #tpu.memory_space<vmem>>
      %dma_start3A_976 = tpu.memref_squeeze %dma_start3A_975 : memref<1x50x64xf32, #tpu.memory_space<vmem>> -> memref<50x64xf32, #tpu.memory_space<vmem>>
      tpu.enqueue_dma source(%dma_start3A_976 : memref<50x64xf32, #tpu.memory_space<vmem>>) target(%dma_start3A_972 : memref<50x64xf32, #tpu.memory_space<hbm>>) target_semaphore(%arg18 : memref<!tpu.dma_semaphore, #tpu.memory_space<semaphore_mem>>)
      %mul3A_977 = arith.constant 2 : i32
      %mul3A_978 = arith.muli %mul3A_977, %add3A_943 : i32
      %add3A_979 = arith.addi %mul3A_2, %mul3A_978 : i32
      %add3A_980 = arith.constant 1 : i32
      %add3A_981 = arith.addi %add3A_979, %add3A_980 : i32
      %dma_start3A_982 = arith.constant 3 : i32
      %dma_start3A_983 = arith.constant 50 : i32
      %dma_start3A_984 = arith.constant 0 : i32
      %dma_start3A_985 = tpu.memref_slice %arg6[%dma_start3A_982, %dma_start3A_983, %dma_start3A_984] : memref<8x100x64xf32, #tpu.memory_space<vmem>> -> memref<1x50x64xf32, #tpu.memory_space<vmem>>
      %dma_start3A_986 = tpu.memref_squeeze %dma_start3A_985 : memref<1x50x64xf32, #tpu.memory_space<vmem>> -> memref<50x64xf32, #tpu.memory_space<vmem>>
      %dma_start3A_987 = arith.constant 0 : i32
      %dma_start3A_988 = arith.constant 0 : i32
      %dma_start3A_989 = tpu.memref_slice %arg4[%add3A_981, %dma_start3A_987, %dma_start3A_988] : memref<16384x56x128xf32, #tpu.memory_space<hbm>> -> memref<1x50x64xf32, #tpu.memory_space<hbm>>
      %dma_start3A_990 = tpu.memref_squeeze %dma_start3A_989 : memref<1x50x64xf32, #tpu.memory_space<hbm>> -> memref<50x64xf32, #tpu.memory_space<hbm>>
      %dma_start3A_991 = arith.constant 0 : i32
      %dma_start3A_992 = arith.constant 0 : i32
      %dma_start3A_993 = tpu.memref_slice %arg4[%add3A_981, %dma_start3A_991, %dma_start3A_992] : memref<16384x56x128xf32, #tpu.memory_space<hbm>> -> memref<1x50x64xf32, #tpu.memory_space<hbm>>
      %dma_start3A_994 = tpu.memref_squeeze %dma_start3A_993 : memref<1x50x64xf32, #tpu.memory_space<hbm>> -> memref<50x64xf32, #tpu.memory_space<hbm>>
      %dma_start3A_995 = arith.constant 50 : i32
      %dma_start3A_996 = arith.constant 0 : i32
      %dma_start3A_997 = tpu.memref_slice %arg6[%dma_start3A_982, %dma_start3A_995, %dma_start3A_996] : memref<8x100x64xf32, #tpu.memory_space<vmem>> -> memref<1x50x64xf32, #tpu.memory_space<vmem>>
      %dma_start3A_998 = tpu.memref_squeeze %dma_start3A_997 : memref<1x50x64xf32, #tpu.memory_space<vmem>> -> memref<50x64xf32, #tpu.memory_space<vmem>>
      tpu.enqueue_dma source(%dma_start3A_998 : memref<50x64xf32, #tpu.memory_space<vmem>>) target(%dma_start3A_994 : memref<50x64xf32, #tpu.memory_space<hbm>>) target_semaphore(%arg18 : memref<!tpu.dma_semaphore, #tpu.memory_space<semaphore_mem>>)
      %dma_wait3A_999 = arith.constant 1 : i32
      %dma_wait3A_1000 = arith.constant 0 : i32
      %dma_wait3A_1001 = arith.constant 0 : i32
      %dma_wait3A_1002 = arith.constant 0 : i32
      %dma_wait3A_1003 = tpu.memref_slice %arg6[%dma_wait3A_999, %dma_wait3A_1001, %dma_wait3A_1002] : memref<8x100x64xf32, #tpu.memory_space<vmem>> -> memref<1x50x64xf32, #tpu.memory_space<vmem>>
      %dma_wait3A_1004 = tpu.memref_squeeze %dma_wait3A_1003 : memref<1x50x64xf32, #tpu.memory_space<vmem>> -> memref<50x64xf32, #tpu.memory_space<vmem>>
      %dma_wait3A_1005 = arith.constant 0 : i32
      %dma_wait3A_1006 = arith.constant 0 : i32
      %dma_wait3A_1007 = tpu.memref_slice %arg4[%dma_wait3A_1000, %dma_wait3A_1005, %dma_wait3A_1006] : memref<16384x56x128xf32, #tpu.memory_space<hbm>> -> memref<1x50x64xf32, #tpu.memory_space<hbm>>
      %dma_wait3A_1008 = tpu.memref_squeeze %dma_wait3A_1007 : memref<1x50x64xf32, #tpu.memory_space<hbm>> -> memref<50x64xf32, #tpu.memory_space<hbm>>
      %dma_wait3A_1009 = arith.constant 0 : i32
      %dma_wait3A_1010 = arith.constant 0 : i32
      %dma_wait3A_1011 = tpu.memref_slice %arg4[%dma_wait3A_1000, %dma_wait3A_1009, %dma_wait3A_1010] : memref<16384x56x128xf32, #tpu.memory_space<hbm>> -> memref<1x50x64xf32, #tpu.memory_space<hbm>>
      %dma_wait3A_1012 = tpu.memref_squeeze %dma_wait3A_1011 : memref<1x50x64xf32, #tpu.memory_space<hbm>> -> memref<50x64xf32, #tpu.memory_space<hbm>>
      %dma_wait3A_1013 = arith.constant 0 : i32
      %dma_wait3A_1014 = arith.constant 0 : i32
      %dma_wait3A_1015 = tpu.memref_slice %arg6[%dma_wait3A_999, %dma_wait3A_1013, %dma_wait3A_1014] : memref<8x100x64xf32, #tpu.memory_space<vmem>> -> memref<1x50x64xf32, #tpu.memory_space<vmem>>
      %dma_wait3A_1016 = tpu.memref_squeeze %dma_wait3A_1015 : memref<1x50x64xf32, #tpu.memory_space<vmem>> -> memref<50x64xf32, #tpu.memory_space<vmem>>
      tpu.wait_dma2 semaphore(%arg16 : memref<!tpu.dma_semaphore, #tpu.memory_space<semaphore_mem>>) src(%dma_wait3A_1016 : memref<50x64xf32, #tpu.memory_space<vmem>>) dst(%dma_wait3A_1012 : memref<50x64xf32, #tpu.memory_space<hbm>>)
      %dma_wait3A_1017 = arith.constant 1 : i32
      %dma_wait3A_1018 = arith.constant 0 : i32
      %dma_wait3A_1019 = arith.constant 50 : i32
      %dma_wait3A_1020 = arith.constant 0 : i32
      %dma_wait3A_1021 = tpu.memref_slice %arg6[%dma_wait3A_1017, %dma_wait3A_1019, %dma_wait3A_1020] : memref<8x100x64xf32, #tpu.memory_space<vmem>> -> memref<1x50x64xf32, #tpu.memory_space<vmem>>
      %dma_wait3A_1022 = tpu.memref_squeeze %dma_wait3A_1021 : memref<1x50x64xf32, #tpu.memory_space<vmem>> -> memref<50x64xf32, #tpu.memory_space<vmem>>
      %dma_wait3A_1023 = arith.constant 0 : i32
      %dma_wait3A_1024 = arith.constant 0 : i32
      %dma_wait3A_1025 = tpu.memref_slice %arg4[%dma_wait3A_1018, %dma_wait3A_1023, %dma_wait3A_1024] : memref<16384x56x128xf32, #tpu.memory_space<hbm>> -> memref<1x50x64xf32, #tpu.memory_space<hbm>>
      %dma_wait3A_1026 = tpu.memref_squeeze %dma_wait3A_1025 : memref<1x50x64xf32, #tpu.memory_space<hbm>> -> memref<50x64xf32, #tpu.memory_space<hbm>>
      %dma_wait3A_1027 = arith.constant 0 : i32
      %dma_wait3A_1028 = arith.constant 0 : i32
      %dma_wait3A_1029 = tpu.memref_slice %arg4[%dma_wait3A_1018, %dma_wait3A_1027, %dma_wait3A_1028] : memref<16384x56x128xf32, #tpu.memory_space<hbm>> -> memref<1x50x64xf32, #tpu.memory_space<hbm>>
      %dma_wait3A_1030 = tpu.memref_squeeze %dma_wait3A_1029 : memref<1x50x64xf32, #tpu.memory_space<hbm>> -> memref<50x64xf32, #tpu.memory_space<hbm>>
      %dma_wait3A_1031 = arith.constant 50 : i32
      %dma_wait3A_1032 = arith.constant 0 : i32
      %dma_wait3A_1033 = tpu.memref_slice %arg6[%dma_wait3A_1017, %dma_wait3A_1031, %dma_wait3A_1032] : memref<8x100x64xf32, #tpu.memory_space<vmem>> -> memref<1x50x64xf32, #tpu.memory_space<vmem>>
      %dma_wait3A_1034 = tpu.memref_squeeze %dma_wait3A_1033 : memref<1x50x64xf32, #tpu.memory_space<vmem>> -> memref<50x64xf32, #tpu.memory_space<vmem>>
      tpu.wait_dma2 semaphore(%arg16 : memref<!tpu.dma_semaphore, #tpu.memory_space<semaphore_mem>>) src(%dma_wait3A_1034 : memref<50x64xf32, #tpu.memory_space<vmem>>) dst(%dma_wait3A_1030 : memref<50x64xf32, #tpu.memory_space<hbm>>)
      %add3A_1035 = arith.constant 6 : i32
      %add3A_1036 = arith.addi %add3A_943, %add3A_1035 : i32
      %dma_start3A_1037 = arith.constant 1 : i32
      %dma_start3A_1038 = arith.constant 0 : i32
      %dma_start3A_1039 = arith.constant 0 : i32
      %dma_start3A_1040 = tpu.memref_slice %arg6[%dma_start3A_1037, %dma_start3A_1038, %dma_start3A_1039] : memref<8x100x64xf32, #tpu.memory_space<vmem>> -> memref<1x100x64xf32, #tpu.memory_space<vmem>>
      %dma_start3A_1041 = tpu.memref_squeeze %dma_start3A_1040 : memref<1x100x64xf32, #tpu.memory_space<vmem>> -> memref<100x64xf32, #tpu.memory_space<vmem>>
      %dma_start3A_1042 = arith.constant 0 : i32
      %dma_start3A_1043 = tpu.memref_slice %arg5[%add3A_1036, %dma_start3A_1042] : memref<256x100xi32, #tpu.memory_space<vmem>> -> memref<1x100xi32, #tpu.memory_space<vmem>>
      %dma_start3A_1044 = tpu.memref_squeeze %dma_start3A_1043 : memref<1x100xi32, #tpu.memory_space<vmem>> -> memref<100xi32, #tpu.memory_space<vmem>>
      %dma_start3A_1045 = arith.constant 0 : i32
      %dma_start3A_1046 = arith.constant 0 : i32
      %dma_start3A_1047 = tpu.memref_slice %arg2[%dma_start3A_1045, %dma_start3A_1046] : memref<1000000x64xf32, #tpu.memory_space<hbm>> -> memref<1000000x64xf32, #tpu.memory_space<hbm>>
      tpu.enqueue_indirect_dma source(%dma_start3A_1047 : memref<1000000x64xf32, #tpu.memory_space<hbm>>) target(%dma_start3A_1041 : memref<100x64xf32, #tpu.memory_space<vmem>>) offsets(%dma_start3A_1044 : memref<100xi32, #tpu.memory_space<vmem>>) semaphore(%arg8 : memref<!tpu.dma_semaphore, #tpu.memory_space<semaphore_mem>>)
      %mul3A_1048 = arith.constant 8 : i32
      %mul3A_1049 = arith.muli %add3A_827, %mul3A_1048 : i32
      %add3A_1050 = arith.constant 2 : i32
      %add3A_1051 = arith.addi %add3A_1050, %mul3A_1049 : i32
      %add3A_1052 = arith.constant 2 : i32
      %add3A_1053 = arith.addi %add3A_1051, %add3A_1052 : i32
      %dma_wait3A_1054 = arith.constant 4 : i32
      %dma_wait3A_1055 = arith.constant 0 : i32
      %dma_wait3A_1056 = arith.constant 0 : i32
      %dma_wait3A_1057 = tpu.memref_slice %arg6[%dma_wait3A_1054, %dma_wait3A_1055, %dma_wait3A_1056] : memref<8x100x64xf32, #tpu.memory_space<vmem>> -> memref<1x100x64xf32, #tpu.memory_space<vmem>>
      %dma_wait3A_1058 = tpu.memref_squeeze %dma_wait3A_1057 : memref<1x100x64xf32, #tpu.memory_space<vmem>> -> memref<100x64xf32, #tpu.memory_space<vmem>>
      %dma_wait3A_1059 = arith.constant 0 : i32
      %dma_wait3A_1060 = tpu.memref_slice %arg5[%add3A_1053, %dma_wait3A_1059] : memref<256x100xi32, #tpu.memory_space<vmem>> -> memref<1x100xi32, #tpu.memory_space<vmem>>
      %dma_wait3A_1061 = tpu.memref_squeeze %dma_wait3A_1060 : memref<1x100xi32, #tpu.memory_space<vmem>> -> memref<100xi32, #tpu.memory_space<vmem>>
      %dma_wait3A_1062 = arith.constant 0 : i32
      %dma_wait3A_1063 = arith.constant 0 : i32
      %dma_wait3A_1064 = tpu.memref_slice %arg2[%dma_wait3A_1062, %dma_wait3A_1063] : memref<1000000x64xf32, #tpu.memory_space<hbm>> -> memref<1000000x64xf32, #tpu.memory_space<hbm>>
      tpu.wait_indirect_dma semaphore(%arg11 : memref<!tpu.dma_semaphore, #tpu.memory_space<semaphore_mem>>) src(%dma_wait3A_1064 : memref<1000000x64xf32, #tpu.memory_space<hbm>>) dst(%dma_wait3A_1058 : memref<100x64xf32, #tpu.memory_space<vmem>>)
      %mul3A_1065 = arith.constant 2 : i32
      %mul3A_1066 = arith.muli %mul3A_1065, %add3A_1053 : i32
      %add3A_1067 = arith.addi %mul3A_2, %mul3A_1066 : i32
      %add3A_1068 = arith.constant 0 : i32
      %add3A_1069 = arith.addi %add3A_1067, %add3A_1068 : i32
      %dma_start3A_1070 = arith.constant 4 : i32
      %dma_start3A_1071 = arith.constant 0 : i32
      %dma_start3A_1072 = arith.constant 0 : i32
      %dma_start3A_1073 = tpu.memref_slice %arg6[%dma_start3A_1070, %dma_start3A_1071, %dma_start3A_1072] : memref<8x100x64xf32, #tpu.memory_space<vmem>> -> memref<1x50x64xf32, #tpu.memory_space<vmem>>
      %dma_start3A_1074 = tpu.memref_squeeze %dma_start3A_1073 : memref<1x50x64xf32, #tpu.memory_space<vmem>> -> memref<50x64xf32, #tpu.memory_space<vmem>>
      %dma_start3A_1075 = arith.constant 0 : i32
      %dma_start3A_1076 = arith.constant 0 : i32
      %dma_start3A_1077 = tpu.memref_slice %arg4[%add3A_1069, %dma_start3A_1075, %dma_start3A_1076] : memref<16384x56x128xf32, #tpu.memory_space<hbm>> -> memref<1x50x64xf32, #tpu.memory_space<hbm>>
      %dma_start3A_1078 = tpu.memref_squeeze %dma_start3A_1077 : memref<1x50x64xf32, #tpu.memory_space<hbm>> -> memref<50x64xf32, #tpu.memory_space<hbm>>
      %dma_start3A_1079 = arith.constant 0 : i32
      %dma_start3A_1080 = arith.constant 0 : i32
      %dma_start3A_1081 = tpu.memref_slice %arg4[%add3A_1069, %dma_start3A_1079, %dma_start3A_1080] : memref<16384x56x128xf32, #tpu.memory_space<hbm>> -> memref<1x50x64xf32, #tpu.memory_space<hbm>>
      %dma_start3A_1082 = tpu.memref_squeeze %dma_start3A_1081 : memref<1x50x64xf32, #tpu.memory_space<hbm>> -> memref<50x64xf32, #tpu.memory_space<hbm>>
      %dma_start3A_1083 = arith.constant 0 : i32
      %dma_start3A_1084 = arith.constant 0 : i32
      %dma_start3A_1085 = tpu.memref_slice %arg6[%dma_start3A_1070, %dma_start3A_1083, %dma_start3A_1084] : memref<8x100x64xf32, #tpu.memory_space<vmem>> -> memref<1x50x64xf32, #tpu.memory_space<vmem>>
      %dma_start3A_1086 = tpu.memref_squeeze %dma_start3A_1085 : memref<1x50x64xf32, #tpu.memory_space<vmem>> -> memref<50x64xf32, #tpu.memory_space<vmem>>
      tpu.enqueue_dma source(%dma_start3A_1086 : memref<50x64xf32, #tpu.memory_space<vmem>>) target(%dma_start3A_1082 : memref<50x64xf32, #tpu.memory_space<hbm>>) target_semaphore(%arg19 : memref<!tpu.dma_semaphore, #tpu.memory_space<semaphore_mem>>)
      %mul3A_1087 = arith.constant 2 : i32
      %mul3A_1088 = arith.muli %mul3A_1087, %add3A_1053 : i32
      %add3A_1089 = arith.addi %mul3A_2, %mul3A_1088 : i32
      %add3A_1090 = arith.constant 1 : i32
      %add3A_1091 = arith.addi %add3A_1089, %add3A_1090 : i32
      %dma_start3A_1092 = arith.constant 4 : i32
      %dma_start3A_1093 = arith.constant 50 : i32
      %dma_start3A_1094 = arith.constant 0 : i32
      %dma_start3A_1095 = tpu.memref_slice %arg6[%dma_start3A_1092, %dma_start3A_1093, %dma_start3A_1094] : memref<8x100x64xf32, #tpu.memory_space<vmem>> -> memref<1x50x64xf32, #tpu.memory_space<vmem>>
      %dma_start3A_1096 = tpu.memref_squeeze %dma_start3A_1095 : memref<1x50x64xf32, #tpu.memory_space<vmem>> -> memref<50x64xf32, #tpu.memory_space<vmem>>
      %dma_start3A_1097 = arith.constant 0 : i32
      %dma_start3A_1098 = arith.constant 0 : i32
      %dma_start3A_1099 = tpu.memref_slice %arg4[%add3A_1091, %dma_start3A_1097, %dma_start3A_1098] : memref<16384x56x128xf32, #tpu.memory_space<hbm>> -> memref<1x50x64xf32, #tpu.memory_space<hbm>>
      %dma_start3A_1100 = tpu.memref_squeeze %dma_start3A_1099 : memref<1x50x64xf32, #tpu.memory_space<hbm>> -> memref<50x64xf32, #tpu.memory_space<hbm>>
      %dma_start3A_1101 = arith.constant 0 : i32
      %dma_start3A_1102 = arith.constant 0 : i32
      %dma_start3A_1103 = tpu.memref_slice %arg4[%add3A_1091, %dma_start3A_1101, %dma_start3A_1102] : memref<16384x56x128xf32, #tpu.memory_space<hbm>> -> memref<1x50x64xf32, #tpu.memory_space<hbm>>
      %dma_start3A_1104 = tpu.memref_squeeze %dma_start3A_1103 : memref<1x50x64xf32, #tpu.memory_space<hbm>> -> memref<50x64xf32, #tpu.memory_space<hbm>>
      %dma_start3A_1105 = arith.constant 50 : i32
      %dma_start3A_1106 = arith.constant 0 : i32
      %dma_start3A_1107 = tpu.memref_slice %arg6[%dma_start3A_1092, %dma_start3A_1105, %dma_start3A_1106] : memref<8x100x64xf32, #tpu.memory_space<vmem>> -> memref<1x50x64xf32, #tpu.memory_space<vmem>>
      %dma_start3A_1108 = tpu.memref_squeeze %dma_start3A_1107 : memref<1x50x64xf32, #tpu.memory_space<vmem>> -> memref<50x64xf32, #tpu.memory_space<vmem>>
      tpu.enqueue_dma source(%dma_start3A_1108 : memref<50x64xf32, #tpu.memory_space<vmem>>) target(%dma_start3A_1104 : memref<50x64xf32, #tpu.memory_space<hbm>>) target_semaphore(%arg19 : memref<!tpu.dma_semaphore, #tpu.memory_space<semaphore_mem>>)
      %dma_wait3A_1109 = arith.constant 2 : i32
      %dma_wait3A_1110 = arith.constant 0 : i32
      %dma_wait3A_1111 = arith.constant 0 : i32
      %dma_wait3A_1112 = arith.constant 0 : i32
      %dma_wait3A_1113 = tpu.memref_slice %arg6[%dma_wait3A_1109, %dma_wait3A_1111, %dma_wait3A_1112] : memref<8x100x64xf32, #tpu.memory_space<vmem>> -> memref<1x50x64xf32, #tpu.memory_space<vmem>>
      %dma_wait3A_1114 = tpu.memref_squeeze %dma_wait3A_1113 : memref<1x50x64xf32, #tpu.memory_space<vmem>> -> memref<50x64xf32, #tpu.memory_space<vmem>>
      %dma_wait3A_1115 = arith.constant 0 : i32
      %dma_wait3A_1116 = arith.constant 0 : i32
      %dma_wait3A_1117 = tpu.memref_slice %arg4[%dma_wait3A_1110, %dma_wait3A_1115, %dma_wait3A_1116] : memref<16384x56x128xf32, #tpu.memory_space<hbm>> -> memref<1x50x64xf32, #tpu.memory_space<hbm>>
      %dma_wait3A_1118 = tpu.memref_squeeze %dma_wait3A_1117 : memref<1x50x64xf32, #tpu.memory_space<hbm>> -> memref<50x64xf32, #tpu.memory_space<hbm>>
      %dma_wait3A_1119 = arith.constant 0 : i32
      %dma_wait3A_1120 = arith.constant 0 : i32
      %dma_wait3A_1121 = tpu.memref_slice %arg4[%dma_wait3A_1110, %dma_wait3A_1119, %dma_wait3A_1120] : memref<16384x56x128xf32, #tpu.memory_space<hbm>> -> memref<1x50x64xf32, #tpu.memory_space<hbm>>
      %dma_wait3A_1122 = tpu.memref_squeeze %dma_wait3A_1121 : memref<1x50x64xf32, #tpu.memory_space<hbm>> -> memref<50x64xf32, #tpu.memory_space<hbm>>
      %dma_wait3A_1123 = arith.constant 0 : i32
      %dma_wait3A_1124 = arith.constant 0 : i32
      %dma_wait3A_1125 = tpu.memref_slice %arg6[%dma_wait3A_1109, %dma_wait3A_1123, %dma_wait3A_1124] : memref<8x100x64xf32, #tpu.memory_space<vmem>> -> memref<1x50x64xf32, #tpu.memory_space<vmem>>
      %dma_wait3A_1126 = tpu.memref_squeeze %dma_wait3A_1125 : memref<1x50x64xf32, #tpu.memory_space<vmem>> -> memref<50x64xf32, #tpu.memory_space<vmem>>
      tpu.wait_dma2 semaphore(%arg17 : memref<!tpu.dma_semaphore, #tpu.memory_space<semaphore_mem>>) src(%dma_wait3A_1126 : memref<50x64xf32, #tpu.memory_space<vmem>>) dst(%dma_wait3A_1122 : memref<50x64xf32, #tpu.memory_space<hbm>>)
      %dma_wait3A_1127 = arith.constant 2 : i32
      %dma_wait3A_1128 = arith.constant 0 : i32
      %dma_wait3A_1129 = arith.constant 50 : i32
      %dma_wait3A_1130 = arith.constant 0 : i32
      %dma_wait3A_1131 = tpu.memref_slice %arg6[%dma_wait3A_1127, %dma_wait3A_1129, %dma_wait3A_1130] : memref<8x100x64xf32, #tpu.memory_space<vmem>> -> memref<1x50x64xf32, #tpu.memory_space<vmem>>
      %dma_wait3A_1132 = tpu.memref_squeeze %dma_wait3A_1131 : memref<1x50x64xf32, #tpu.memory_space<vmem>> -> memref<50x64xf32, #tpu.memory_space<vmem>>
      %dma_wait3A_1133 = arith.constant 0 : i32
      %dma_wait3A_1134 = arith.constant 0 : i32
      %dma_wait3A_1135 = tpu.memref_slice %arg4[%dma_wait3A_1128, %dma_wait3A_1133, %dma_wait3A_1134] : memref<16384x56x128xf32, #tpu.memory_space<hbm>> -> memref<1x50x64xf32, #tpu.memory_space<hbm>>
      %dma_wait3A_1136 = tpu.memref_squeeze %dma_wait3A_1135 : memref<1x50x64xf32, #tpu.memory_space<hbm>> -> memref<50x64xf32, #tpu.memory_space<hbm>>
      %dma_wait3A_1137 = arith.constant 0 : i32
      %dma_wait3A_1138 = arith.constant 0 : i32
      %dma_wait3A_1139 = tpu.memref_slice %arg4[%dma_wait3A_1128, %dma_wait3A_1137, %dma_wait3A_1138] : memref<16384x56x128xf32, #tpu.memory_space<hbm>> -> memref<1x50x64xf32, #tpu.memory_space<hbm>>
      %dma_wait3A_1140 = tpu.memref_squeeze %dma_wait3A_1139 : memref<1x50x64xf32, #tpu.memory_space<hbm>> -> memref<50x64xf32, #tpu.memory_space<hbm>>
      %dma_wait3A_1141 = arith.constant 50 : i32
      %dma_wait3A_1142 = arith.constant 0 : i32
      %dma_wait3A_1143 = tpu.memref_slice %arg6[%dma_wait3A_1127, %dma_wait3A_1141, %dma_wait3A_1142] : memref<8x100x64xf32, #tpu.memory_space<vmem>> -> memref<1x50x64xf32, #tpu.memory_space<vmem>>
      %dma_wait3A_1144 = tpu.memref_squeeze %dma_wait3A_1143 : memref<1x50x64xf32, #tpu.memory_space<vmem>> -> memref<50x64xf32, #tpu.memory_space<vmem>>
      tpu.wait_dma2 semaphore(%arg17 : memref<!tpu.dma_semaphore, #tpu.memory_space<semaphore_mem>>) src(%dma_wait3A_1144 : memref<50x64xf32, #tpu.memory_space<vmem>>) dst(%dma_wait3A_1140 : memref<50x64xf32, #tpu.memory_space<hbm>>)
      %add3A_1145 = arith.constant 6 : i32
      %add3A_1146 = arith.addi %add3A_1053, %add3A_1145 : i32
      %dma_start3A_1147 = arith.constant 2 : i32
      %dma_start3A_1148 = arith.constant 0 : i32
      %dma_start3A_1149 = arith.constant 0 : i32
      %dma_start3A_1150 = tpu.memref_slice %arg6[%dma_start3A_1147, %dma_start3A_1148, %dma_start3A_1149] : memref<8x100x64xf32, #tpu.memory_space<vmem>> -> memref<1x100x64xf32, #tpu.memory_space<vmem>>
      %dma_start3A_1151 = tpu.memref_squeeze %dma_start3A_1150 : memref<1x100x64xf32, #tpu.memory_space<vmem>> -> memref<100x64xf32, #tpu.memory_space<vmem>>
      %dma_start3A_1152 = arith.constant 0 : i32
      %dma_start3A_1153 = tpu.memref_slice %arg5[%add3A_1146, %dma_start3A_1152] : memref<256x100xi32, #tpu.memory_space<vmem>> -> memref<1x100xi32, #tpu.memory_space<vmem>>
      %dma_start3A_1154 = tpu.memref_squeeze %dma_start3A_1153 : memref<1x100xi32, #tpu.memory_space<vmem>> -> memref<100xi32, #tpu.memory_space<vmem>>
      %dma_start3A_1155 = arith.constant 0 : i32
      %dma_start3A_1156 = arith.constant 0 : i32
      %dma_start3A_1157 = tpu.memref_slice %arg2[%dma_start3A_1155, %dma_start3A_1156] : memref<1000000x64xf32, #tpu.memory_space<hbm>> -> memref<1000000x64xf32, #tpu.memory_space<hbm>>
      tpu.enqueue_indirect_dma source(%dma_start3A_1157 : memref<1000000x64xf32, #tpu.memory_space<hbm>>) target(%dma_start3A_1151 : memref<100x64xf32, #tpu.memory_space<vmem>>) offsets(%dma_start3A_1154 : memref<100xi32, #tpu.memory_space<vmem>>) semaphore(%arg9 : memref<!tpu.dma_semaphore, #tpu.memory_space<semaphore_mem>>)
      %mul3A_1158 = arith.constant 8 : i32
      %mul3A_1159 = arith.muli %add3A_827, %mul3A_1158 : i32
      %add3A_1160 = arith.constant 2 : i32
      %add3A_1161 = arith.addi %add3A_1160, %mul3A_1159 : i32
      %add3A_1162 = arith.constant 3 : i32
      %add3A_1163 = arith.addi %add3A_1161, %add3A_1162 : i32
      %dma_wait3A_1164 = arith.constant 5 : i32
      %dma_wait3A_1165 = arith.constant 0 : i32
      %dma_wait3A_1166 = arith.constant 0 : i32
      %dma_wait3A_1167 = tpu.memref_slice %arg6[%dma_wait3A_1164, %dma_wait3A_1165, %dma_wait3A_1166] : memref<8x100x64xf32, #tpu.memory_space<vmem>> -> memref<1x100x64xf32, #tpu.memory_space<vmem>>
      %dma_wait3A_1168 = tpu.memref_squeeze %dma_wait3A_1167 : memref<1x100x64xf32, #tpu.memory_space<vmem>> -> memref<100x64xf32, #tpu.memory_space<vmem>>
      %dma_wait3A_1169 = arith.constant 0 : i32
      %dma_wait3A_1170 = tpu.memref_slice %arg5[%add3A_1163, %dma_wait3A_1169] : memref<256x100xi32, #tpu.memory_space<vmem>> -> memref<1x100xi32, #tpu.memory_space<vmem>>
      %dma_wait3A_1171 = tpu.memref_squeeze %dma_wait3A_1170 : memref<1x100xi32, #tpu.memory_space<vmem>> -> memref<100xi32, #tpu.memory_space<vmem>>
      %dma_wait3A_1172 = arith.constant 0 : i32
      %dma_wait3A_1173 = arith.constant 0 : i32
      %dma_wait3A_1174 = tpu.memref_slice %arg2[%dma_wait3A_1172, %dma_wait3A_1173] : memref<1000000x64xf32, #tpu.memory_space<hbm>> -> memref<1000000x64xf32, #tpu.memory_space<hbm>>
      tpu.wait_indirect_dma semaphore(%arg12 : memref<!tpu.dma_semaphore, #tpu.memory_space<semaphore_mem>>) src(%dma_wait3A_1174 : memref<1000000x64xf32, #tpu.memory_space<hbm>>) dst(%dma_wait3A_1168 : memref<100x64xf32, #tpu.memory_space<vmem>>)
      %mul3A_1175 = arith.constant 2 : i32
      %mul3A_1176 = arith.muli %mul3A_1175, %add3A_1163 : i32
      %add3A_1177 = arith.addi %mul3A_2, %mul3A_1176 : i32
      %add3A_1178 = arith.constant 0 : i32
      %add3A_1179 = arith.addi %add3A_1177, %add3A_1178 : i32
      %dma_start3A_1180 = arith.constant 5 : i32
      %dma_start3A_1181 = arith.constant 0 : i32
      %dma_start3A_1182 = arith.constant 0 : i32
      %dma_start3A_1183 = tpu.memref_slice %arg6[%dma_start3A_1180, %dma_start3A_1181, %dma_start3A_1182] : memref<8x100x64xf32, #tpu.memory_space<vmem>> -> memref<1x50x64xf32, #tpu.memory_space<vmem>>
      %dma_start3A_1184 = tpu.memref_squeeze %dma_start3A_1183 : memref<1x50x64xf32, #tpu.memory_space<vmem>> -> memref<50x64xf32, #tpu.memory_space<vmem>>
      %dma_start3A_1185 = arith.constant 0 : i32
      %dma_start3A_1186 = arith.constant 0 : i32
      %dma_start3A_1187 = tpu.memref_slice %arg4[%add3A_1179, %dma_start3A_1185, %dma_start3A_1186] : memref<16384x56x128xf32, #tpu.memory_space<hbm>> -> memref<1x50x64xf32, #tpu.memory_space<hbm>>
      %dma_start3A_1188 = tpu.memref_squeeze %dma_start3A_1187 : memref<1x50x64xf32, #tpu.memory_space<hbm>> -> memref<50x64xf32, #tpu.memory_space<hbm>>
      %dma_start3A_1189 = arith.constant 0 : i32
      %dma_start3A_1190 = arith.constant 0 : i32
      %dma_start3A_1191 = tpu.memref_slice %arg4[%add3A_1179, %dma_start3A_1189, %dma_start3A_1190] : memref<16384x56x128xf32, #tpu.memory_space<hbm>> -> memref<1x50x64xf32, #tpu.memory_space<hbm>>
      %dma_start3A_1192 = tpu.memref_squeeze %dma_start3A_1191 : memref<1x50x64xf32, #tpu.memory_space<hbm>> -> memref<50x64xf32, #tpu.memory_space<hbm>>
      %dma_start3A_1193 = arith.constant 0 : i32
      %dma_start3A_1194 = arith.constant 0 : i32
      %dma_start3A_1195 = tpu.memref_slice %arg6[%dma_start3A_1180, %dma_start3A_1193, %dma_start3A_1194] : memref<8x100x64xf32, #tpu.memory_space<vmem>> -> memref<1x50x64xf32, #tpu.memory_space<vmem>>
      %dma_start3A_1196 = tpu.memref_squeeze %dma_start3A_1195 : memref<1x50x64xf32, #tpu.memory_space<vmem>> -> memref<50x64xf32, #tpu.memory_space<vmem>>
      tpu.enqueue_dma source(%dma_start3A_1196 : memref<50x64xf32, #tpu.memory_space<vmem>>) target(%dma_start3A_1192 : memref<50x64xf32, #tpu.memory_space<hbm>>) target_semaphore(%arg20 : memref<!tpu.dma_semaphore, #tpu.memory_space<semaphore_mem>>)
      %mul3A_1197 = arith.constant 2 : i32
      %mul3A_1198 = arith.muli %mul3A_1197, %add3A_1163 : i32
      %add3A_1199 = arith.addi %mul3A_2, %mul3A_1198 : i32
      %add3A_1200 = arith.constant 1 : i32
      %add3A_1201 = arith.addi %add3A_1199, %add3A_1200 : i32
      %dma_start3A_1202 = arith.constant 5 : i32
      %dma_start3A_1203 = arith.constant 50 : i32
      %dma_start3A_1204 = arith.constant 0 : i32
      %dma_start3A_1205 = tpu.memref_slice %arg6[%dma_start3A_1202, %dma_start3A_1203, %dma_start3A_1204] : memref<8x100x64xf32, #tpu.memory_space<vmem>> -> memref<1x50x64xf32, #tpu.memory_space<vmem>>
      %dma_start3A_1206 = tpu.memref_squeeze %dma_start3A_1205 : memref<1x50x64xf32, #tpu.memory_space<vmem>> -> memref<50x64xf32, #tpu.memory_space<vmem>>
      %dma_start3A_1207 = arith.constant 0 : i32
      %dma_start3A_1208 = arith.constant 0 : i32
      %dma_start3A_1209 = tpu.memref_slice %arg4[%add3A_1201, %dma_start3A_1207, %dma_start3A_1208] : memref<16384x56x128xf32, #tpu.memory_space<hbm>> -> memref<1x50x64xf32, #tpu.memory_space<hbm>>
      %dma_start3A_1210 = tpu.memref_squeeze %dma_start3A_1209 : memref<1x50x64xf32, #tpu.memory_space<hbm>> -> memref<50x64xf32, #tpu.memory_space<hbm>>
      %dma_start3A_1211 = arith.constant 0 : i32
      %dma_start3A_1212 = arith.constant 0 : i32
      %dma_start3A_1213 = tpu.memref_slice %arg4[%add3A_1201, %dma_start3A_1211, %dma_start3A_1212] : memref<16384x56x128xf32, #tpu.memory_space<hbm>> -> memref<1x50x64xf32, #tpu.memory_space<hbm>>
      %dma_start3A_1214 = tpu.memref_squeeze %dma_start3A_1213 : memref<1x50x64xf32, #tpu.memory_space<hbm>> -> memref<50x64xf32, #tpu.memory_space<hbm>>
      %dma_start3A_1215 = arith.constant 50 : i32
      %dma_start3A_1216 = arith.constant 0 : i32
      %dma_start3A_1217 = tpu.memref_slice %arg6[%dma_start3A_1202, %dma_start3A_1215, %dma_start3A_1216] : memref<8x100x64xf32, #tpu.memory_space<vmem>> -> memref<1x50x64xf32, #tpu.memory_space<vmem>>
      %dma_start3A_1218 = tpu.memref_squeeze %dma_start3A_1217 : memref<1x50x64xf32, #tpu.memory_space<vmem>> -> memref<50x64xf32, #tpu.memory_space<vmem>>
      tpu.enqueue_dma source(%dma_start3A_1218 : memref<50x64xf32, #tpu.memory_space<vmem>>) target(%dma_start3A_1214 : memref<50x64xf32, #tpu.memory_space<hbm>>) target_semaphore(%arg20 : memref<!tpu.dma_semaphore, #tpu.memory_space<semaphore_mem>>)
      %dma_wait3A_1219 = arith.constant 3 : i32
      %dma_wait3A_1220 = arith.constant 0 : i32
      %dma_wait3A_1221 = arith.constant 0 : i32
      %dma_wait3A_1222 = arith.constant 0 : i32
      %dma_wait3A_1223 = tpu.memref_slice %arg6[%dma_wait3A_1219, %dma_wait3A_1221, %dma_wait3A_1222] : memref<8x100x64xf32, #tpu.memory_space<vmem>> -> memref<1x50x64xf32, #tpu.memory_space<vmem>>
      %dma_wait3A_1224 = tpu.memref_squeeze %dma_wait3A_1223 : memref<1x50x64xf32, #tpu.memory_space<vmem>> -> memref<50x64xf32, #tpu.memory_space<vmem>>
      %dma_wait3A_1225 = arith.constant 0 : i32
      %dma_wait3A_1226 = arith.constant 0 : i32
      %dma_wait3A_1227 = tpu.memref_slice %arg4[%dma_wait3A_1220, %dma_wait3A_1225, %dma_wait3A_1226] : memref<16384x56x128xf32, #tpu.memory_space<hbm>> -> memref<1x50x64xf32, #tpu.memory_space<hbm>>
      %dma_wait3A_1228 = tpu.memref_squeeze %dma_wait3A_1227 : memref<1x50x64xf32, #tpu.memory_space<hbm>> -> memref<50x64xf32, #tpu.memory_space<hbm>>
      %dma_wait3A_1229 = arith.constant 0 : i32
      %dma_wait3A_1230 = arith.constant 0 : i32
      %dma_wait3A_1231 = tpu.memref_slice %arg4[%dma_wait3A_1220, %dma_wait3A_1229, %dma_wait3A_1230] : memref<16384x56x128xf32, #tpu.memory_space<hbm>> -> memref<1x50x64xf32, #tpu.memory_space<hbm>>
      %dma_wait3A_1232 = tpu.memref_squeeze %dma_wait3A_1231 : memref<1x50x64xf32, #tpu.memory_space<hbm>> -> memref<50x64xf32, #tpu.memory_space<hbm>>
      %dma_wait3A_1233 = arith.constant 0 : i32
      %dma_wait3A_1234 = arith.constant 0 : i32
      %dma_wait3A_1235 = tpu.memref_slice %arg6[%dma_wait3A_1219, %dma_wait3A_1233, %dma_wait3A_1234] : memref<8x100x64xf32, #tpu.memory_space<vmem>> -> memref<1x50x64xf32, #tpu.memory_space<vmem>>
      %dma_wait3A_1236 = tpu.memref_squeeze %dma_wait3A_1235 : memref<1x50x64xf32, #tpu.memory_space<vmem>> -> memref<50x64xf32, #tpu.memory_space<vmem>>
      tpu.wait_dma2 semaphore(%arg18 : memref<!tpu.dma_semaphore, #tpu.memory_space<semaphore_mem>>) src(%dma_wait3A_1236 : memref<50x64xf32, #tpu.memory_space<vmem>>) dst(%dma_wait3A_1232 : memref<50x64xf32, #tpu.memory_space<hbm>>)
      %dma_wait3A_1237 = arith.constant 3 : i32
      %dma_wait3A_1238 = arith.constant 0 : i32
      %dma_wait3A_1239 = arith.constant 50 : i32
      %dma_wait3A_1240 = arith.constant 0 : i32
      %dma_wait3A_1241 = tpu.memref_slice %arg6[%dma_wait3A_1237, %dma_wait3A_1239, %dma_wait3A_1240] : memref<8x100x64xf32, #tpu.memory_space<vmem>> -> memref<1x50x64xf32, #tpu.memory_space<vmem>>
      %dma_wait3A_1242 = tpu.memref_squeeze %dma_wait3A_1241 : memref<1x50x64xf32, #tpu.memory_space<vmem>> -> memref<50x64xf32, #tpu.memory_space<vmem>>
      %dma_wait3A_1243 = arith.constant 0 : i32
      %dma_wait3A_1244 = arith.constant 0 : i32
      %dma_wait3A_1245 = tpu.memref_slice %arg4[%dma_wait3A_1238, %dma_wait3A_1243, %dma_wait3A_1244] : memref<16384x56x128xf32, #tpu.memory_space<hbm>> -> memref<1x50x64xf32, #tpu.memory_space<hbm>>
      %dma_wait3A_1246 = tpu.memref_squeeze %dma_wait3A_1245 : memref<1x50x64xf32, #tpu.memory_space<hbm>> -> memref<50x64xf32, #tpu.memory_space<hbm>>
      %dma_wait3A_1247 = arith.constant 0 : i32
      %dma_wait3A_1248 = arith.constant 0 : i32
      %dma_wait3A_1249 = tpu.memref_slice %arg4[%dma_wait3A_1238, %dma_wait3A_1247, %dma_wait3A_1248] : memref<16384x56x128xf32, #tpu.memory_space<hbm>> -> memref<1x50x64xf32, #tpu.memory_space<hbm>>
      %dma_wait3A_1250 = tpu.memref_squeeze %dma_wait3A_1249 : memref<1x50x64xf32, #tpu.memory_space<hbm>> -> memref<50x64xf32, #tpu.memory_space<hbm>>
      %dma_wait3A_1251 = arith.constant 50 : i32
      %dma_wait3A_1252 = arith.constant 0 : i32
      %dma_wait3A_1253 = tpu.memref_slice %arg6[%dma_wait3A_1237, %dma_wait3A_1251, %dma_wait3A_1252] : memref<8x100x64xf32, #tpu.memory_space<vmem>> -> memref<1x50x64xf32, #tpu.memory_space<vmem>>
      %dma_wait3A_1254 = tpu.memref_squeeze %dma_wait3A_1253 : memref<1x50x64xf32, #tpu.memory_space<vmem>> -> memref<50x64xf32, #tpu.memory_space<vmem>>
      tpu.wait_dma2 semaphore(%arg18 : memref<!tpu.dma_semaphore, #tpu.memory_space<semaphore_mem>>) src(%dma_wait3A_1254 : memref<50x64xf32, #tpu.memory_space<vmem>>) dst(%dma_wait3A_1250 : memref<50x64xf32, #tpu.memory_space<hbm>>)
      %add3A_1255 = arith.constant 6 : i32
      %add3A_1256 = arith.addi %add3A_1163, %add3A_1255 : i32
      %dma_start3A_1257 = arith.constant 3 : i32
      %dma_start3A_1258 = arith.constant 0 : i32
      %dma_start3A_1259 = arith.constant 0 : i32
      %dma_start3A_1260 = tpu.memref_slice %arg6[%dma_start3A_1257, %dma_start3A_1258, %dma_start3A_1259] : memref<8x100x64xf32, #tpu.memory_space<vmem>> -> memref<1x100x64xf32, #tpu.memory_space<vmem>>
      %dma_start3A_1261 = tpu.memref_squeeze %dma_start3A_1260 : memref<1x100x64xf32, #tpu.memory_space<vmem>> -> memref<100x64xf32, #tpu.memory_space<vmem>>
      %dma_start3A_1262 = arith.constant 0 : i32
      %dma_start3A_1263 = tpu.memref_slice %arg5[%add3A_1256, %dma_start3A_1262] : memref<256x100xi32, #tpu.memory_space<vmem>> -> memref<1x100xi32, #tpu.memory_space<vmem>>
      %dma_start3A_1264 = tpu.memref_squeeze %dma_start3A_1263 : memref<1x100xi32, #tpu.memory_space<vmem>> -> memref<100xi32, #tpu.memory_space<vmem>>
      %dma_start3A_1265 = arith.constant 0 : i32
      %dma_start3A_1266 = arith.constant 0 : i32
      %dma_start3A_1267 = tpu.memref_slice %arg2[%dma_start3A_1265, %dma_start3A_1266] : memref<1000000x64xf32, #tpu.memory_space<hbm>> -> memref<1000000x64xf32, #tpu.memory_space<hbm>>
      tpu.enqueue_indirect_dma source(%dma_start3A_1267 : memref<1000000x64xf32, #tpu.memory_space<hbm>>) target(%dma_start3A_1261 : memref<100x64xf32, #tpu.memory_space<vmem>>) offsets(%dma_start3A_1264 : memref<100xi32, #tpu.memory_space<vmem>>) semaphore(%arg10 : memref<!tpu.dma_semaphore, #tpu.memory_space<semaphore_mem>>)
      %mul3A_1268 = arith.constant 8 : i32
      %mul3A_1269 = arith.muli %add3A_827, %mul3A_1268 : i32
      %add3A_1270 = arith.constant 2 : i32
      %add3A_1271 = arith.addi %add3A_1270, %mul3A_1269 : i32
      %add3A_1272 = arith.constant 4 : i32
      %add3A_1273 = arith.addi %add3A_1271, %add3A_1272 : i32
      %dma_wait3A_1274 = arith.constant 6 : i32
      %dma_wait3A_1275 = arith.constant 0 : i32
      %dma_wait3A_1276 = arith.constant 0 : i32
      %dma_wait3A_1277 = tpu.memref_slice %arg6[%dma_wait3A_1274, %dma_wait3A_1275, %dma_wait3A_1276] : memref<8x100x64xf32, #tpu.memory_space<vmem>> -> memref<1x100x64xf32, #tpu.memory_space<vmem>>
      %dma_wait3A_1278 = tpu.memref_squeeze %dma_wait3A_1277 : memref<1x100x64xf32, #tpu.memory_space<vmem>> -> memref<100x64xf32, #tpu.memory_space<vmem>>
      %dma_wait3A_1279 = arith.constant 0 : i32
      %dma_wait3A_1280 = tpu.memref_slice %arg5[%add3A_1273, %dma_wait3A_1279] : memref<256x100xi32, #tpu.memory_space<vmem>> -> memref<1x100xi32, #tpu.memory_space<vmem>>
      %dma_wait3A_1281 = tpu.memref_squeeze %dma_wait3A_1280 : memref<1x100xi32, #tpu.memory_space<vmem>> -> memref<100xi32, #tpu.memory_space<vmem>>
      %dma_wait3A_1282 = arith.constant 0 : i32
      %dma_wait3A_1283 = arith.constant 0 : i32
      %dma_wait3A_1284 = tpu.memref_slice %arg2[%dma_wait3A_1282, %dma_wait3A_1283] : memref<1000000x64xf32, #tpu.memory_space<hbm>> -> memref<1000000x64xf32, #tpu.memory_space<hbm>>
      tpu.wait_indirect_dma semaphore(%arg13 : memref<!tpu.dma_semaphore, #tpu.memory_space<semaphore_mem>>) src(%dma_wait3A_1284 : memref<1000000x64xf32, #tpu.memory_space<hbm>>) dst(%dma_wait3A_1278 : memref<100x64xf32, #tpu.memory_space<vmem>>)
      %mul3A_1285 = arith.constant 2 : i32
      %mul3A_1286 = arith.muli %mul3A_1285, %add3A_1273 : i32
      %add3A_1287 = arith.addi %mul3A_2, %mul3A_1286 : i32
      %add3A_1288 = arith.constant 0 : i32
      %add3A_1289 = arith.addi %add3A_1287, %add3A_1288 : i32
      %dma_start3A_1290 = arith.constant 6 : i32
      %dma_start3A_1291 = arith.constant 0 : i32
      %dma_start3A_1292 = arith.constant 0 : i32
      %dma_start3A_1293 = tpu.memref_slice %arg6[%dma_start3A_1290, %dma_start3A_1291, %dma_start3A_1292] : memref<8x100x64xf32, #tpu.memory_space<vmem>> -> memref<1x50x64xf32, #tpu.memory_space<vmem>>
      %dma_start3A_1294 = tpu.memref_squeeze %dma_start3A_1293 : memref<1x50x64xf32, #tpu.memory_space<vmem>> -> memref<50x64xf32, #tpu.memory_space<vmem>>
      %dma_start3A_1295 = arith.constant 0 : i32
      %dma_start3A_1296 = arith.constant 0 : i32
      %dma_start3A_1297 = tpu.memref_slice %arg4[%add3A_1289, %dma_start3A_1295, %dma_start3A_1296] : memref<16384x56x128xf32, #tpu.memory_space<hbm>> -> memref<1x50x64xf32, #tpu.memory_space<hbm>>
      %dma_start3A_1298 = tpu.memref_squeeze %dma_start3A_1297 : memref<1x50x64xf32, #tpu.memory_space<hbm>> -> memref<50x64xf32, #tpu.memory_space<hbm>>
      %dma_start3A_1299 = arith.constant 0 : i32
      %dma_start3A_1300 = arith.constant 0 : i32
      %dma_start3A_1301 = tpu.memref_slice %arg4[%add3A_1289, %dma_start3A_1299, %dma_start3A_1300] : memref<16384x56x128xf32, #tpu.memory_space<hbm>> -> memref<1x50x64xf32, #tpu.memory_space<hbm>>
      %dma_start3A_1302 = tpu.memref_squeeze %dma_start3A_1301 : memref<1x50x64xf32, #tpu.memory_space<hbm>> -> memref<50x64xf32, #tpu.memory_space<hbm>>
      %dma_start3A_1303 = arith.constant 0 : i32
      %dma_start3A_1304 = arith.constant 0 : i32
      %dma_start3A_1305 = tpu.memref_slice %arg6[%dma_start3A_1290, %dma_start3A_1303, %dma_start3A_1304] : memref<8x100x64xf32, #tpu.memory_space<vmem>> -> memref<1x50x64xf32, #tpu.memory_space<vmem>>
      %dma_start3A_1306 = tpu.memref_squeeze %dma_start3A_1305 : memref<1x50x64xf32, #tpu.memory_space<vmem>> -> memref<50x64xf32, #tpu.memory_space<vmem>>
      tpu.enqueue_dma source(%dma_start3A_1306 : memref<50x64xf32, #tpu.memory_space<vmem>>) target(%dma_start3A_1302 : memref<50x64xf32, #tpu.memory_space<hbm>>) target_semaphore(%arg21 : memref<!tpu.dma_semaphore, #tpu.memory_space<semaphore_mem>>)
      %mul3A_1307 = arith.constant 2 : i32
      %mul3A_1308 = arith.muli %mul3A_1307, %add3A_1273 : i32
      %add3A_1309 = arith.addi %mul3A_2, %mul3A_1308 : i32
      %add3A_1310 = arith.constant 1 : i32
      %add3A_1311 = arith.addi %add3A_1309, %add3A_1310 : i32
      %dma_start3A_1312 = arith.constant 6 : i32
      %dma_start3A_1313 = arith.constant 50 : i32
      %dma_start3A_1314 = arith.constant 0 : i32
      %dma_start3A_1315 = tpu.memref_slice %arg6[%dma_start3A_1312, %dma_start3A_1313, %dma_start3A_1314] : memref<8x100x64xf32, #tpu.memory_space<vmem>> -> memref<1x50x64xf32, #tpu.memory_space<vmem>>
      %dma_start3A_1316 = tpu.memref_squeeze %dma_start3A_1315 : memref<1x50x64xf32, #tpu.memory_space<vmem>> -> memref<50x64xf32, #tpu.memory_space<vmem>>
      %dma_start3A_1317 = arith.constant 0 : i32
      %dma_start3A_1318 = arith.constant 0 : i32
      %dma_start3A_1319 = tpu.memref_slice %arg4[%add3A_1311, %dma_start3A_1317, %dma_start3A_1318] : memref<16384x56x128xf32, #tpu.memory_space<hbm>> -> memref<1x50x64xf32, #tpu.memory_space<hbm>>
      %dma_start3A_1320 = tpu.memref_squeeze %dma_start3A_1319 : memref<1x50x64xf32, #tpu.memory_space<hbm>> -> memref<50x64xf32, #tpu.memory_space<hbm>>
      %dma_start3A_1321 = arith.constant 0 : i32
      %dma_start3A_1322 = arith.constant 0 : i32
      %dma_start3A_1323 = tpu.memref_slice %arg4[%add3A_1311, %dma_start3A_1321, %dma_start3A_1322] : memref<16384x56x128xf32, #tpu.memory_space<hbm>> -> memref<1x50x64xf32, #tpu.memory_space<hbm>>
      %dma_start3A_1324 = tpu.memref_squeeze %dma_start3A_1323 : memref<1x50x64xf32, #tpu.memory_space<hbm>> -> memref<50x64xf32, #tpu.memory_space<hbm>>
      %dma_start3A_1325 = arith.constant 50 : i32
      %dma_start3A_1326 = arith.constant 0 : i32
      %dma_start3A_1327 = tpu.memref_slice %arg6[%dma_start3A_1312, %dma_start3A_1325, %dma_start3A_1326] : memref<8x100x64xf32, #tpu.memory_space<vmem>> -> memref<1x50x64xf32, #tpu.memory_space<vmem>>
      %dma_start3A_1328 = tpu.memref_squeeze %dma_start3A_1327 : memref<1x50x64xf32, #tpu.memory_space<vmem>> -> memref<50x64xf32, #tpu.memory_space<vmem>>
      tpu.enqueue_dma source(%dma_start3A_1328 : memref<50x64xf32, #tpu.memory_space<vmem>>) target(%dma_start3A_1324 : memref<50x64xf32, #tpu.memory_space<hbm>>) target_semaphore(%arg21 : memref<!tpu.dma_semaphore, #tpu.memory_space<semaphore_mem>>)
      %dma_wait3A_1329 = arith.constant 4 : i32
      %dma_wait3A_1330 = arith.constant 0 : i32
      %dma_wait3A_1331 = arith.constant 0 : i32
      %dma_wait3A_1332 = arith.constant 0 : i32
      %dma_wait3A_1333 = tpu.memref_slice %arg6[%dma_wait3A_1329, %dma_wait3A_1331, %dma_wait3A_1332] : memref<8x100x64xf32, #tpu.memory_space<vmem>> -> memref<1x50x64xf32, #tpu.memory_space<vmem>>
      %dma_wait3A_1334 = tpu.memref_squeeze %dma_wait3A_1333 : memref<1x50x64xf32, #tpu.memory_space<vmem>> -> memref<50x64xf32, #tpu.memory_space<vmem>>
      %dma_wait3A_1335 = arith.constant 0 : i32
      %dma_wait3A_1336 = arith.constant 0 : i32
      %dma_wait3A_1337 = tpu.memref_slice %arg4[%dma_wait3A_1330, %dma_wait3A_1335, %dma_wait3A_1336] : memref<16384x56x128xf32, #tpu.memory_space<hbm>> -> memref<1x50x64xf32, #tpu.memory_space<hbm>>
      %dma_wait3A_1338 = tpu.memref_squeeze %dma_wait3A_1337 : memref<1x50x64xf32, #tpu.memory_space<hbm>> -> memref<50x64xf32, #tpu.memory_space<hbm>>
      %dma_wait3A_1339 = arith.constant 0 : i32
      %dma_wait3A_1340 = arith.constant 0 : i32
      %dma_wait3A_1341 = tpu.memref_slice %arg4[%dma_wait3A_1330, %dma_wait3A_1339, %dma_wait3A_1340] : memref<16384x56x128xf32, #tpu.memory_space<hbm>> -> memref<1x50x64xf32, #tpu.memory_space<hbm>>
      %dma_wait3A_1342 = tpu.memref_squeeze %dma_wait3A_1341 : memref<1x50x64xf32, #tpu.memory_space<hbm>> -> memref<50x64xf32, #tpu.memory_space<hbm>>
      %dma_wait3A_1343 = arith.constant 0 : i32
      %dma_wait3A_1344 = arith.constant 0 : i32
      %dma_wait3A_1345 = tpu.memref_slice %arg6[%dma_wait3A_1329, %dma_wait3A_1343, %dma_wait3A_1344] : memref<8x100x64xf32, #tpu.memory_space<vmem>> -> memref<1x50x64xf32, #tpu.memory_space<vmem>>
      %dma_wait3A_1346 = tpu.memref_squeeze %dma_wait3A_1345 : memref<1x50x64xf32, #tpu.memory_space<vmem>> -> memref<50x64xf32, #tpu.memory_space<vmem>>
      tpu.wait_dma2 semaphore(%arg19 : memref<!tpu.dma_semaphore, #tpu.memory_space<semaphore_mem>>) src(%dma_wait3A_1346 : memref<50x64xf32, #tpu.memory_space<vmem>>) dst(%dma_wait3A_1342 : memref<50x64xf32, #tpu.memory_space<hbm>>)
      %dma_wait3A_1347 = arith.constant 4 : i32
      %dma_wait3A_1348 = arith.constant 0 : i32
      %dma_wait3A_1349 = arith.constant 50 : i32
      %dma_wait3A_1350 = arith.constant 0 : i32
      %dma_wait3A_1351 = tpu.memref_slice %arg6[%dma_wait3A_1347, %dma_wait3A_1349, %dma_wait3A_1350] : memref<8x100x64xf32, #tpu.memory_space<vmem>> -> memref<1x50x64xf32, #tpu.memory_space<vmem>>
      %dma_wait3A_1352 = tpu.memref_squeeze %dma_wait3A_1351 : memref<1x50x64xf32, #tpu.memory_space<vmem>> -> memref<50x64xf32, #tpu.memory_space<vmem>>
      %dma_wait3A_1353 = arith.constant 0 : i32
      %dma_wait3A_1354 = arith.constant 0 : i32
      %dma_wait3A_1355 = tpu.memref_slice %arg4[%dma_wait3A_1348, %dma_wait3A_1353, %dma_wait3A_1354] : memref<16384x56x128xf32, #tpu.memory_space<hbm>> -> memref<1x50x64xf32, #tpu.memory_space<hbm>>
      %dma_wait3A_1356 = tpu.memref_squeeze %dma_wait3A_1355 : memref<1x50x64xf32, #tpu.memory_space<hbm>> -> memref<50x64xf32, #tpu.memory_space<hbm>>
      %dma_wait3A_1357 = arith.constant 0 : i32
      %dma_wait3A_1358 = arith.constant 0 : i32
      %dma_wait3A_1359 = tpu.memref_slice %arg4[%dma_wait3A_1348, %dma_wait3A_1357, %dma_wait3A_1358] : memref<16384x56x128xf32, #tpu.memory_space<hbm>> -> memref<1x50x64xf32, #tpu.memory_space<hbm>>
      %dma_wait3A_1360 = tpu.memref_squeeze %dma_wait3A_1359 : memref<1x50x64xf32, #tpu.memory_space<hbm>> -> memref<50x64xf32, #tpu.memory_space<hbm>>
      %dma_wait3A_1361 = arith.constant 50 : i32
      %dma_wait3A_1362 = arith.constant 0 : i32
      %dma_wait3A_1363 = tpu.memref_slice %arg6[%dma_wait3A_1347, %dma_wait3A_1361, %dma_wait3A_1362] : memref<8x100x64xf32, #tpu.memory_space<vmem>> -> memref<1x50x64xf32, #tpu.memory_space<vmem>>
      %dma_wait3A_1364 = tpu.memref_squeeze %dma_wait3A_1363 : memref<1x50x64xf32, #tpu.memory_space<vmem>> -> memref<50x64xf32, #tpu.memory_space<vmem>>
      tpu.wait_dma2 semaphore(%arg19 : memref<!tpu.dma_semaphore, #tpu.memory_space<semaphore_mem>>) src(%dma_wait3A_1364 : memref<50x64xf32, #tpu.memory_space<vmem>>) dst(%dma_wait3A_1360 : memref<50x64xf32, #tpu.memory_space<hbm>>)
      %add3A_1365 = arith.constant 6 : i32
      %add3A_1366 = arith.addi %add3A_1273, %add3A_1365 : i32
      %dma_start3A_1367 = arith.constant 4 : i32
      %dma_start3A_1368 = arith.constant 0 : i32
      %dma_start3A_1369 = arith.constant 0 : i32
      %dma_start3A_1370 = tpu.memref_slice %arg6[%dma_start3A_1367, %dma_start3A_1368, %dma_start3A_1369] : memref<8x100x64xf32, #tpu.memory_space<vmem>> -> memref<1x100x64xf32, #tpu.memory_space<vmem>>
      %dma_start3A_1371 = tpu.memref_squeeze %dma_start3A_1370 : memref<1x100x64xf32, #tpu.memory_space<vmem>> -> memref<100x64xf32, #tpu.memory_space<vmem>>
      %dma_start3A_1372 = arith.constant 0 : i32
      %dma_start3A_1373 = tpu.memref_slice %arg5[%add3A_1366, %dma_start3A_1372] : memref<256x100xi32, #tpu.memory_space<vmem>> -> memref<1x100xi32, #tpu.memory_space<vmem>>
      %dma_start3A_1374 = tpu.memref_squeeze %dma_start3A_1373 : memref<1x100xi32, #tpu.memory_space<vmem>> -> memref<100xi32, #tpu.memory_space<vmem>>
      %dma_start3A_1375 = arith.constant 0 : i32
      %dma_start3A_1376 = arith.constant 0 : i32
      %dma_start3A_1377 = tpu.memref_slice %arg2[%dma_start3A_1375, %dma_start3A_1376] : memref<1000000x64xf32, #tpu.memory_space<hbm>> -> memref<1000000x64xf32, #tpu.memory_space<hbm>>
      tpu.enqueue_indirect_dma source(%dma_start3A_1377 : memref<1000000x64xf32, #tpu.memory_space<hbm>>) target(%dma_start3A_1371 : memref<100x64xf32, #tpu.memory_space<vmem>>) offsets(%dma_start3A_1374 : memref<100xi32, #tpu.memory_space<vmem>>) semaphore(%arg11 : memref<!tpu.dma_semaphore, #tpu.memory_space<semaphore_mem>>)
      %mul3A_1378 = arith.constant 8 : i32
      %mul3A_1379 = arith.muli %add3A_827, %mul3A_1378 : i32
      %add3A_1380 = arith.constant 2 : i32
      %add3A_1381 = arith.addi %add3A_1380, %mul3A_1379 : i32
      %add3A_1382 = arith.constant 5 : i32
      %add3A_1383 = arith.addi %add3A_1381, %add3A_1382 : i32
      %dma_wait3A_1384 = arith.constant 7 : i32
      %dma_wait3A_1385 = arith.constant 0 : i32
      %dma_wait3A_1386 = arith.constant 0 : i32
      %dma_wait3A_1387 = tpu.memref_slice %arg6[%dma_wait3A_1384, %dma_wait3A_1385, %dma_wait3A_1386] : memref<8x100x64xf32, #tpu.memory_space<vmem>> -> memref<1x100x64xf32, #tpu.memory_space<vmem>>
      %dma_wait3A_1388 = tpu.memref_squeeze %dma_wait3A_1387 : memref<1x100x64xf32, #tpu.memory_space<vmem>> -> memref<100x64xf32, #tpu.memory_space<vmem>>
      %dma_wait3A_1389 = arith.constant 0 : i32
      %dma_wait3A_1390 = tpu.memref_slice %arg5[%add3A_1383, %dma_wait3A_1389] : memref<256x100xi32, #tpu.memory_space<vmem>> -> memref<1x100xi32, #tpu.memory_space<vmem>>
      %dma_wait3A_1391 = tpu.memref_squeeze %dma_wait3A_1390 : memref<1x100xi32, #tpu.memory_space<vmem>> -> memref<100xi32, #tpu.memory_space<vmem>>
      %dma_wait3A_1392 = arith.constant 0 : i32
      %dma_wait3A_1393 = arith.constant 0 : i32
      %dma_wait3A_1394 = tpu.memref_slice %arg2[%dma_wait3A_1392, %dma_wait3A_1393] : memref<1000000x64xf32, #tpu.memory_space<hbm>> -> memref<1000000x64xf32, #tpu.memory_space<hbm>>
      tpu.wait_indirect_dma semaphore(%arg14 : memref<!tpu.dma_semaphore, #tpu.memory_space<semaphore_mem>>) src(%dma_wait3A_1394 : memref<1000000x64xf32, #tpu.memory_space<hbm>>) dst(%dma_wait3A_1388 : memref<100x64xf32, #tpu.memory_space<vmem>>)
      %mul3A_1395 = arith.constant 2 : i32
      %mul3A_1396 = arith.muli %mul3A_1395, %add3A_1383 : i32
      %add3A_1397 = arith.addi %mul3A_2, %mul3A_1396 : i32
      %add3A_1398 = arith.constant 0 : i32
      %add3A_1399 = arith.addi %add3A_1397, %add3A_1398 : i32
      %dma_start3A_1400 = arith.constant 7 : i32
      %dma_start3A_1401 = arith.constant 0 : i32
      %dma_start3A_1402 = arith.constant 0 : i32
      %dma_start3A_1403 = tpu.memref_slice %arg6[%dma_start3A_1400, %dma_start3A_1401, %dma_start3A_1402] : memref<8x100x64xf32, #tpu.memory_space<vmem>> -> memref<1x50x64xf32, #tpu.memory_space<vmem>>
      %dma_start3A_1404 = tpu.memref_squeeze %dma_start3A_1403 : memref<1x50x64xf32, #tpu.memory_space<vmem>> -> memref<50x64xf32, #tpu.memory_space<vmem>>
      %dma_start3A_1405 = arith.constant 0 : i32
      %dma_start3A_1406 = arith.constant 0 : i32
      %dma_start3A_1407 = tpu.memref_slice %arg4[%add3A_1399, %dma_start3A_1405, %dma_start3A_1406] : memref<16384x56x128xf32, #tpu.memory_space<hbm>> -> memref<1x50x64xf32, #tpu.memory_space<hbm>>
      %dma_start3A_1408 = tpu.memref_squeeze %dma_start3A_1407 : memref<1x50x64xf32, #tpu.memory_space<hbm>> -> memref<50x64xf32, #tpu.memory_space<hbm>>
      %dma_start3A_1409 = arith.constant 0 : i32
      %dma_start3A_1410 = arith.constant 0 : i32
      %dma_start3A_1411 = tpu.memref_slice %arg4[%add3A_1399, %dma_start3A_1409, %dma_start3A_1410] : memref<16384x56x128xf32, #tpu.memory_space<hbm>> -> memref<1x50x64xf32, #tpu.memory_space<hbm>>
      %dma_start3A_1412 = tpu.memref_squeeze %dma_start3A_1411 : memref<1x50x64xf32, #tpu.memory_space<hbm>> -> memref<50x64xf32, #tpu.memory_space<hbm>>
      %dma_start3A_1413 = arith.constant 0 : i32
      %dma_start3A_1414 = arith.constant 0 : i32
      %dma_start3A_1415 = tpu.memref_slice %arg6[%dma_start3A_1400, %dma_start3A_1413, %dma_start3A_1414] : memref<8x100x64xf32, #tpu.memory_space<vmem>> -> memref<1x50x64xf32, #tpu.memory_space<vmem>>
      %dma_start3A_1416 = tpu.memref_squeeze %dma_start3A_1415 : memref<1x50x64xf32, #tpu.memory_space<vmem>> -> memref<50x64xf32, #tpu.memory_space<vmem>>
      tpu.enqueue_dma source(%dma_start3A_1416 : memref<50x64xf32, #tpu.memory_space<vmem>>) target(%dma_start3A_1412 : memref<50x64xf32, #tpu.memory_space<hbm>>) target_semaphore(%arg22 : memref<!tpu.dma_semaphore, #tpu.memory_space<semaphore_mem>>)
      %mul3A_1417 = arith.constant 2 : i32
      %mul3A_1418 = arith.muli %mul3A_1417, %add3A_1383 : i32
      %add3A_1419 = arith.addi %mul3A_2, %mul3A_1418 : i32
      %add3A_1420 = arith.constant 1 : i32
      %add3A_1421 = arith.addi %add3A_1419, %add3A_1420 : i32
      %dma_start3A_1422 = arith.constant 7 : i32
      %dma_start3A_1423 = arith.constant 50 : i32
      %dma_start3A_1424 = arith.constant 0 : i32
      %dma_start3A_1425 = tpu.memref_slice %arg6[%dma_start3A_1422, %dma_start3A_1423, %dma_start3A_1424] : memref<8x100x64xf32, #tpu.memory_space<vmem>> -> memref<1x50x64xf32, #tpu.memory_space<vmem>>
      %dma_start3A_1426 = tpu.memref_squeeze %dma_start3A_1425 : memref<1x50x64xf32, #tpu.memory_space<vmem>> -> memref<50x64xf32, #tpu.memory_space<vmem>>
      %dma_start3A_1427 = arith.constant 0 : i32
      %dma_start3A_1428 = arith.constant 0 : i32
      %dma_start3A_1429 = tpu.memref_slice %arg4[%add3A_1421, %dma_start3A_1427, %dma_start3A_1428] : memref<16384x56x128xf32, #tpu.memory_space<hbm>> -> memref<1x50x64xf32, #tpu.memory_space<hbm>>
      %dma_start3A_1430 = tpu.memref_squeeze %dma_start3A_1429 : memref<1x50x64xf32, #tpu.memory_space<hbm>> -> memref<50x64xf32, #tpu.memory_space<hbm>>
      %dma_start3A_1431 = arith.constant 0 : i32
      %dma_start3A_1432 = arith.constant 0 : i32
      %dma_start3A_1433 = tpu.memref_slice %arg4[%add3A_1421, %dma_start3A_1431, %dma_start3A_1432] : memref<16384x56x128xf32, #tpu.memory_space<hbm>> -> memref<1x50x64xf32, #tpu.memory_space<hbm>>
      %dma_start3A_1434 = tpu.memref_squeeze %dma_start3A_1433 : memref<1x50x64xf32, #tpu.memory_space<hbm>> -> memref<50x64xf32, #tpu.memory_space<hbm>>
      %dma_start3A_1435 = arith.constant 50 : i32
      %dma_start3A_1436 = arith.constant 0 : i32
      %dma_start3A_1437 = tpu.memref_slice %arg6[%dma_start3A_1422, %dma_start3A_1435, %dma_start3A_1436] : memref<8x100x64xf32, #tpu.memory_space<vmem>> -> memref<1x50x64xf32, #tpu.memory_space<vmem>>
      %dma_start3A_1438 = tpu.memref_squeeze %dma_start3A_1437 : memref<1x50x64xf32, #tpu.memory_space<vmem>> -> memref<50x64xf32, #tpu.memory_space<vmem>>
      tpu.enqueue_dma source(%dma_start3A_1438 : memref<50x64xf32, #tpu.memory_space<vmem>>) target(%dma_start3A_1434 : memref<50x64xf32, #tpu.memory_space<hbm>>) target_semaphore(%arg22 : memref<!tpu.dma_semaphore, #tpu.memory_space<semaphore_mem>>)
      %dma_wait3A_1439 = arith.constant 5 : i32
      %dma_wait3A_1440 = arith.constant 0 : i32
      %dma_wait3A_1441 = arith.constant 0 : i32
      %dma_wait3A_1442 = arith.constant 0 : i32
      %dma_wait3A_1443 = tpu.memref_slice %arg6[%dma_wait3A_1439, %dma_wait3A_1441, %dma_wait3A_1442] : memref<8x100x64xf32, #tpu.memory_space<vmem>> -> memref<1x50x64xf32, #tpu.memory_space<vmem>>
      %dma_wait3A_1444 = tpu.memref_squeeze %dma_wait3A_1443 : memref<1x50x64xf32, #tpu.memory_space<vmem>> -> memref<50x64xf32, #tpu.memory_space<vmem>>
      %dma_wait3A_1445 = arith.constant 0 : i32
      %dma_wait3A_1446 = arith.constant 0 : i32
      %dma_wait3A_1447 = tpu.memref_slice %arg4[%dma_wait3A_1440, %dma_wait3A_1445, %dma_wait3A_1446] : memref<16384x56x128xf32, #tpu.memory_space<hbm>> -> memref<1x50x64xf32, #tpu.memory_space<hbm>>
      %dma_wait3A_1448 = tpu.memref_squeeze %dma_wait3A_1447 : memref<1x50x64xf32, #tpu.memory_space<hbm>> -> memref<50x64xf32, #tpu.memory_space<hbm>>
      %dma_wait3A_1449 = arith.constant 0 : i32
      %dma_wait3A_1450 = arith.constant 0 : i32
      %dma_wait3A_1451 = tpu.memref_slice %arg4[%dma_wait3A_1440, %dma_wait3A_1449, %dma_wait3A_1450] : memref<16384x56x128xf32, #tpu.memory_space<hbm>> -> memref<1x50x64xf32, #tpu.memory_space<hbm>>
      %dma_wait3A_1452 = tpu.memref_squeeze %dma_wait3A_1451 : memref<1x50x64xf32, #tpu.memory_space<hbm>> -> memref<50x64xf32, #tpu.memory_space<hbm>>
      %dma_wait3A_1453 = arith.constant 0 : i32
      %dma_wait3A_1454 = arith.constant 0 : i32
      %dma_wait3A_1455 = tpu.memref_slice %arg6[%dma_wait3A_1439, %dma_wait3A_1453, %dma_wait3A_1454] : memref<8x100x64xf32, #tpu.memory_space<vmem>> -> memref<1x50x64xf32, #tpu.memory_space<vmem>>
      %dma_wait3A_1456 = tpu.memref_squeeze %dma_wait3A_1455 : memref<1x50x64xf32, #tpu.memory_space<vmem>> -> memref<50x64xf32, #tpu.memory_space<vmem>>
      tpu.wait_dma2 semaphore(%arg20 : memref<!tpu.dma_semaphore, #tpu.memory_space<semaphore_mem>>) src(%dma_wait3A_1456 : memref<50x64xf32, #tpu.memory_space<vmem>>) dst(%dma_wait3A_1452 : memref<50x64xf32, #tpu.memory_space<hbm>>)
      %dma_wait3A_1457 = arith.constant 5 : i32
      %dma_wait3A_1458 = arith.constant 0 : i32
      %dma_wait3A_1459 = arith.constant 50 : i32
      %dma_wait3A_1460 = arith.constant 0 : i32
      %dma_wait3A_1461 = tpu.memref_slice %arg6[%dma_wait3A_1457, %dma_wait3A_1459, %dma_wait3A_1460] : memref<8x100x64xf32, #tpu.memory_space<vmem>> -> memref<1x50x64xf32, #tpu.memory_space<vmem>>
      %dma_wait3A_1462 = tpu.memref_squeeze %dma_wait3A_1461 : memref<1x50x64xf32, #tpu.memory_space<vmem>> -> memref<50x64xf32, #tpu.memory_space<vmem>>
      %dma_wait3A_1463 = arith.constant 0 : i32
      %dma_wait3A_1464 = arith.constant 0 : i32
      %dma_wait3A_1465 = tpu.memref_slice %arg4[%dma_wait3A_1458, %dma_wait3A_1463, %dma_wait3A_1464] : memref<16384x56x128xf32, #tpu.memory_space<hbm>> -> memref<1x50x64xf32, #tpu.memory_space<hbm>>
      %dma_wait3A_1466 = tpu.memref_squeeze %dma_wait3A_1465 : memref<1x50x64xf32, #tpu.memory_space<hbm>> -> memref<50x64xf32, #tpu.memory_space<hbm>>
      %dma_wait3A_1467 = arith.constant 0 : i32
      %dma_wait3A_1468 = arith.constant 0 : i32
      %dma_wait3A_1469 = tpu.memref_slice %arg4[%dma_wait3A_1458, %dma_wait3A_1467, %dma_wait3A_1468] : memref<16384x56x128xf32, #tpu.memory_space<hbm>> -> memref<1x50x64xf32, #tpu.memory_space<hbm>>
      %dma_wait3A_1470 = tpu.memref_squeeze %dma_wait3A_1469 : memref<1x50x64xf32, #tpu.memory_space<hbm>> -> memref<50x64xf32, #tpu.memory_space<hbm>>
      %dma_wait3A_1471 = arith.constant 50 : i32
      %dma_wait3A_1472 = arith.constant 0 : i32
      %dma_wait3A_1473 = tpu.memref_slice %arg6[%dma_wait3A_1457, %dma_wait3A_1471, %dma_wait3A_1472] : memref<8x100x64xf32, #tpu.memory_space<vmem>> -> memref<1x50x64xf32, #tpu.memory_space<vmem>>
      %dma_wait3A_1474 = tpu.memref_squeeze %dma_wait3A_1473 : memref<1x50x64xf32, #tpu.memory_space<vmem>> -> memref<50x64xf32, #tpu.memory_space<vmem>>
      tpu.wait_dma2 semaphore(%arg20 : memref<!tpu.dma_semaphore, #tpu.memory_space<semaphore_mem>>) src(%dma_wait3A_1474 : memref<50x64xf32, #tpu.memory_space<vmem>>) dst(%dma_wait3A_1470 : memref<50x64xf32, #tpu.memory_space<hbm>>)
      %add3A_1475 = arith.constant 6 : i32
      %add3A_1476 = arith.addi %add3A_1383, %add3A_1475 : i32
      %dma_start3A_1477 = arith.constant 5 : i32
      %dma_start3A_1478 = arith.constant 0 : i32
      %dma_start3A_1479 = arith.constant 0 : i32
      %dma_start3A_1480 = tpu.memref_slice %arg6[%dma_start3A_1477, %dma_start3A_1478, %dma_start3A_1479] : memref<8x100x64xf32, #tpu.memory_space<vmem>> -> memref<1x100x64xf32, #tpu.memory_space<vmem>>
      %dma_start3A_1481 = tpu.memref_squeeze %dma_start3A_1480 : memref<1x100x64xf32, #tpu.memory_space<vmem>> -> memref<100x64xf32, #tpu.memory_space<vmem>>
      %dma_start3A_1482 = arith.constant 0 : i32
      %dma_start3A_1483 = tpu.memref_slice %arg5[%add3A_1476, %dma_start3A_1482] : memref<256x100xi32, #tpu.memory_space<vmem>> -> memref<1x100xi32, #tpu.memory_space<vmem>>
      %dma_start3A_1484 = tpu.memref_squeeze %dma_start3A_1483 : memref<1x100xi32, #tpu.memory_space<vmem>> -> memref<100xi32, #tpu.memory_space<vmem>>
      %dma_start3A_1485 = arith.constant 0 : i32
      %dma_start3A_1486 = arith.constant 0 : i32
      %dma_start3A_1487 = tpu.memref_slice %arg2[%dma_start3A_1485, %dma_start3A_1486] : memref<1000000x64xf32, #tpu.memory_space<hbm>> -> memref<1000000x64xf32, #tpu.memory_space<hbm>>
      tpu.enqueue_indirect_dma source(%dma_start3A_1487 : memref<1000000x64xf32, #tpu.memory_space<hbm>>) target(%dma_start3A_1481 : memref<100x64xf32, #tpu.memory_space<vmem>>) offsets(%dma_start3A_1484 : memref<100xi32, #tpu.memory_space<vmem>>) semaphore(%arg12 : memref<!tpu.dma_semaphore, #tpu.memory_space<semaphore_mem>>)
      %mul3A_1488 = arith.constant 8 : i32
      %mul3A_1489 = arith.muli %add3A_827, %mul3A_1488 : i32
      %add3A_1490 = arith.constant 2 : i32
      %add3A_1491 = arith.addi %add3A_1490, %mul3A_1489 : i32
      %add3A_1492 = arith.constant 6 : i32
      %add3A_1493 = arith.addi %add3A_1491, %add3A_1492 : i32
      %dma_wait3A_1494 = arith.constant 0 : i32
      %dma_wait3A_1495 = arith.constant 0 : i32
      %dma_wait3A_1496 = arith.constant 0 : i32
      %dma_wait3A_1497 = tpu.memref_slice %arg6[%dma_wait3A_1494, %dma_wait3A_1495, %dma_wait3A_1496] : memref<8x100x64xf32, #tpu.memory_space<vmem>> -> memref<1x100x64xf32, #tpu.memory_space<vmem>>
      %dma_wait3A_1498 = tpu.memref_squeeze %dma_wait3A_1497 : memref<1x100x64xf32, #tpu.memory_space<vmem>> -> memref<100x64xf32, #tpu.memory_space<vmem>>
      %dma_wait3A_1499 = arith.constant 0 : i32
      %dma_wait3A_1500 = tpu.memref_slice %arg5[%add3A_1493, %dma_wait3A_1499] : memref<256x100xi32, #tpu.memory_space<vmem>> -> memref<1x100xi32, #tpu.memory_space<vmem>>
      %dma_wait3A_1501 = tpu.memref_squeeze %dma_wait3A_1500 : memref<1x100xi32, #tpu.memory_space<vmem>> -> memref<100xi32, #tpu.memory_space<vmem>>
      %dma_wait3A_1502 = arith.constant 0 : i32
      %dma_wait3A_1503 = arith.constant 0 : i32
      %dma_wait3A_1504 = tpu.memref_slice %arg2[%dma_wait3A_1502, %dma_wait3A_1503] : memref<1000000x64xf32, #tpu.memory_space<hbm>> -> memref<1000000x64xf32, #tpu.memory_space<hbm>>
      tpu.wait_indirect_dma semaphore(%arg7 : memref<!tpu.dma_semaphore, #tpu.memory_space<semaphore_mem>>) src(%dma_wait3A_1504 : memref<1000000x64xf32, #tpu.memory_space<hbm>>) dst(%dma_wait3A_1498 : memref<100x64xf32, #tpu.memory_space<vmem>>)
      %mul3A_1505 = arith.constant 2 : i32
      %mul3A_1506 = arith.muli %mul3A_1505, %add3A_1493 : i32
      %add3A_1507 = arith.addi %mul3A_2, %mul3A_1506 : i32
      %add3A_1508 = arith.constant 0 : i32
      %add3A_1509 = arith.addi %add3A_1507, %add3A_1508 : i32
      %dma_start3A_1510 = arith.constant 0 : i32
      %dma_start3A_1511 = arith.constant 0 : i32
      %dma_start3A_1512 = arith.constant 0 : i32
      %dma_start3A_1513 = tpu.memref_slice %arg6[%dma_start3A_1510, %dma_start3A_1511, %dma_start3A_1512] : memref<8x100x64xf32, #tpu.memory_space<vmem>> -> memref<1x50x64xf32, #tpu.memory_space<vmem>>
      %dma_start3A_1514 = tpu.memref_squeeze %dma_start3A_1513 : memref<1x50x64xf32, #tpu.memory_space<vmem>> -> memref<50x64xf32, #tpu.memory_space<vmem>>
      %dma_start3A_1515 = arith.constant 0 : i32
      %dma_start3A_1516 = arith.constant 0 : i32
      %dma_start3A_1517 = tpu.memref_slice %arg4[%add3A_1509, %dma_start3A_1515, %dma_start3A_1516] : memref<16384x56x128xf32, #tpu.memory_space<hbm>> -> memref<1x50x64xf32, #tpu.memory_space<hbm>>
      %dma_start3A_1518 = tpu.memref_squeeze %dma_start3A_1517 : memref<1x50x64xf32, #tpu.memory_space<hbm>> -> memref<50x64xf32, #tpu.memory_space<hbm>>
      %dma_start3A_1519 = arith.constant 0 : i32
      %dma_start3A_1520 = arith.constant 0 : i32
      %dma_start3A_1521 = tpu.memref_slice %arg4[%add3A_1509, %dma_start3A_1519, %dma_start3A_1520] : memref<16384x56x128xf32, #tpu.memory_space<hbm>> -> memref<1x50x64xf32, #tpu.memory_space<hbm>>
      %dma_start3A_1522 = tpu.memref_squeeze %dma_start3A_1521 : memref<1x50x64xf32, #tpu.memory_space<hbm>> -> memref<50x64xf32, #tpu.memory_space<hbm>>
      %dma_start3A_1523 = arith.constant 0 : i32
      %dma_start3A_1524 = arith.constant 0 : i32
      %dma_start3A_1525 = tpu.memref_slice %arg6[%dma_start3A_1510, %dma_start3A_1523, %dma_start3A_1524] : memref<8x100x64xf32, #tpu.memory_space<vmem>> -> memref<1x50x64xf32, #tpu.memory_space<vmem>>
      %dma_start3A_1526 = tpu.memref_squeeze %dma_start3A_1525 : memref<1x50x64xf32, #tpu.memory_space<vmem>> -> memref<50x64xf32, #tpu.memory_space<vmem>>
      tpu.enqueue_dma source(%dma_start3A_1526 : memref<50x64xf32, #tpu.memory_space<vmem>>) target(%dma_start3A_1522 : memref<50x64xf32, #tpu.memory_space<hbm>>) target_semaphore(%arg15 : memref<!tpu.dma_semaphore, #tpu.memory_space<semaphore_mem>>)
      %mul3A_1527 = arith.constant 2 : i32
      %mul3A_1528 = arith.muli %mul3A_1527, %add3A_1493 : i32
      %add3A_1529 = arith.addi %mul3A_2, %mul3A_1528 : i32
      %add3A_1530 = arith.constant 1 : i32
      %add3A_1531 = arith.addi %add3A_1529, %add3A_1530 : i32
      %dma_start3A_1532 = arith.constant 0 : i32
      %dma_start3A_1533 = arith.constant 50 : i32
      %dma_start3A_1534 = arith.constant 0 : i32
      %dma_start3A_1535 = tpu.memref_slice %arg6[%dma_start3A_1532, %dma_start3A_1533, %dma_start3A_1534] : memref<8x100x64xf32, #tpu.memory_space<vmem>> -> memref<1x50x64xf32, #tpu.memory_space<vmem>>
      %dma_start3A_1536 = tpu.memref_squeeze %dma_start3A_1535 : memref<1x50x64xf32, #tpu.memory_space<vmem>> -> memref<50x64xf32, #tpu.memory_space<vmem>>
      %dma_start3A_1537 = arith.constant 0 : i32
      %dma_start3A_1538 = arith.constant 0 : i32
      %dma_start3A_1539 = tpu.memref_slice %arg4[%add3A_1531, %dma_start3A_1537, %dma_start3A_1538] : memref<16384x56x128xf32, #tpu.memory_space<hbm>> -> memref<1x50x64xf32, #tpu.memory_space<hbm>>
      %dma_start3A_1540 = tpu.memref_squeeze %dma_start3A_1539 : memref<1x50x64xf32, #tpu.memory_space<hbm>> -> memref<50x64xf32, #tpu.memory_space<hbm>>
      %dma_start3A_1541 = arith.constant 0 : i32
      %dma_start3A_1542 = arith.constant 0 : i32
      %dma_start3A_1543 = tpu.memref_slice %arg4[%add3A_1531, %dma_start3A_1541, %dma_start3A_1542] : memref<16384x56x128xf32, #tpu.memory_space<hbm>> -> memref<1x50x64xf32, #tpu.memory_space<hbm>>
      %dma_start3A_1544 = tpu.memref_squeeze %dma_start3A_1543 : memref<1x50x64xf32, #tpu.memory_space<hbm>> -> memref<50x64xf32, #tpu.memory_space<hbm>>
      %dma_start3A_1545 = arith.constant 50 : i32
      %dma_start3A_1546 = arith.constant 0 : i32
      %dma_start3A_1547 = tpu.memref_slice %arg6[%dma_start3A_1532, %dma_start3A_1545, %dma_start3A_1546] : memref<8x100x64xf32, #tpu.memory_space<vmem>> -> memref<1x50x64xf32, #tpu.memory_space<vmem>>
      %dma_start3A_1548 = tpu.memref_squeeze %dma_start3A_1547 : memref<1x50x64xf32, #tpu.memory_space<vmem>> -> memref<50x64xf32, #tpu.memory_space<vmem>>
      tpu.enqueue_dma source(%dma_start3A_1548 : memref<50x64xf32, #tpu.memory_space<vmem>>) target(%dma_start3A_1544 : memref<50x64xf32, #tpu.memory_space<hbm>>) target_semaphore(%arg15 : memref<!tpu.dma_semaphore, #tpu.memory_space<semaphore_mem>>)
      %dma_wait3A_1549 = arith.constant 6 : i32
      %dma_wait3A_1550 = arith.constant 0 : i32
      %dma_wait3A_1551 = arith.constant 0 : i32
      %dma_wait3A_1552 = arith.constant 0 : i32
      %dma_wait3A_1553 = tpu.memref_slice %arg6[%dma_wait3A_1549, %dma_wait3A_1551, %dma_wait3A_1552] : memref<8x100x64xf32, #tpu.memory_space<vmem>> -> memref<1x50x64xf32, #tpu.memory_space<vmem>>
      %dma_wait3A_1554 = tpu.memref_squeeze %dma_wait3A_1553 : memref<1x50x64xf32, #tpu.memory_space<vmem>> -> memref<50x64xf32, #tpu.memory_space<vmem>>
      %dma_wait3A_1555 = arith.constant 0 : i32
      %dma_wait3A_1556 = arith.constant 0 : i32
      %dma_wait3A_1557 = tpu.memref_slice %arg4[%dma_wait3A_1550, %dma_wait3A_1555, %dma_wait3A_1556] : memref<16384x56x128xf32, #tpu.memory_space<hbm>> -> memref<1x50x64xf32, #tpu.memory_space<hbm>>
      %dma_wait3A_1558 = tpu.memref_squeeze %dma_wait3A_1557 : memref<1x50x64xf32, #tpu.memory_space<hbm>> -> memref<50x64xf32, #tpu.memory_space<hbm>>
      %dma_wait3A_1559 = arith.constant 0 : i32
      %dma_wait3A_1560 = arith.constant 0 : i32
      %dma_wait3A_1561 = tpu.memref_slice %arg4[%dma_wait3A_1550, %dma_wait3A_1559, %dma_wait3A_1560] : memref<16384x56x128xf32, #tpu.memory_space<hbm>> -> memref<1x50x64xf32, #tpu.memory_space<hbm>>
      %dma_wait3A_1562 = tpu.memref_squeeze %dma_wait3A_1561 : memref<1x50x64xf32, #tpu.memory_space<hbm>> -> memref<50x64xf32, #tpu.memory_space<hbm>>
      %dma_wait3A_1563 = arith.constant 0 : i32
      %dma_wait3A_1564 = arith.constant 0 : i32
      %dma_wait3A_1565 = tpu.memref_slice %arg6[%dma_wait3A_1549, %dma_wait3A_1563, %dma_wait3A_1564] : memref<8x100x64xf32, #tpu.memory_space<vmem>> -> memref<1x50x64xf32, #tpu.memory_space<vmem>>
      %dma_wait3A_1566 = tpu.memref_squeeze %dma_wait3A_1565 : memref<1x50x64xf32, #tpu.memory_space<vmem>> -> memref<50x64xf32, #tpu.memory_space<vmem>>
      tpu.wait_dma2 semaphore(%arg21 : memref<!tpu.dma_semaphore, #tpu.memory_space<semaphore_mem>>) src(%dma_wait3A_1566 : memref<50x64xf32, #tpu.memory_space<vmem>>) dst(%dma_wait3A_1562 : memref<50x64xf32, #tpu.memory_space<hbm>>)
      %dma_wait3A_1567 = arith.constant 6 : i32
      %dma_wait3A_1568 = arith.constant 0 : i32
      %dma_wait3A_1569 = arith.constant 50 : i32
      %dma_wait3A_1570 = arith.constant 0 : i32
      %dma_wait3A_1571 = tpu.memref_slice %arg6[%dma_wait3A_1567, %dma_wait3A_1569, %dma_wait3A_1570] : memref<8x100x64xf32, #tpu.memory_space<vmem>> -> memref<1x50x64xf32, #tpu.memory_space<vmem>>
      %dma_wait3A_1572 = tpu.memref_squeeze %dma_wait3A_1571 : memref<1x50x64xf32, #tpu.memory_space<vmem>> -> memref<50x64xf32, #tpu.memory_space<vmem>>
      %dma_wait3A_1573 = arith.constant 0 : i32
      %dma_wait3A_1574 = arith.constant 0 : i32
      %dma_wait3A_1575 = tpu.memref_slice %arg4[%dma_wait3A_1568, %dma_wait3A_1573, %dma_wait3A_1574] : memref<16384x56x128xf32, #tpu.memory_space<hbm>> -> memref<1x50x64xf32, #tpu.memory_space<hbm>>
      %dma_wait3A_1576 = tpu.memref_squeeze %dma_wait3A_1575 : memref<1x50x64xf32, #tpu.memory_space<hbm>> -> memref<50x64xf32, #tpu.memory_space<hbm>>
      %dma_wait3A_1577 = arith.constant 0 : i32
      %dma_wait3A_1578 = arith.constant 0 : i32
      %dma_wait3A_1579 = tpu.memref_slice %arg4[%dma_wait3A_1568, %dma_wait3A_1577, %dma_wait3A_1578] : memref<16384x56x128xf32, #tpu.memory_space<hbm>> -> memref<1x50x64xf32, #tpu.memory_space<hbm>>
      %dma_wait3A_1580 = tpu.memref_squeeze %dma_wait3A_1579 : memref<1x50x64xf32, #tpu.memory_space<hbm>> -> memref<50x64xf32, #tpu.memory_space<hbm>>
      %dma_wait3A_1581 = arith.constant 50 : i32
      %dma_wait3A_1582 = arith.constant 0 : i32
      %dma_wait3A_1583 = tpu.memref_slice %arg6[%dma_wait3A_1567, %dma_wait3A_1581, %dma_wait3A_1582] : memref<8x100x64xf32, #tpu.memory_space<vmem>> -> memref<1x50x64xf32, #tpu.memory_space<vmem>>
      %dma_wait3A_1584 = tpu.memref_squeeze %dma_wait3A_1583 : memref<1x50x64xf32, #tpu.memory_space<vmem>> -> memref<50x64xf32, #tpu.memory_space<vmem>>
      tpu.wait_dma2 semaphore(%arg21 : memref<!tpu.dma_semaphore, #tpu.memory_space<semaphore_mem>>) src(%dma_wait3A_1584 : memref<50x64xf32, #tpu.memory_space<vmem>>) dst(%dma_wait3A_1580 : memref<50x64xf32, #tpu.memory_space<hbm>>)
      %add3A_1585 = arith.constant 6 : i32
      %add3A_1586 = arith.addi %add3A_1493, %add3A_1585 : i32
      %dma_start3A_1587 = arith.constant 6 : i32
      %dma_start3A_1588 = arith.constant 0 : i32
      %dma_start3A_1589 = arith.constant 0 : i32
      %dma_start3A_1590 = tpu.memref_slice %arg6[%dma_start3A_1587, %dma_start3A_1588, %dma_start3A_1589] : memref<8x100x64xf32, #tpu.memory_space<vmem>> -> memref<1x100x64xf32, #tpu.memory_space<vmem>>
      %dma_start3A_1591 = tpu.memref_squeeze %dma_start3A_1590 : memref<1x100x64xf32, #tpu.memory_space<vmem>> -> memref<100x64xf32, #tpu.memory_space<vmem>>
      %dma_start3A_1592 = arith.constant 0 : i32
      %dma_start3A_1593 = tpu.memref_slice %arg5[%add3A_1586, %dma_start3A_1592] : memref<256x100xi32, #tpu.memory_space<vmem>> -> memref<1x100xi32, #tpu.memory_space<vmem>>
      %dma_start3A_1594 = tpu.memref_squeeze %dma_start3A_1593 : memref<1x100xi32, #tpu.memory_space<vmem>> -> memref<100xi32, #tpu.memory_space<vmem>>
      %dma_start3A_1595 = arith.constant 0 : i32
      %dma_start3A_1596 = arith.constant 0 : i32
      %dma_start3A_1597 = tpu.memref_slice %arg2[%dma_start3A_1595, %dma_start3A_1596] : memref<1000000x64xf32, #tpu.memory_space<hbm>> -> memref<1000000x64xf32, #tpu.memory_space<hbm>>
      tpu.enqueue_indirect_dma source(%dma_start3A_1597 : memref<1000000x64xf32, #tpu.memory_space<hbm>>) target(%dma_start3A_1591 : memref<100x64xf32, #tpu.memory_space<vmem>>) offsets(%dma_start3A_1594 : memref<100xi32, #tpu.memory_space<vmem>>) semaphore(%arg13 : memref<!tpu.dma_semaphore, #tpu.memory_space<semaphore_mem>>)
      %mul3A_1598 = arith.constant 8 : i32
      %mul3A_1599 = arith.muli %add3A_827, %mul3A_1598 : i32
      %add3A_1600 = arith.constant 2 : i32
      %add3A_1601 = arith.addi %add3A_1600, %mul3A_1599 : i32
      %add3A_1602 = arith.constant 7 : i32
      %add3A_1603 = arith.addi %add3A_1601, %add3A_1602 : i32
      %dma_wait3A_1604 = arith.constant 1 : i32
      %dma_wait3A_1605 = arith.constant 0 : i32
      %dma_wait3A_1606 = arith.constant 0 : i32
      %dma_wait3A_1607 = tpu.memref_slice %arg6[%dma_wait3A_1604, %dma_wait3A_1605, %dma_wait3A_1606] : memref<8x100x64xf32, #tpu.memory_space<vmem>> -> memref<1x100x64xf32, #tpu.memory_space<vmem>>
      %dma_wait3A_1608 = tpu.memref_squeeze %dma_wait3A_1607 : memref<1x100x64xf32, #tpu.memory_space<vmem>> -> memref<100x64xf32, #tpu.memory_space<vmem>>
      %dma_wait3A_1609 = arith.constant 0 : i32
      %dma_wait3A_1610 = tpu.memref_slice %arg5[%add3A_1603, %dma_wait3A_1609] : memref<256x100xi32, #tpu.memory_space<vmem>> -> memref<1x100xi32, #tpu.memory_space<vmem>>
      %dma_wait3A_1611 = tpu.memref_squeeze %dma_wait3A_1610 : memref<1x100xi32, #tpu.memory_space<vmem>> -> memref<100xi32, #tpu.memory_space<vmem>>
      %dma_wait3A_1612 = arith.constant 0 : i32
      %dma_wait3A_1613 = arith.constant 0 : i32
      %dma_wait3A_1614 = tpu.memref_slice %arg2[%dma_wait3A_1612, %dma_wait3A_1613] : memref<1000000x64xf32, #tpu.memory_space<hbm>> -> memref<1000000x64xf32, #tpu.memory_space<hbm>>
      tpu.wait_indirect_dma semaphore(%arg8 : memref<!tpu.dma_semaphore, #tpu.memory_space<semaphore_mem>>) src(%dma_wait3A_1614 : memref<1000000x64xf32, #tpu.memory_space<hbm>>) dst(%dma_wait3A_1608 : memref<100x64xf32, #tpu.memory_space<vmem>>)
      %mul3A_1615 = arith.constant 2 : i32
      %mul3A_1616 = arith.muli %mul3A_1615, %add3A_1603 : i32
      %add3A_1617 = arith.addi %mul3A_2, %mul3A_1616 : i32
      %add3A_1618 = arith.constant 0 : i32
      %add3A_1619 = arith.addi %add3A_1617, %add3A_1618 : i32
      %dma_start3A_1620 = arith.constant 1 : i32
      %dma_start3A_1621 = arith.constant 0 : i32
      %dma_start3A_1622 = arith.constant 0 : i32
      %dma_start3A_1623 = tpu.memref_slice %arg6[%dma_start3A_1620, %dma_start3A_1621, %dma_start3A_1622] : memref<8x100x64xf32, #tpu.memory_space<vmem>> -> memref<1x50x64xf32, #tpu.memory_space<vmem>>
      %dma_start3A_1624 = tpu.memref_squeeze %dma_start3A_1623 : memref<1x50x64xf32, #tpu.memory_space<vmem>> -> memref<50x64xf32, #tpu.memory_space<vmem>>
      %dma_start3A_1625 = arith.constant 0 : i32
      %dma_start3A_1626 = arith.constant 0 : i32
      %dma_start3A_1627 = tpu.memref_slice %arg4[%add3A_1619, %dma_start3A_1625, %dma_start3A_1626] : memref<16384x56x128xf32, #tpu.memory_space<hbm>> -> memref<1x50x64xf32, #tpu.memory_space<hbm>>
      %dma_start3A_1628 = tpu.memref_squeeze %dma_start3A_1627 : memref<1x50x64xf32, #tpu.memory_space<hbm>> -> memref<50x64xf32, #tpu.memory_space<hbm>>
      %dma_start3A_1629 = arith.constant 0 : i32
      %dma_start3A_1630 = arith.constant 0 : i32
      %dma_start3A_1631 = tpu.memref_slice %arg4[%add3A_1619, %dma_start3A_1629, %dma_start3A_1630] : memref<16384x56x128xf32, #tpu.memory_space<hbm>> -> memref<1x50x64xf32, #tpu.memory_space<hbm>>
      %dma_start3A_1632 = tpu.memref_squeeze %dma_start3A_1631 : memref<1x50x64xf32, #tpu.memory_space<hbm>> -> memref<50x64xf32, #tpu.memory_space<hbm>>
      %dma_start3A_1633 = arith.constant 0 : i32
      %dma_start3A_1634 = arith.constant 0 : i32
      %dma_start3A_1635 = tpu.memref_slice %arg6[%dma_start3A_1620, %dma_start3A_1633, %dma_start3A_1634] : memref<8x100x64xf32, #tpu.memory_space<vmem>> -> memref<1x50x64xf32, #tpu.memory_space<vmem>>
      %dma_start3A_1636 = tpu.memref_squeeze %dma_start3A_1635 : memref<1x50x64xf32, #tpu.memory_space<vmem>> -> memref<50x64xf32, #tpu.memory_space<vmem>>
      tpu.enqueue_dma source(%dma_start3A_1636 : memref<50x64xf32, #tpu.memory_space<vmem>>) target(%dma_start3A_1632 : memref<50x64xf32, #tpu.memory_space<hbm>>) target_semaphore(%arg16 : memref<!tpu.dma_semaphore, #tpu.memory_space<semaphore_mem>>)
      %mul3A_1637 = arith.constant 2 : i32
      %mul3A_1638 = arith.muli %mul3A_1637, %add3A_1603 : i32
      %add3A_1639 = arith.addi %mul3A_2, %mul3A_1638 : i32
      %add3A_1640 = arith.constant 1 : i32
      %add3A_1641 = arith.addi %add3A_1639, %add3A_1640 : i32
      %dma_start3A_1642 = arith.constant 1 : i32
      %dma_start3A_1643 = arith.constant 50 : i32
      %dma_start3A_1644 = arith.constant 0 : i32
      %dma_start3A_1645 = tpu.memref_slice %arg6[%dma_start3A_1642, %dma_start3A_1643, %dma_start3A_1644] : memref<8x100x64xf32, #tpu.memory_space<vmem>> -> memref<1x50x64xf32, #tpu.memory_space<vmem>>
      %dma_start3A_1646 = tpu.memref_squeeze %dma_start3A_1645 : memref<1x50x64xf32, #tpu.memory_space<vmem>> -> memref<50x64xf32, #tpu.memory_space<vmem>>
      %dma_start3A_1647 = arith.constant 0 : i32
      %dma_start3A_1648 = arith.constant 0 : i32
      %dma_start3A_1649 = tpu.memref_slice %arg4[%add3A_1641, %dma_start3A_1647, %dma_start3A_1648] : memref<16384x56x128xf32, #tpu.memory_space<hbm>> -> memref<1x50x64xf32, #tpu.memory_space<hbm>>
      %dma_start3A_1650 = tpu.memref_squeeze %dma_start3A_1649 : memref<1x50x64xf32, #tpu.memory_space<hbm>> -> memref<50x64xf32, #tpu.memory_space<hbm>>
      %dma_start3A_1651 = arith.constant 0 : i32
      %dma_start3A_1652 = arith.constant 0 : i32
      %dma_start3A_1653 = tpu.memref_slice %arg4[%add3A_1641, %dma_start3A_1651, %dma_start3A_1652] : memref<16384x56x128xf32, #tpu.memory_space<hbm>> -> memref<1x50x64xf32, #tpu.memory_space<hbm>>
      %dma_start3A_1654 = tpu.memref_squeeze %dma_start3A_1653 : memref<1x50x64xf32, #tpu.memory_space<hbm>> -> memref<50x64xf32, #tpu.memory_space<hbm>>
      %dma_start3A_1655 = arith.constant 50 : i32
      %dma_start3A_1656 = arith.constant 0 : i32
      %dma_start3A_1657 = tpu.memref_slice %arg6[%dma_start3A_1642, %dma_start3A_1655, %dma_start3A_1656] : memref<8x100x64xf32, #tpu.memory_space<vmem>> -> memref<1x50x64xf32, #tpu.memory_space<vmem>>
      %dma_start3A_1658 = tpu.memref_squeeze %dma_start3A_1657 : memref<1x50x64xf32, #tpu.memory_space<vmem>> -> memref<50x64xf32, #tpu.memory_space<vmem>>
      tpu.enqueue_dma source(%dma_start3A_1658 : memref<50x64xf32, #tpu.memory_space<vmem>>) target(%dma_start3A_1654 : memref<50x64xf32, #tpu.memory_space<hbm>>) target_semaphore(%arg16 : memref<!tpu.dma_semaphore, #tpu.memory_space<semaphore_mem>>)
      %dma_wait3A_1659 = arith.constant 7 : i32
      %dma_wait3A_1660 = arith.constant 0 : i32
      %dma_wait3A_1661 = arith.constant 0 : i32
      %dma_wait3A_1662 = arith.constant 0 : i32
      %dma_wait3A_1663 = tpu.memref_slice %arg6[%dma_wait3A_1659, %dma_wait3A_1661, %dma_wait3A_1662] : memref<8x100x64xf32, #tpu.memory_space<vmem>> -> memref<1x50x64xf32, #tpu.memory_space<vmem>>
      %dma_wait3A_1664 = tpu.memref_squeeze %dma_wait3A_1663 : memref<1x50x64xf32, #tpu.memory_space<vmem>> -> memref<50x64xf32, #tpu.memory_space<vmem>>
      %dma_wait3A_1665 = arith.constant 0 : i32
      %dma_wait3A_1666 = arith.constant 0 : i32
      %dma_wait3A_1667 = tpu.memref_slice %arg4[%dma_wait3A_1660, %dma_wait3A_1665, %dma_wait3A_1666] : memref<16384x56x128xf32, #tpu.memory_space<hbm>> -> memref<1x50x64xf32, #tpu.memory_space<hbm>>
      %dma_wait3A_1668 = tpu.memref_squeeze %dma_wait3A_1667 : memref<1x50x64xf32, #tpu.memory_space<hbm>> -> memref<50x64xf32, #tpu.memory_space<hbm>>
      %dma_wait3A_1669 = arith.constant 0 : i32
      %dma_wait3A_1670 = arith.constant 0 : i32
      %dma_wait3A_1671 = tpu.memref_slice %arg4[%dma_wait3A_1660, %dma_wait3A_1669, %dma_wait3A_1670] : memref<16384x56x128xf32, #tpu.memory_space<hbm>> -> memref<1x50x64xf32, #tpu.memory_space<hbm>>
      %dma_wait3A_1672 = tpu.memref_squeeze %dma_wait3A_1671 : memref<1x50x64xf32, #tpu.memory_space<hbm>> -> memref<50x64xf32, #tpu.memory_space<hbm>>
      %dma_wait3A_1673 = arith.constant 0 : i32
      %dma_wait3A_1674 = arith.constant 0 : i32
      %dma_wait3A_1675 = tpu.memref_slice %arg6[%dma_wait3A_1659, %dma_wait3A_1673, %dma_wait3A_1674] : memref<8x100x64xf32, #tpu.memory_space<vmem>> -> memref<1x50x64xf32, #tpu.memory_space<vmem>>
      %dma_wait3A_1676 = tpu.memref_squeeze %dma_wait3A_1675 : memref<1x50x64xf32, #tpu.memory_space<vmem>> -> memref<50x64xf32, #tpu.memory_space<vmem>>
      tpu.wait_dma2 semaphore(%arg22 : memref<!tpu.dma_semaphore, #tpu.memory_space<semaphore_mem>>) src(%dma_wait3A_1676 : memref<50x64xf32, #tpu.memory_space<vmem>>) dst(%dma_wait3A_1672 : memref<50x64xf32, #tpu.memory_space<hbm>>)
      %dma_wait3A_1677 = arith.constant 7 : i32
      %dma_wait3A_1678 = arith.constant 0 : i32
      %dma_wait3A_1679 = arith.constant 50 : i32
      %dma_wait3A_1680 = arith.constant 0 : i32
      %dma_wait3A_1681 = tpu.memref_slice %arg6[%dma_wait3A_1677, %dma_wait3A_1679, %dma_wait3A_1680] : memref<8x100x64xf32, #tpu.memory_space<vmem>> -> memref<1x50x64xf32, #tpu.memory_space<vmem>>
      %dma_wait3A_1682 = tpu.memref_squeeze %dma_wait3A_1681 : memref<1x50x64xf32, #tpu.memory_space<vmem>> -> memref<50x64xf32, #tpu.memory_space<vmem>>
      %dma_wait3A_1683 = arith.constant 0 : i32
      %dma_wait3A_1684 = arith.constant 0 : i32
      %dma_wait3A_1685 = tpu.memref_slice %arg4[%dma_wait3A_1678, %dma_wait3A_1683, %dma_wait3A_1684] : memref<16384x56x128xf32, #tpu.memory_space<hbm>> -> memref<1x50x64xf32, #tpu.memory_space<hbm>>
      %dma_wait3A_1686 = tpu.memref_squeeze %dma_wait3A_1685 : memref<1x50x64xf32, #tpu.memory_space<hbm>> -> memref<50x64xf32, #tpu.memory_space<hbm>>
      %dma_wait3A_1687 = arith.constant 0 : i32
      %dma_wait3A_1688 = arith.constant 0 : i32
      %dma_wait3A_1689 = tpu.memref_slice %arg4[%dma_wait3A_1678, %dma_wait3A_1687, %dma_wait3A_1688] : memref<16384x56x128xf32, #tpu.memory_space<hbm>> -> memref<1x50x64xf32, #tpu.memory_space<hbm>>
      %dma_wait3A_1690 = tpu.memref_squeeze %dma_wait3A_1689 : memref<1x50x64xf32, #tpu.memory_space<hbm>> -> memref<50x64xf32, #tpu.memory_space<hbm>>
      %dma_wait3A_1691 = arith.constant 50 : i32
      %dma_wait3A_1692 = arith.constant 0 : i32
      %dma_wait3A_1693 = tpu.memref_slice %arg6[%dma_wait3A_1677, %dma_wait3A_1691, %dma_wait3A_1692] : memref<8x100x64xf32, #tpu.memory_space<vmem>> -> memref<1x50x64xf32, #tpu.memory_space<vmem>>
      %dma_wait3A_1694 = tpu.memref_squeeze %dma_wait3A_1693 : memref<1x50x64xf32, #tpu.memory_space<vmem>> -> memref<50x64xf32, #tpu.memory_space<vmem>>
      tpu.wait_dma2 semaphore(%arg22 : memref<!tpu.dma_semaphore, #tpu.memory_space<semaphore_mem>>) src(%dma_wait3A_1694 : memref<50x64xf32, #tpu.memory_space<vmem>>) dst(%dma_wait3A_1690 : memref<50x64xf32, #tpu.memory_space<hbm>>)
      %add3A_1695 = arith.constant 6 : i32
      %add3A_1696 = arith.addi %add3A_1603, %add3A_1695 : i32
      %dma_start3A_1697 = arith.constant 7 : i32
      %dma_start3A_1698 = arith.constant 0 : i32
      %dma_start3A_1699 = arith.constant 0 : i32
      %dma_start3A_1700 = tpu.memref_slice %arg6[%dma_start3A_1697, %dma_start3A_1698, %dma_start3A_1699] : memref<8x100x64xf32, #tpu.memory_space<vmem>> -> memref<1x100x64xf32, #tpu.memory_space<vmem>>
      %dma_start3A_1701 = tpu.memref_squeeze %dma_start3A_1700 : memref<1x100x64xf32, #tpu.memory_space<vmem>> -> memref<100x64xf32, #tpu.memory_space<vmem>>
      %dma_start3A_1702 = arith.constant 0 : i32
      %dma_start3A_1703 = tpu.memref_slice %arg5[%add3A_1696, %dma_start3A_1702] : memref<256x100xi32, #tpu.memory_space<vmem>> -> memref<1x100xi32, #tpu.memory_space<vmem>>
      %dma_start3A_1704 = tpu.memref_squeeze %dma_start3A_1703 : memref<1x100xi32, #tpu.memory_space<vmem>> -> memref<100xi32, #tpu.memory_space<vmem>>
      %dma_start3A_1705 = arith.constant 0 : i32
      %dma_start3A_1706 = arith.constant 0 : i32
      %dma_start3A_1707 = tpu.memref_slice %arg2[%dma_start3A_1705, %dma_start3A_1706] : memref<1000000x64xf32, #tpu.memory_space<hbm>> -> memref<1000000x64xf32, #tpu.memory_space<hbm>>
      tpu.enqueue_indirect_dma source(%dma_start3A_1707 : memref<1000000x64xf32, #tpu.memory_space<hbm>>) target(%dma_start3A_1701 : memref<100x64xf32, #tpu.memory_space<vmem>>) offsets(%dma_start3A_1704 : memref<100xi32, #tpu.memory_space<vmem>>) semaphore(%arg14 : memref<!tpu.dma_semaphore, #tpu.memory_space<semaphore_mem>>)
    }
    %scan3A_210 = arith.constant 31 : i32
    %dma_wait3A_211 = arith.constant 250 : i32
    %dma_wait3A_212 = arith.constant 2 : i32
    %dma_wait3A_213 = arith.constant 0 : i32
    %dma_wait3A_214 = arith.constant 0 : i32
    %dma_wait3A_215 = tpu.memref_slice %arg6[%dma_wait3A_212, %dma_wait3A_213, %dma_wait3A_214] : memref<8x100x64xf32, #tpu.memory_space<vmem>> -> memref<1x100x64xf32, #tpu.memory_space<vmem>>
    %dma_wait3A_216 = tpu.memref_squeeze %dma_wait3A_215 : memref<1x100x64xf32, #tpu.memory_space<vmem>> -> memref<100x64xf32, #tpu.memory_space<vmem>>
    %dma_wait3A_217 = arith.constant 0 : i32
    %dma_wait3A_218 = tpu.memref_slice %arg5[%dma_wait3A_211, %dma_wait3A_217] : memref<256x100xi32, #tpu.memory_space<vmem>> -> memref<1x100xi32, #tpu.memory_space<vmem>>
    %dma_wait3A_219 = tpu.memref_squeeze %dma_wait3A_218 : memref<1x100xi32, #tpu.memory_space<vmem>> -> memref<100xi32, #tpu.memory_space<vmem>>
    %dma_wait3A_220 = arith.constant 0 : i32
    %dma_wait3A_221 = arith.constant 0 : i32
    %dma_wait3A_222 = tpu.memref_slice %arg2[%dma_wait3A_220, %dma_wait3A_221] : memref<1000000x64xf32, #tpu.memory_space<hbm>> -> memref<1000000x64xf32, #tpu.memory_space<hbm>>
    tpu.wait_indirect_dma semaphore(%arg9 : memref<!tpu.dma_semaphore, #tpu.memory_space<semaphore_mem>>) src(%dma_wait3A_222 : memref<1000000x64xf32, #tpu.memory_space<hbm>>) dst(%dma_wait3A_216 : memref<100x64xf32, #tpu.memory_space<vmem>>)
    %add3A_223 = arith.constant 500 : i32
    %add3A_224 = arith.addi %mul3A_2, %add3A_223 : i32
    %add3A_225 = arith.constant 0 : i32
    %add3A_226 = arith.addi %add3A_224, %add3A_225 : i32
    %dma_start3A_227 = arith.constant 2 : i32
    %dma_start3A_228 = arith.constant 0 : i32
    %dma_start3A_229 = arith.constant 0 : i32
    %dma_start3A_230 = tpu.memref_slice %arg6[%dma_start3A_227, %dma_start3A_228, %dma_start3A_229] : memref<8x100x64xf32, #tpu.memory_space<vmem>> -> memref<1x50x64xf32, #tpu.memory_space<vmem>>
    %dma_start3A_231 = tpu.memref_squeeze %dma_start3A_230 : memref<1x50x64xf32, #tpu.memory_space<vmem>> -> memref<50x64xf32, #tpu.memory_space<vmem>>
    %dma_start3A_232 = arith.constant 0 : i32
    %dma_start3A_233 = arith.constant 0 : i32
    %dma_start3A_234 = tpu.memref_slice %arg4[%add3A_226, %dma_start3A_232, %dma_start3A_233] : memref<16384x56x128xf32, #tpu.memory_space<hbm>> -> memref<1x50x64xf32, #tpu.memory_space<hbm>>
    %dma_start3A_235 = tpu.memref_squeeze %dma_start3A_234 : memref<1x50x64xf32, #tpu.memory_space<hbm>> -> memref<50x64xf32, #tpu.memory_space<hbm>>
    %dma_start3A_236 = arith.constant 0 : i32
    %dma_start3A_237 = arith.constant 0 : i32
    %dma_start3A_238 = tpu.memref_slice %arg4[%add3A_226, %dma_start3A_236, %dma_start3A_237] : memref<16384x56x128xf32, #tpu.memory_space<hbm>> -> memref<1x50x64xf32, #tpu.memory_space<hbm>>
    %dma_start3A_239 = tpu.memref_squeeze %dma_start3A_238 : memref<1x50x64xf32, #tpu.memory_space<hbm>> -> memref<50x64xf32, #tpu.memory_space<hbm>>
    %dma_start3A_240 = arith.constant 0 : i32
    %dma_start3A_241 = arith.constant 0 : i32
    %dma_start3A_242 = tpu.memref_slice %arg6[%dma_start3A_227, %dma_start3A_240, %dma_start3A_241] : memref<8x100x64xf32, #tpu.memory_space<vmem>> -> memref<1x50x64xf32, #tpu.memory_space<vmem>>
    %dma_start3A_243 = tpu.memref_squeeze %dma_start3A_242 : memref<1x50x64xf32, #tpu.memory_space<vmem>> -> memref<50x64xf32, #tpu.memory_space<vmem>>
    tpu.enqueue_dma source(%dma_start3A_243 : memref<50x64xf32, #tpu.memory_space<vmem>>) target(%dma_start3A_239 : memref<50x64xf32, #tpu.memory_space<hbm>>) target_semaphore(%arg17 : memref<!tpu.dma_semaphore, #tpu.memory_space<semaphore_mem>>)
    %add3A_244 = arith.constant 500 : i32
    %add3A_245 = arith.addi %mul3A_2, %add3A_244 : i32
    %add3A_246 = arith.constant 1 : i32
    %add3A_247 = arith.addi %add3A_245, %add3A_246 : i32
    %dma_start3A_248 = arith.constant 2 : i32
    %dma_start3A_249 = arith.constant 50 : i32
    %dma_start3A_250 = arith.constant 0 : i32
    %dma_start3A_251 = tpu.memref_slice %arg6[%dma_start3A_248, %dma_start3A_249, %dma_start3A_250] : memref<8x100x64xf32, #tpu.memory_space<vmem>> -> memref<1x50x64xf32, #tpu.memory_space<vmem>>
    %dma_start3A_252 = tpu.memref_squeeze %dma_start3A_251 : memref<1x50x64xf32, #tpu.memory_space<vmem>> -> memref<50x64xf32, #tpu.memory_space<vmem>>
    %dma_start3A_253 = arith.constant 0 : i32
    %dma_start3A_254 = arith.constant 0 : i32
    %dma_start3A_255 = tpu.memref_slice %arg4[%add3A_247, %dma_start3A_253, %dma_start3A_254] : memref<16384x56x128xf32, #tpu.memory_space<hbm>> -> memref<1x50x64xf32, #tpu.memory_space<hbm>>
    %dma_start3A_256 = tpu.memref_squeeze %dma_start3A_255 : memref<1x50x64xf32, #tpu.memory_space<hbm>> -> memref<50x64xf32, #tpu.memory_space<hbm>>
    %dma_start3A_257 = arith.constant 0 : i32
    %dma_start3A_258 = arith.constant 0 : i32
    %dma_start3A_259 = tpu.memref_slice %arg4[%add3A_247, %dma_start3A_257, %dma_start3A_258] : memref<16384x56x128xf32, #tpu.memory_space<hbm>> -> memref<1x50x64xf32, #tpu.memory_space<hbm>>
    %dma_start3A_260 = tpu.memref_squeeze %dma_start3A_259 : memref<1x50x64xf32, #tpu.memory_space<hbm>> -> memref<50x64xf32, #tpu.memory_space<hbm>>
    %dma_start3A_261 = arith.constant 50 : i32
    %dma_start3A_262 = arith.constant 0 : i32
    %dma_start3A_263 = tpu.memref_slice %arg6[%dma_start3A_248, %dma_start3A_261, %dma_start3A_262] : memref<8x100x64xf32, #tpu.memory_space<vmem>> -> memref<1x50x64xf32, #tpu.memory_space<vmem>>
    %dma_start3A_264 = tpu.memref_squeeze %dma_start3A_263 : memref<1x50x64xf32, #tpu.memory_space<vmem>> -> memref<50x64xf32, #tpu.memory_space<vmem>>
    tpu.enqueue_dma source(%dma_start3A_264 : memref<50x64xf32, #tpu.memory_space<vmem>>) target(%dma_start3A_260 : memref<50x64xf32, #tpu.memory_space<hbm>>) target_semaphore(%arg17 : memref<!tpu.dma_semaphore, #tpu.memory_space<semaphore_mem>>)
    %dma_wait3A_265 = arith.constant 251 : i32
    %dma_wait3A_266 = arith.constant 3 : i32
    %dma_wait3A_267 = arith.constant 0 : i32
    %dma_wait3A_268 = arith.constant 0 : i32
    %dma_wait3A_269 = tpu.memref_slice %arg6[%dma_wait3A_266, %dma_wait3A_267, %dma_wait3A_268] : memref<8x100x64xf32, #tpu.memory_space<vmem>> -> memref<1x100x64xf32, #tpu.memory_space<vmem>>
    %dma_wait3A_270 = tpu.memref_squeeze %dma_wait3A_269 : memref<1x100x64xf32, #tpu.memory_space<vmem>> -> memref<100x64xf32, #tpu.memory_space<vmem>>
    %dma_wait3A_271 = arith.constant 0 : i32
    %dma_wait3A_272 = tpu.memref_slice %arg5[%dma_wait3A_265, %dma_wait3A_271] : memref<256x100xi32, #tpu.memory_space<vmem>> -> memref<1x100xi32, #tpu.memory_space<vmem>>
    %dma_wait3A_273 = tpu.memref_squeeze %dma_wait3A_272 : memref<1x100xi32, #tpu.memory_space<vmem>> -> memref<100xi32, #tpu.memory_space<vmem>>
    %dma_wait3A_274 = arith.constant 0 : i32
    %dma_wait3A_275 = arith.constant 0 : i32
    %dma_wait3A_276 = tpu.memref_slice %arg2[%dma_wait3A_274, %dma_wait3A_275] : memref<1000000x64xf32, #tpu.memory_space<hbm>> -> memref<1000000x64xf32, #tpu.memory_space<hbm>>
    tpu.wait_indirect_dma semaphore(%arg10 : memref<!tpu.dma_semaphore, #tpu.memory_space<semaphore_mem>>) src(%dma_wait3A_276 : memref<1000000x64xf32, #tpu.memory_space<hbm>>) dst(%dma_wait3A_270 : memref<100x64xf32, #tpu.memory_space<vmem>>)
    %add3A_277 = arith.constant 502 : i32
    %add3A_278 = arith.addi %mul3A_2, %add3A_277 : i32
    %add3A_279 = arith.constant 0 : i32
    %add3A_280 = arith.addi %add3A_278, %add3A_279 : i32
    %dma_start3A_281 = arith.constant 3 : i32
    %dma_start3A_282 = arith.constant 0 : i32
    %dma_start3A_283 = arith.constant 0 : i32
    %dma_start3A_284 = tpu.memref_slice %arg6[%dma_start3A_281, %dma_start3A_282, %dma_start3A_283] : memref<8x100x64xf32, #tpu.memory_space<vmem>> -> memref<1x50x64xf32, #tpu.memory_space<vmem>>
    %dma_start3A_285 = tpu.memref_squeeze %dma_start3A_284 : memref<1x50x64xf32, #tpu.memory_space<vmem>> -> memref<50x64xf32, #tpu.memory_space<vmem>>
    %dma_start3A_286 = arith.constant 0 : i32
    %dma_start3A_287 = arith.constant 0 : i32
    %dma_start3A_288 = tpu.memref_slice %arg4[%add3A_280, %dma_start3A_286, %dma_start3A_287] : memref<16384x56x128xf32, #tpu.memory_space<hbm>> -> memref<1x50x64xf32, #tpu.memory_space<hbm>>
    %dma_start3A_289 = tpu.memref_squeeze %dma_start3A_288 : memref<1x50x64xf32, #tpu.memory_space<hbm>> -> memref<50x64xf32, #tpu.memory_space<hbm>>
    %dma_start3A_290 = arith.constant 0 : i32
    %dma_start3A_291 = arith.constant 0 : i32
    %dma_start3A_292 = tpu.memref_slice %arg4[%add3A_280, %dma_start3A_290, %dma_start3A_291] : memref<16384x56x128xf32, #tpu.memory_space<hbm>> -> memref<1x50x64xf32, #tpu.memory_space<hbm>>
    %dma_start3A_293 = tpu.memref_squeeze %dma_start3A_292 : memref<1x50x64xf32, #tpu.memory_space<hbm>> -> memref<50x64xf32, #tpu.memory_space<hbm>>
    %dma_start3A_294 = arith.constant 0 : i32
    %dma_start3A_295 = arith.constant 0 : i32
    %dma_start3A_296 = tpu.memref_slice %arg6[%dma_start3A_281, %dma_start3A_294, %dma_start3A_295] : memref<8x100x64xf32, #tpu.memory_space<vmem>> -> memref<1x50x64xf32, #tpu.memory_space<vmem>>
    %dma_start3A_297 = tpu.memref_squeeze %dma_start3A_296 : memref<1x50x64xf32, #tpu.memory_space<vmem>> -> memref<50x64xf32, #tpu.memory_space<vmem>>
    tpu.enqueue_dma source(%dma_start3A_297 : memref<50x64xf32, #tpu.memory_space<vmem>>) target(%dma_start3A_293 : memref<50x64xf32, #tpu.memory_space<hbm>>) target_semaphore(%arg18 : memref<!tpu.dma_semaphore, #tpu.memory_space<semaphore_mem>>)
    %add3A_298 = arith.constant 502 : i32
    %add3A_299 = arith.addi %mul3A_2, %add3A_298 : i32
    %add3A_300 = arith.constant 1 : i32
    %add3A_301 = arith.addi %add3A_299, %add3A_300 : i32
    %dma_start3A_302 = arith.constant 3 : i32
    %dma_start3A_303 = arith.constant 50 : i32
    %dma_start3A_304 = arith.constant 0 : i32
    %dma_start3A_305 = tpu.memref_slice %arg6[%dma_start3A_302, %dma_start3A_303, %dma_start3A_304] : memref<8x100x64xf32, #tpu.memory_space<vmem>> -> memref<1x50x64xf32, #tpu.memory_space<vmem>>
    %dma_start3A_306 = tpu.memref_squeeze %dma_start3A_305 : memref<1x50x64xf32, #tpu.memory_space<vmem>> -> memref<50x64xf32, #tpu.memory_space<vmem>>
    %dma_start3A_307 = arith.constant 0 : i32
    %dma_start3A_308 = arith.constant 0 : i32
    %dma_start3A_309 = tpu.memref_slice %arg4[%add3A_301, %dma_start3A_307, %dma_start3A_308] : memref<16384x56x128xf32, #tpu.memory_space<hbm>> -> memref<1x50x64xf32, #tpu.memory_space<hbm>>
    %dma_start3A_310 = tpu.memref_squeeze %dma_start3A_309 : memref<1x50x64xf32, #tpu.memory_space<hbm>> -> memref<50x64xf32, #tpu.memory_space<hbm>>
    %dma_start3A_311 = arith.constant 0 : i32
    %dma_start3A_312 = arith.constant 0 : i32
    %dma_start3A_313 = tpu.memref_slice %arg4[%add3A_301, %dma_start3A_311, %dma_start3A_312] : memref<16384x56x128xf32, #tpu.memory_space<hbm>> -> memref<1x50x64xf32, #tpu.memory_space<hbm>>
    %dma_start3A_314 = tpu.memref_squeeze %dma_start3A_313 : memref<1x50x64xf32, #tpu.memory_space<hbm>> -> memref<50x64xf32, #tpu.memory_space<hbm>>
    %dma_start3A_315 = arith.constant 50 : i32
    %dma_start3A_316 = arith.constant 0 : i32
    %dma_start3A_317 = tpu.memref_slice %arg6[%dma_start3A_302, %dma_start3A_315, %dma_start3A_316] : memref<8x100x64xf32, #tpu.memory_space<vmem>> -> memref<1x50x64xf32, #tpu.memory_space<vmem>>
    %dma_start3A_318 = tpu.memref_squeeze %dma_start3A_317 : memref<1x50x64xf32, #tpu.memory_space<vmem>> -> memref<50x64xf32, #tpu.memory_space<vmem>>
    tpu.enqueue_dma source(%dma_start3A_318 : memref<50x64xf32, #tpu.memory_space<vmem>>) target(%dma_start3A_314 : memref<50x64xf32, #tpu.memory_space<hbm>>) target_semaphore(%arg18 : memref<!tpu.dma_semaphore, #tpu.memory_space<semaphore_mem>>)
    %dma_wait3A_319 = arith.constant 252 : i32
    %dma_wait3A_320 = arith.constant 4 : i32
    %dma_wait3A_321 = arith.constant 0 : i32
    %dma_wait3A_322 = arith.constant 0 : i32
    %dma_wait3A_323 = tpu.memref_slice %arg6[%dma_wait3A_320, %dma_wait3A_321, %dma_wait3A_322] : memref<8x100x64xf32, #tpu.memory_space<vmem>> -> memref<1x100x64xf32, #tpu.memory_space<vmem>>
    %dma_wait3A_324 = tpu.memref_squeeze %dma_wait3A_323 : memref<1x100x64xf32, #tpu.memory_space<vmem>> -> memref<100x64xf32, #tpu.memory_space<vmem>>
    %dma_wait3A_325 = arith.constant 0 : i32
    %dma_wait3A_326 = tpu.memref_slice %arg5[%dma_wait3A_319, %dma_wait3A_325] : memref<256x100xi32, #tpu.memory_space<vmem>> -> memref<1x100xi32, #tpu.memory_space<vmem>>
    %dma_wait3A_327 = tpu.memref_squeeze %dma_wait3A_326 : memref<1x100xi32, #tpu.memory_space<vmem>> -> memref<100xi32, #tpu.memory_space<vmem>>
    %dma_wait3A_328 = arith.constant 0 : i32
    %dma_wait3A_329 = arith.constant 0 : i32
    %dma_wait3A_330 = tpu.memref_slice %arg2[%dma_wait3A_328, %dma_wait3A_329] : memref<1000000x64xf32, #tpu.memory_space<hbm>> -> memref<1000000x64xf32, #tpu.memory_space<hbm>>
    tpu.wait_indirect_dma semaphore(%arg11 : memref<!tpu.dma_semaphore, #tpu.memory_space<semaphore_mem>>) src(%dma_wait3A_330 : memref<1000000x64xf32, #tpu.memory_space<hbm>>) dst(%dma_wait3A_324 : memref<100x64xf32, #tpu.memory_space<vmem>>)
    %add3A_331 = arith.constant 504 : i32
    %add3A_332 = arith.addi %mul3A_2, %add3A_331 : i32
    %add3A_333 = arith.constant 0 : i32
    %add3A_334 = arith.addi %add3A_332, %add3A_333 : i32
    %dma_start3A_335 = arith.constant 4 : i32
    %dma_start3A_336 = arith.constant 0 : i32
    %dma_start3A_337 = arith.constant 0 : i32
    %dma_start3A_338 = tpu.memref_slice %arg6[%dma_start3A_335, %dma_start3A_336, %dma_start3A_337] : memref<8x100x64xf32, #tpu.memory_space<vmem>> -> memref<1x50x64xf32, #tpu.memory_space<vmem>>
    %dma_start3A_339 = tpu.memref_squeeze %dma_start3A_338 : memref<1x50x64xf32, #tpu.memory_space<vmem>> -> memref<50x64xf32, #tpu.memory_space<vmem>>
    %dma_start3A_340 = arith.constant 0 : i32
    %dma_start3A_341 = arith.constant 0 : i32
    %dma_start3A_342 = tpu.memref_slice %arg4[%add3A_334, %dma_start3A_340, %dma_start3A_341] : memref<16384x56x128xf32, #tpu.memory_space<hbm>> -> memref<1x50x64xf32, #tpu.memory_space<hbm>>
    %dma_start3A_343 = tpu.memref_squeeze %dma_start3A_342 : memref<1x50x64xf32, #tpu.memory_space<hbm>> -> memref<50x64xf32, #tpu.memory_space<hbm>>
    %dma_start3A_344 = arith.constant 0 : i32
    %dma_start3A_345 = arith.constant 0 : i32
    %dma_start3A_346 = tpu.memref_slice %arg4[%add3A_334, %dma_start3A_344, %dma_start3A_345] : memref<16384x56x128xf32, #tpu.memory_space<hbm>> -> memref<1x50x64xf32, #tpu.memory_space<hbm>>
    %dma_start3A_347 = tpu.memref_squeeze %dma_start3A_346 : memref<1x50x64xf32, #tpu.memory_space<hbm>> -> memref<50x64xf32, #tpu.memory_space<hbm>>
    %dma_start3A_348 = arith.constant 0 : i32
    %dma_start3A_349 = arith.constant 0 : i32
    %dma_start3A_350 = tpu.memref_slice %arg6[%dma_start3A_335, %dma_start3A_348, %dma_start3A_349] : memref<8x100x64xf32, #tpu.memory_space<vmem>> -> memref<1x50x64xf32, #tpu.memory_space<vmem>>
    %dma_start3A_351 = tpu.memref_squeeze %dma_start3A_350 : memref<1x50x64xf32, #tpu.memory_space<vmem>> -> memref<50x64xf32, #tpu.memory_space<vmem>>
    tpu.enqueue_dma source(%dma_start3A_351 : memref<50x64xf32, #tpu.memory_space<vmem>>) target(%dma_start3A_347 : memref<50x64xf32, #tpu.memory_space<hbm>>) target_semaphore(%arg19 : memref<!tpu.dma_semaphore, #tpu.memory_space<semaphore_mem>>)
    %add3A_352 = arith.constant 504 : i32
    %add3A_353 = arith.addi %mul3A_2, %add3A_352 : i32
    %add3A_354 = arith.constant 1 : i32
    %add3A_355 = arith.addi %add3A_353, %add3A_354 : i32
    %dma_start3A_356 = arith.constant 4 : i32
    %dma_start3A_357 = arith.constant 50 : i32
    %dma_start3A_358 = arith.constant 0 : i32
    %dma_start3A_359 = tpu.memref_slice %arg6[%dma_start3A_356, %dma_start3A_357, %dma_start3A_358] : memref<8x100x64xf32, #tpu.memory_space<vmem>> -> memref<1x50x64xf32, #tpu.memory_space<vmem>>
    %dma_start3A_360 = tpu.memref_squeeze %dma_start3A_359 : memref<1x50x64xf32, #tpu.memory_space<vmem>> -> memref<50x64xf32, #tpu.memory_space<vmem>>
    %dma_start3A_361 = arith.constant 0 : i32
    %dma_start3A_362 = arith.constant 0 : i32
    %dma_start3A_363 = tpu.memref_slice %arg4[%add3A_355, %dma_start3A_361, %dma_start3A_362] : memref<16384x56x128xf32, #tpu.memory_space<hbm>> -> memref<1x50x64xf32, #tpu.memory_space<hbm>>
    %dma_start3A_364 = tpu.memref_squeeze %dma_start3A_363 : memref<1x50x64xf32, #tpu.memory_space<hbm>> -> memref<50x64xf32, #tpu.memory_space<hbm>>
    %dma_start3A_365 = arith.constant 0 : i32
    %dma_start3A_366 = arith.constant 0 : i32
    %dma_start3A_367 = tpu.memref_slice %arg4[%add3A_355, %dma_start3A_365, %dma_start3A_366] : memref<16384x56x128xf32, #tpu.memory_space<hbm>> -> memref<1x50x64xf32, #tpu.memory_space<hbm>>
    %dma_start3A_368 = tpu.memref_squeeze %dma_start3A_367 : memref<1x50x64xf32, #tpu.memory_space<hbm>> -> memref<50x64xf32, #tpu.memory_space<hbm>>
    %dma_start3A_369 = arith.constant 50 : i32
    %dma_start3A_370 = arith.constant 0 : i32
    %dma_start3A_371 = tpu.memref_slice %arg6[%dma_start3A_356, %dma_start3A_369, %dma_start3A_370] : memref<8x100x64xf32, #tpu.memory_space<vmem>> -> memref<1x50x64xf32, #tpu.memory_space<vmem>>
    %dma_start3A_372 = tpu.memref_squeeze %dma_start3A_371 : memref<1x50x64xf32, #tpu.memory_space<vmem>> -> memref<50x64xf32, #tpu.memory_space<vmem>>
    tpu.enqueue_dma source(%dma_start3A_372 : memref<50x64xf32, #tpu.memory_space<vmem>>) target(%dma_start3A_368 : memref<50x64xf32, #tpu.memory_space<hbm>>) target_semaphore(%arg19 : memref<!tpu.dma_semaphore, #tpu.memory_space<semaphore_mem>>)
    %dma_wait3A_373 = arith.constant 253 : i32
    %dma_wait3A_374 = arith.constant 5 : i32
    %dma_wait3A_375 = arith.constant 0 : i32
    %dma_wait3A_376 = arith.constant 0 : i32
    %dma_wait3A_377 = tpu.memref_slice %arg6[%dma_wait3A_374, %dma_wait3A_375, %dma_wait3A_376] : memref<8x100x64xf32, #tpu.memory_space<vmem>> -> memref<1x100x64xf32, #tpu.memory_space<vmem>>
    %dma_wait3A_378 = tpu.memref_squeeze %dma_wait3A_377 : memref<1x100x64xf32, #tpu.memory_space<vmem>> -> memref<100x64xf32, #tpu.memory_space<vmem>>
    %dma_wait3A_379 = arith.constant 0 : i32
    %dma_wait3A_380 = tpu.memref_slice %arg5[%dma_wait3A_373, %dma_wait3A_379] : memref<256x100xi32, #tpu.memory_space<vmem>> -> memref<1x100xi32, #tpu.memory_space<vmem>>
    %dma_wait3A_381 = tpu.memref_squeeze %dma_wait3A_380 : memref<1x100xi32, #tpu.memory_space<vmem>> -> memref<100xi32, #tpu.memory_space<vmem>>
    %dma_wait3A_382 = arith.constant 0 : i32
    %dma_wait3A_383 = arith.constant 0 : i32
    %dma_wait3A_384 = tpu.memref_slice %arg2[%dma_wait3A_382, %dma_wait3A_383] : memref<1000000x64xf32, #tpu.memory_space<hbm>> -> memref<1000000x64xf32, #tpu.memory_space<hbm>>
    tpu.wait_indirect_dma semaphore(%arg12 : memref<!tpu.dma_semaphore, #tpu.memory_space<semaphore_mem>>) src(%dma_wait3A_384 : memref<1000000x64xf32, #tpu.memory_space<hbm>>) dst(%dma_wait3A_378 : memref<100x64xf32, #tpu.memory_space<vmem>>)
    %add3A_385 = arith.constant 506 : i32
    %add3A_386 = arith.addi %mul3A_2, %add3A_385 : i32
    %add3A_387 = arith.constant 0 : i32
    %add3A_388 = arith.addi %add3A_386, %add3A_387 : i32
    %dma_start3A_389 = arith.constant 5 : i32
    %dma_start3A_390 = arith.constant 0 : i32
    %dma_start3A_391 = arith.constant 0 : i32
    %dma_start3A_392 = tpu.memref_slice %arg6[%dma_start3A_389, %dma_start3A_390, %dma_start3A_391] : memref<8x100x64xf32, #tpu.memory_space<vmem>> -> memref<1x50x64xf32, #tpu.memory_space<vmem>>
    %dma_start3A_393 = tpu.memref_squeeze %dma_start3A_392 : memref<1x50x64xf32, #tpu.memory_space<vmem>> -> memref<50x64xf32, #tpu.memory_space<vmem>>
    %dma_start3A_394 = arith.constant 0 : i32
    %dma_start3A_395 = arith.constant 0 : i32
    %dma_start3A_396 = tpu.memref_slice %arg4[%add3A_388, %dma_start3A_394, %dma_start3A_395] : memref<16384x56x128xf32, #tpu.memory_space<hbm>> -> memref<1x50x64xf32, #tpu.memory_space<hbm>>
    %dma_start3A_397 = tpu.memref_squeeze %dma_start3A_396 : memref<1x50x64xf32, #tpu.memory_space<hbm>> -> memref<50x64xf32, #tpu.memory_space<hbm>>
    %dma_start3A_398 = arith.constant 0 : i32
    %dma_start3A_399 = arith.constant 0 : i32
    %dma_start3A_400 = tpu.memref_slice %arg4[%add3A_388, %dma_start3A_398, %dma_start3A_399] : memref<16384x56x128xf32, #tpu.memory_space<hbm>> -> memref<1x50x64xf32, #tpu.memory_space<hbm>>
    %dma_start3A_401 = tpu.memref_squeeze %dma_start3A_400 : memref<1x50x64xf32, #tpu.memory_space<hbm>> -> memref<50x64xf32, #tpu.memory_space<hbm>>
    %dma_start3A_402 = arith.constant 0 : i32
    %dma_start3A_403 = arith.constant 0 : i32
    %dma_start3A_404 = tpu.memref_slice %arg6[%dma_start3A_389, %dma_start3A_402, %dma_start3A_403] : memref<8x100x64xf32, #tpu.memory_space<vmem>> -> memref<1x50x64xf32, #tpu.memory_space<vmem>>
    %dma_start3A_405 = tpu.memref_squeeze %dma_start3A_404 : memref<1x50x64xf32, #tpu.memory_space<vmem>> -> memref<50x64xf32, #tpu.memory_space<vmem>>
    tpu.enqueue_dma source(%dma_start3A_405 : memref<50x64xf32, #tpu.memory_space<vmem>>) target(%dma_start3A_401 : memref<50x64xf32, #tpu.memory_space<hbm>>) target_semaphore(%arg20 : memref<!tpu.dma_semaphore, #tpu.memory_space<semaphore_mem>>)
    %add3A_406 = arith.constant 506 : i32
    %add3A_407 = arith.addi %mul3A_2, %add3A_406 : i32
    %add3A_408 = arith.constant 1 : i32
    %add3A_409 = arith.addi %add3A_407, %add3A_408 : i32
    %dma_start3A_410 = arith.constant 5 : i32
    %dma_start3A_411 = arith.constant 50 : i32
    %dma_start3A_412 = arith.constant 0 : i32
    %dma_start3A_413 = tpu.memref_slice %arg6[%dma_start3A_410, %dma_start3A_411, %dma_start3A_412] : memref<8x100x64xf32, #tpu.memory_space<vmem>> -> memref<1x50x64xf32, #tpu.memory_space<vmem>>
    %dma_start3A_414 = tpu.memref_squeeze %dma_start3A_413 : memref<1x50x64xf32, #tpu.memory_space<vmem>> -> memref<50x64xf32, #tpu.memory_space<vmem>>
    %dma_start3A_415 = arith.constant 0 : i32
    %dma_start3A_416 = arith.constant 0 : i32
    %dma_start3A_417 = tpu.memref_slice %arg4[%add3A_409, %dma_start3A_415, %dma_start3A_416] : memref<16384x56x128xf32, #tpu.memory_space<hbm>> -> memref<1x50x64xf32, #tpu.memory_space<hbm>>
    %dma_start3A_418 = tpu.memref_squeeze %dma_start3A_417 : memref<1x50x64xf32, #tpu.memory_space<hbm>> -> memref<50x64xf32, #tpu.memory_space<hbm>>
    %dma_start3A_419 = arith.constant 0 : i32
    %dma_start3A_420 = arith.constant 0 : i32
    %dma_start3A_421 = tpu.memref_slice %arg4[%add3A_409, %dma_start3A_419, %dma_start3A_420] : memref<16384x56x128xf32, #tpu.memory_space<hbm>> -> memref<1x50x64xf32, #tpu.memory_space<hbm>>
    %dma_start3A_422 = tpu.memref_squeeze %dma_start3A_421 : memref<1x50x64xf32, #tpu.memory_space<hbm>> -> memref<50x64xf32, #tpu.memory_space<hbm>>
    %dma_start3A_423 = arith.constant 50 : i32
    %dma_start3A_424 = arith.constant 0 : i32
    %dma_start3A_425 = tpu.memref_slice %arg6[%dma_start3A_410, %dma_start3A_423, %dma_start3A_424] : memref<8x100x64xf32, #tpu.memory_space<vmem>> -> memref<1x50x64xf32, #tpu.memory_space<vmem>>
    %dma_start3A_426 = tpu.memref_squeeze %dma_start3A_425 : memref<1x50x64xf32, #tpu.memory_space<vmem>> -> memref<50x64xf32, #tpu.memory_space<vmem>>
    tpu.enqueue_dma source(%dma_start3A_426 : memref<50x64xf32, #tpu.memory_space<vmem>>) target(%dma_start3A_422 : memref<50x64xf32, #tpu.memory_space<hbm>>) target_semaphore(%arg20 : memref<!tpu.dma_semaphore, #tpu.memory_space<semaphore_mem>>)
    %dma_wait3A_427 = arith.constant 254 : i32
    %dma_wait3A_428 = arith.constant 6 : i32
    %dma_wait3A_429 = arith.constant 0 : i32
    %dma_wait3A_430 = arith.constant 0 : i32
    %dma_wait3A_431 = tpu.memref_slice %arg6[%dma_wait3A_428, %dma_wait3A_429, %dma_wait3A_430] : memref<8x100x64xf32, #tpu.memory_space<vmem>> -> memref<1x100x64xf32, #tpu.memory_space<vmem>>
    %dma_wait3A_432 = tpu.memref_squeeze %dma_wait3A_431 : memref<1x100x64xf32, #tpu.memory_space<vmem>> -> memref<100x64xf32, #tpu.memory_space<vmem>>
    %dma_wait3A_433 = arith.constant 0 : i32
    %dma_wait3A_434 = tpu.memref_slice %arg5[%dma_wait3A_427, %dma_wait3A_433] : memref<256x100xi32, #tpu.memory_space<vmem>> -> memref<1x100xi32, #tpu.memory_space<vmem>>
    %dma_wait3A_435 = tpu.memref_squeeze %dma_wait3A_434 : memref<1x100xi32, #tpu.memory_space<vmem>> -> memref<100xi32, #tpu.memory_space<vmem>>
    %dma_wait3A_436 = arith.constant 0 : i32
    %dma_wait3A_437 = arith.constant 0 : i32
    %dma_wait3A_438 = tpu.memref_slice %arg2[%dma_wait3A_436, %dma_wait3A_437] : memref<1000000x64xf32, #tpu.memory_space<hbm>> -> memref<1000000x64xf32, #tpu.memory_space<hbm>>
    tpu.wait_indirect_dma semaphore(%arg13 : memref<!tpu.dma_semaphore, #tpu.memory_space<semaphore_mem>>) src(%dma_wait3A_438 : memref<1000000x64xf32, #tpu.memory_space<hbm>>) dst(%dma_wait3A_432 : memref<100x64xf32, #tpu.memory_space<vmem>>)
    %add3A_439 = arith.constant 508 : i32
    %add3A_440 = arith.addi %mul3A_2, %add3A_439 : i32
    %add3A_441 = arith.constant 0 : i32
    %add3A_442 = arith.addi %add3A_440, %add3A_441 : i32
    %dma_start3A_443 = arith.constant 6 : i32
    %dma_start3A_444 = arith.constant 0 : i32
    %dma_start3A_445 = arith.constant 0 : i32
    %dma_start3A_446 = tpu.memref_slice %arg6[%dma_start3A_443, %dma_start3A_444, %dma_start3A_445] : memref<8x100x64xf32, #tpu.memory_space<vmem>> -> memref<1x50x64xf32, #tpu.memory_space<vmem>>
    %dma_start3A_447 = tpu.memref_squeeze %dma_start3A_446 : memref<1x50x64xf32, #tpu.memory_space<vmem>> -> memref<50x64xf32, #tpu.memory_space<vmem>>
    %dma_start3A_448 = arith.constant 0 : i32
    %dma_start3A_449 = arith.constant 0 : i32
    %dma_start3A_450 = tpu.memref_slice %arg4[%add3A_442, %dma_start3A_448, %dma_start3A_449] : memref<16384x56x128xf32, #tpu.memory_space<hbm>> -> memref<1x50x64xf32, #tpu.memory_space<hbm>>
    %dma_start3A_451 = tpu.memref_squeeze %dma_start3A_450 : memref<1x50x64xf32, #tpu.memory_space<hbm>> -> memref<50x64xf32, #tpu.memory_space<hbm>>
    %dma_start3A_452 = arith.constant 0 : i32
    %dma_start3A_453 = arith.constant 0 : i32
    %dma_start3A_454 = tpu.memref_slice %arg4[%add3A_442, %dma_start3A_452, %dma_start3A_453] : memref<16384x56x128xf32, #tpu.memory_space<hbm>> -> memref<1x50x64xf32, #tpu.memory_space<hbm>>
    %dma_start3A_455 = tpu.memref_squeeze %dma_start3A_454 : memref<1x50x64xf32, #tpu.memory_space<hbm>> -> memref<50x64xf32, #tpu.memory_space<hbm>>
    %dma_start3A_456 = arith.constant 0 : i32
    %dma_start3A_457 = arith.constant 0 : i32
    %dma_start3A_458 = tpu.memref_slice %arg6[%dma_start3A_443, %dma_start3A_456, %dma_start3A_457] : memref<8x100x64xf32, #tpu.memory_space<vmem>> -> memref<1x50x64xf32, #tpu.memory_space<vmem>>
    %dma_start3A_459 = tpu.memref_squeeze %dma_start3A_458 : memref<1x50x64xf32, #tpu.memory_space<vmem>> -> memref<50x64xf32, #tpu.memory_space<vmem>>
    tpu.enqueue_dma source(%dma_start3A_459 : memref<50x64xf32, #tpu.memory_space<vmem>>) target(%dma_start3A_455 : memref<50x64xf32, #tpu.memory_space<hbm>>) target_semaphore(%arg21 : memref<!tpu.dma_semaphore, #tpu.memory_space<semaphore_mem>>)
    %add3A_460 = arith.constant 508 : i32
    %add3A_461 = arith.addi %mul3A_2, %add3A_460 : i32
    %add3A_462 = arith.constant 1 : i32
    %add3A_463 = arith.addi %add3A_461, %add3A_462 : i32
    %dma_start3A_464 = arith.constant 6 : i32
    %dma_start3A_465 = arith.constant 50 : i32
    %dma_start3A_466 = arith.constant 0 : i32
    %dma_start3A_467 = tpu.memref_slice %arg6[%dma_start3A_464, %dma_start3A_465, %dma_start3A_466] : memref<8x100x64xf32, #tpu.memory_space<vmem>> -> memref<1x50x64xf32, #tpu.memory_space<vmem>>
    %dma_start3A_468 = tpu.memref_squeeze %dma_start3A_467 : memref<1x50x64xf32, #tpu.memory_space<vmem>> -> memref<50x64xf32, #tpu.memory_space<vmem>>
    %dma_start3A_469 = arith.constant 0 : i32
    %dma_start3A_470 = arith.constant 0 : i32
    %dma_start3A_471 = tpu.memref_slice %arg4[%add3A_463, %dma_start3A_469, %dma_start3A_470] : memref<16384x56x128xf32, #tpu.memory_space<hbm>> -> memref<1x50x64xf32, #tpu.memory_space<hbm>>
    %dma_start3A_472 = tpu.memref_squeeze %dma_start3A_471 : memref<1x50x64xf32, #tpu.memory_space<hbm>> -> memref<50x64xf32, #tpu.memory_space<hbm>>
    %dma_start3A_473 = arith.constant 0 : i32
    %dma_start3A_474 = arith.constant 0 : i32
    %dma_start3A_475 = tpu.memref_slice %arg4[%add3A_463, %dma_start3A_473, %dma_start3A_474] : memref<16384x56x128xf32, #tpu.memory_space<hbm>> -> memref<1x50x64xf32, #tpu.memory_space<hbm>>
    %dma_start3A_476 = tpu.memref_squeeze %dma_start3A_475 : memref<1x50x64xf32, #tpu.memory_space<hbm>> -> memref<50x64xf32, #tpu.memory_space<hbm>>
    %dma_start3A_477 = arith.constant 50 : i32
    %dma_start3A_478 = arith.constant 0 : i32
    %dma_start3A_479 = tpu.memref_slice %arg6[%dma_start3A_464, %dma_start3A_477, %dma_start3A_478] : memref<8x100x64xf32, #tpu.memory_space<vmem>> -> memref<1x50x64xf32, #tpu.memory_space<vmem>>
    %dma_start3A_480 = tpu.memref_squeeze %dma_start3A_479 : memref<1x50x64xf32, #tpu.memory_space<vmem>> -> memref<50x64xf32, #tpu.memory_space<vmem>>
    tpu.enqueue_dma source(%dma_start3A_480 : memref<50x64xf32, #tpu.memory_space<vmem>>) target(%dma_start3A_476 : memref<50x64xf32, #tpu.memory_space<hbm>>) target_semaphore(%arg21 : memref<!tpu.dma_semaphore, #tpu.memory_space<semaphore_mem>>)
    %dma_wait3A_481 = arith.constant 255 : i32
    %dma_wait3A_482 = arith.constant 7 : i32
    %dma_wait3A_483 = arith.constant 0 : i32
    %dma_wait3A_484 = arith.constant 0 : i32
    %dma_wait3A_485 = tpu.memref_slice %arg6[%dma_wait3A_482, %dma_wait3A_483, %dma_wait3A_484] : memref<8x100x64xf32, #tpu.memory_space<vmem>> -> memref<1x100x64xf32, #tpu.memory_space<vmem>>
    %dma_wait3A_486 = tpu.memref_squeeze %dma_wait3A_485 : memref<1x100x64xf32, #tpu.memory_space<vmem>> -> memref<100x64xf32, #tpu.memory_space<vmem>>
    %dma_wait3A_487 = arith.constant 0 : i32
    %dma_wait3A_488 = tpu.memref_slice %arg5[%dma_wait3A_481, %dma_wait3A_487] : memref<256x100xi32, #tpu.memory_space<vmem>> -> memref<1x100xi32, #tpu.memory_space<vmem>>
    %dma_wait3A_489 = tpu.memref_squeeze %dma_wait3A_488 : memref<1x100xi32, #tpu.memory_space<vmem>> -> memref<100xi32, #tpu.memory_space<vmem>>
    %dma_wait3A_490 = arith.constant 0 : i32
    %dma_wait3A_491 = arith.constant 0 : i32
    %dma_wait3A_492 = tpu.memref_slice %arg2[%dma_wait3A_490, %dma_wait3A_491] : memref<1000000x64xf32, #tpu.memory_space<hbm>> -> memref<1000000x64xf32, #tpu.memory_space<hbm>>
    tpu.wait_indirect_dma semaphore(%arg14 : memref<!tpu.dma_semaphore, #tpu.memory_space<semaphore_mem>>) src(%dma_wait3A_492 : memref<1000000x64xf32, #tpu.memory_space<hbm>>) dst(%dma_wait3A_486 : memref<100x64xf32, #tpu.memory_space<vmem>>)
    %add3A_493 = arith.constant 510 : i32
    %add3A_494 = arith.addi %mul3A_2, %add3A_493 : i32
    %add3A_495 = arith.constant 0 : i32
    %add3A_496 = arith.addi %add3A_494, %add3A_495 : i32
    %dma_start3A_497 = arith.constant 7 : i32
    %dma_start3A_498 = arith.constant 0 : i32
    %dma_start3A_499 = arith.constant 0 : i32
    %dma_start3A_500 = tpu.memref_slice %arg6[%dma_start3A_497, %dma_start3A_498, %dma_start3A_499] : memref<8x100x64xf32, #tpu.memory_space<vmem>> -> memref<1x50x64xf32, #tpu.memory_space<vmem>>
    %dma_start3A_501 = tpu.memref_squeeze %dma_start3A_500 : memref<1x50x64xf32, #tpu.memory_space<vmem>> -> memref<50x64xf32, #tpu.memory_space<vmem>>
    %dma_start3A_502 = arith.constant 0 : i32
    %dma_start3A_503 = arith.constant 0 : i32
    %dma_start3A_504 = tpu.memref_slice %arg4[%add3A_496, %dma_start3A_502, %dma_start3A_503] : memref<16384x56x128xf32, #tpu.memory_space<hbm>> -> memref<1x50x64xf32, #tpu.memory_space<hbm>>
    %dma_start3A_505 = tpu.memref_squeeze %dma_start3A_504 : memref<1x50x64xf32, #tpu.memory_space<hbm>> -> memref<50x64xf32, #tpu.memory_space<hbm>>
    %dma_start3A_506 = arith.constant 0 : i32
    %dma_start3A_507 = arith.constant 0 : i32
    %dma_start3A_508 = tpu.memref_slice %arg4[%add3A_496, %dma_start3A_506, %dma_start3A_507] : memref<16384x56x128xf32, #tpu.memory_space<hbm>> -> memref<1x50x64xf32, #tpu.memory_space<hbm>>
    %dma_start3A_509 = tpu.memref_squeeze %dma_start3A_508 : memref<1x50x64xf32, #tpu.memory_space<hbm>> -> memref<50x64xf32, #tpu.memory_space<hbm>>
    %dma_start3A_510 = arith.constant 0 : i32
    %dma_start3A_511 = arith.constant 0 : i32
    %dma_start3A_512 = tpu.memref_slice %arg6[%dma_start3A_497, %dma_start3A_510, %dma_start3A_511] : memref<8x100x64xf32, #tpu.memory_space<vmem>> -> memref<1x50x64xf32, #tpu.memory_space<vmem>>
    %dma_start3A_513 = tpu.memref_squeeze %dma_start3A_512 : memref<1x50x64xf32, #tpu.memory_space<vmem>> -> memref<50x64xf32, #tpu.memory_space<vmem>>
    tpu.enqueue_dma source(%dma_start3A_513 : memref<50x64xf32, #tpu.memory_space<vmem>>) target(%dma_start3A_509 : memref<50x64xf32, #tpu.memory_space<hbm>>) target_semaphore(%arg22 : memref<!tpu.dma_semaphore, #tpu.memory_space<semaphore_mem>>)
    %add3A_514 = arith.constant 510 : i32
    %add3A_515 = arith.addi %mul3A_2, %add3A_514 : i32
    %add3A_516 = arith.constant 1 : i32
    %add3A_517 = arith.addi %add3A_515, %add3A_516 : i32
    %dma_start3A_518 = arith.constant 7 : i32
    %dma_start3A_519 = arith.constant 50 : i32
    %dma_start3A_520 = arith.constant 0 : i32
    %dma_start3A_521 = tpu.memref_slice %arg6[%dma_start3A_518, %dma_start3A_519, %dma_start3A_520] : memref<8x100x64xf32, #tpu.memory_space<vmem>> -> memref<1x50x64xf32, #tpu.memory_space<vmem>>
    %dma_start3A_522 = tpu.memref_squeeze %dma_start3A_521 : memref<1x50x64xf32, #tpu.memory_space<vmem>> -> memref<50x64xf32, #tpu.memory_space<vmem>>
    %dma_start3A_523 = arith.constant 0 : i32
    %dma_start3A_524 = arith.constant 0 : i32
    %dma_start3A_525 = tpu.memref_slice %arg4[%add3A_517, %dma_start3A_523, %dma_start3A_524] : memref<16384x56x128xf32, #tpu.memory_space<hbm>> -> memref<1x50x64xf32, #tpu.memory_space<hbm>>
    %dma_start3A_526 = tpu.memref_squeeze %dma_start3A_525 : memref<1x50x64xf32, #tpu.memory_space<hbm>> -> memref<50x64xf32, #tpu.memory_space<hbm>>
    %dma_start3A_527 = arith.constant 0 : i32
    %dma_start3A_528 = arith.constant 0 : i32
    %dma_start3A_529 = tpu.memref_slice %arg4[%add3A_517, %dma_start3A_527, %dma_start3A_528] : memref<16384x56x128xf32, #tpu.memory_space<hbm>> -> memref<1x50x64xf32, #tpu.memory_space<hbm>>
    %dma_start3A_530 = tpu.memref_squeeze %dma_start3A_529 : memref<1x50x64xf32, #tpu.memory_space<hbm>> -> memref<50x64xf32, #tpu.memory_space<hbm>>
    %dma_start3A_531 = arith.constant 50 : i32
    %dma_start3A_532 = arith.constant 0 : i32
    %dma_start3A_533 = tpu.memref_slice %arg6[%dma_start3A_518, %dma_start3A_531, %dma_start3A_532] : memref<8x100x64xf32, #tpu.memory_space<vmem>> -> memref<1x50x64xf32, #tpu.memory_space<vmem>>
    %dma_start3A_534 = tpu.memref_squeeze %dma_start3A_533 : memref<1x50x64xf32, #tpu.memory_space<vmem>> -> memref<50x64xf32, #tpu.memory_space<vmem>>
    tpu.enqueue_dma source(%dma_start3A_534 : memref<50x64xf32, #tpu.memory_space<vmem>>) target(%dma_start3A_530 : memref<50x64xf32, #tpu.memory_space<hbm>>) target_semaphore(%arg22 : memref<!tpu.dma_semaphore, #tpu.memory_space<semaphore_mem>>)
    %dma_wait3A_535 = arith.constant 0 : i32
    %dma_wait3A_536 = arith.constant 0 : i32
    %dma_wait3A_537 = arith.constant 0 : i32
    %dma_wait3A_538 = arith.constant 0 : i32
    %dma_wait3A_539 = tpu.memref_slice %arg6[%dma_wait3A_535, %dma_wait3A_537, %dma_wait3A_538] : memref<8x100x64xf32, #tpu.memory_space<vmem>> -> memref<1x50x64xf32, #tpu.memory_space<vmem>>
    %dma_wait3A_540 = tpu.memref_squeeze %dma_wait3A_539 : memref<1x50x64xf32, #tpu.memory_space<vmem>> -> memref<50x64xf32, #tpu.memory_space<vmem>>
    %dma_wait3A_541 = arith.constant 0 : i32
    %dma_wait3A_542 = arith.constant 0 : i32
    %dma_wait3A_543 = tpu.memref_slice %arg4[%dma_wait3A_536, %dma_wait3A_541, %dma_wait3A_542] : memref<16384x56x128xf32, #tpu.memory_space<hbm>> -> memref<1x50x64xf32, #tpu.memory_space<hbm>>
    %dma_wait3A_544 = tpu.memref_squeeze %dma_wait3A_543 : memref<1x50x64xf32, #tpu.memory_space<hbm>> -> memref<50x64xf32, #tpu.memory_space<hbm>>
    %dma_wait3A_545 = arith.constant 0 : i32
    %dma_wait3A_546 = arith.constant 0 : i32
    %dma_wait3A_547 = tpu.memref_slice %arg4[%dma_wait3A_536, %dma_wait3A_545, %dma_wait3A_546] : memref<16384x56x128xf32, #tpu.memory_space<hbm>> -> memref<1x50x64xf32, #tpu.memory_space<hbm>>
    %dma_wait3A_548 = tpu.memref_squeeze %dma_wait3A_547 : memref<1x50x64xf32, #tpu.memory_space<hbm>> -> memref<50x64xf32, #tpu.memory_space<hbm>>
    %dma_wait3A_549 = arith.constant 0 : i32
    %dma_wait3A_550 = arith.constant 0 : i32
    %dma_wait3A_551 = tpu.memref_slice %arg6[%dma_wait3A_535, %dma_wait3A_549, %dma_wait3A_550] : memref<8x100x64xf32, #tpu.memory_space<vmem>> -> memref<1x50x64xf32, #tpu.memory_space<vmem>>
    %dma_wait3A_552 = tpu.memref_squeeze %dma_wait3A_551 : memref<1x50x64xf32, #tpu.memory_space<vmem>> -> memref<50x64xf32, #tpu.memory_space<vmem>>
    tpu.wait_dma2 semaphore(%arg15 : memref<!tpu.dma_semaphore, #tpu.memory_space<semaphore_mem>>) src(%dma_wait3A_552 : memref<50x64xf32, #tpu.memory_space<vmem>>) dst(%dma_wait3A_548 : memref<50x64xf32, #tpu.memory_space<hbm>>)
    %dma_wait3A_553 = arith.constant 0 : i32
    %dma_wait3A_554 = arith.constant 0 : i32
    %dma_wait3A_555 = arith.constant 50 : i32
    %dma_wait3A_556 = arith.constant 0 : i32
    %dma_wait3A_557 = tpu.memref_slice %arg6[%dma_wait3A_553, %dma_wait3A_555, %dma_wait3A_556] : memref<8x100x64xf32, #tpu.memory_space<vmem>> -> memref<1x50x64xf32, #tpu.memory_space<vmem>>
    %dma_wait3A_558 = tpu.memref_squeeze %dma_wait3A_557 : memref<1x50x64xf32, #tpu.memory_space<vmem>> -> memref<50x64xf32, #tpu.memory_space<vmem>>
    %dma_wait3A_559 = arith.constant 0 : i32
    %dma_wait3A_560 = arith.constant 0 : i32
    %dma_wait3A_561 = tpu.memref_slice %arg4[%dma_wait3A_554, %dma_wait3A_559, %dma_wait3A_560] : memref<16384x56x128xf32, #tpu.memory_space<hbm>> -> memref<1x50x64xf32, #tpu.memory_space<hbm>>
    %dma_wait3A_562 = tpu.memref_squeeze %dma_wait3A_561 : memref<1x50x64xf32, #tpu.memory_space<hbm>> -> memref<50x64xf32, #tpu.memory_space<hbm>>
    %dma_wait3A_563 = arith.constant 0 : i32
    %dma_wait3A_564 = arith.constant 0 : i32
    %dma_wait3A_565 = tpu.memref_slice %arg4[%dma_wait3A_554, %dma_wait3A_563, %dma_wait3A_564] : memref<16384x56x128xf32, #tpu.memory_space<hbm>> -> memref<1x50x64xf32, #tpu.memory_space<hbm>>
    %dma_wait3A_566 = tpu.memref_squeeze %dma_wait3A_565 : memref<1x50x64xf32, #tpu.memory_space<hbm>> -> memref<50x64xf32, #tpu.memory_space<hbm>>
    %dma_wait3A_567 = arith.constant 50 : i32
    %dma_wait3A_568 = arith.constant 0 : i32
    %dma_wait3A_569 = tpu.memref_slice %arg6[%dma_wait3A_553, %dma_wait3A_567, %dma_wait3A_568] : memref<8x100x64xf32, #tpu.memory_space<vmem>> -> memref<1x50x64xf32, #tpu.memory_space<vmem>>
    %dma_wait3A_570 = tpu.memref_squeeze %dma_wait3A_569 : memref<1x50x64xf32, #tpu.memory_space<vmem>> -> memref<50x64xf32, #tpu.memory_space<vmem>>
    tpu.wait_dma2 semaphore(%arg15 : memref<!tpu.dma_semaphore, #tpu.memory_space<semaphore_mem>>) src(%dma_wait3A_570 : memref<50x64xf32, #tpu.memory_space<vmem>>) dst(%dma_wait3A_566 : memref<50x64xf32, #tpu.memory_space<hbm>>)
    %dma_wait3A_571 = arith.constant 1 : i32
    %dma_wait3A_572 = arith.constant 0 : i32
    %dma_wait3A_573 = arith.constant 0 : i32
    %dma_wait3A_574 = arith.constant 0 : i32
    %dma_wait3A_575 = tpu.memref_slice %arg6[%dma_wait3A_571, %dma_wait3A_573, %dma_wait3A_574] : memref<8x100x64xf32, #tpu.memory_space<vmem>> -> memref<1x50x64xf32, #tpu.memory_space<vmem>>
    %dma_wait3A_576 = tpu.memref_squeeze %dma_wait3A_575 : memref<1x50x64xf32, #tpu.memory_space<vmem>> -> memref<50x64xf32, #tpu.memory_space<vmem>>
    %dma_wait3A_577 = arith.constant 0 : i32
    %dma_wait3A_578 = arith.constant 0 : i32
    %dma_wait3A_579 = tpu.memref_slice %arg4[%dma_wait3A_572, %dma_wait3A_577, %dma_wait3A_578] : memref<16384x56x128xf32, #tpu.memory_space<hbm>> -> memref<1x50x64xf32, #tpu.memory_space<hbm>>
    %dma_wait3A_580 = tpu.memref_squeeze %dma_wait3A_579 : memref<1x50x64xf32, #tpu.memory_space<hbm>> -> memref<50x64xf32, #tpu.memory_space<hbm>>
    %dma_wait3A_581 = arith.constant 0 : i32
    %dma_wait3A_582 = arith.constant 0 : i32
    %dma_wait3A_583 = tpu.memref_slice %arg4[%dma_wait3A_572, %dma_wait3A_581, %dma_wait3A_582] : memref<16384x56x128xf32, #tpu.memory_space<hbm>> -> memref<1x50x64xf32, #tpu.memory_space<hbm>>
    %dma_wait3A_584 = tpu.memref_squeeze %dma_wait3A_583 : memref<1x50x64xf32, #tpu.memory_space<hbm>> -> memref<50x64xf32, #tpu.memory_space<hbm>>
    %dma_wait3A_585 = arith.constant 0 : i32
    %dma_wait3A_586 = arith.constant 0 : i32
    %dma_wait3A_587 = tpu.memref_slice %arg6[%dma_wait3A_571, %dma_wait3A_585, %dma_wait3A_586] : memref<8x100x64xf32, #tpu.memory_space<vmem>> -> memref<1x50x64xf32, #tpu.memory_space<vmem>>
    %dma_wait3A_588 = tpu.memref_squeeze %dma_wait3A_587 : memref<1x50x64xf32, #tpu.memory_space<vmem>> -> memref<50x64xf32, #tpu.memory_space<vmem>>
    tpu.wait_dma2 semaphore(%arg16 : memref<!tpu.dma_semaphore, #tpu.memory_space<semaphore_mem>>) src(%dma_wait3A_588 : memref<50x64xf32, #tpu.memory_space<vmem>>) dst(%dma_wait3A_584 : memref<50x64xf32, #tpu.memory_space<hbm>>)
    %dma_wait3A_589 = arith.constant 1 : i32
    %dma_wait3A_590 = arith.constant 0 : i32
    %dma_wait3A_591 = arith.constant 50 : i32
    %dma_wait3A_592 = arith.constant 0 : i32
    %dma_wait3A_593 = tpu.memref_slice %arg6[%dma_wait3A_589, %dma_wait3A_591, %dma_wait3A_592] : memref<8x100x64xf32, #tpu.memory_space<vmem>> -> memref<1x50x64xf32, #tpu.memory_space<vmem>>
    %dma_wait3A_594 = tpu.memref_squeeze %dma_wait3A_593 : memref<1x50x64xf32, #tpu.memory_space<vmem>> -> memref<50x64xf32, #tpu.memory_space<vmem>>
    %dma_wait3A_595 = arith.constant 0 : i32
    %dma_wait3A_596 = arith.constant 0 : i32
    %dma_wait3A_597 = tpu.memref_slice %arg4[%dma_wait3A_590, %dma_wait3A_595, %dma_wait3A_596] : memref<16384x56x128xf32, #tpu.memory_space<hbm>> -> memref<1x50x64xf32, #tpu.memory_space<hbm>>
    %dma_wait3A_598 = tpu.memref_squeeze %dma_wait3A_597 : memref<1x50x64xf32, #tpu.memory_space<hbm>> -> memref<50x64xf32, #tpu.memory_space<hbm>>
    %dma_wait3A_599 = arith.constant 0 : i32
    %dma_wait3A_600 = arith.constant 0 : i32
    %dma_wait3A_601 = tpu.memref_slice %arg4[%dma_wait3A_590, %dma_wait3A_599, %dma_wait3A_600] : memref<16384x56x128xf32, #tpu.memory_space<hbm>> -> memref<1x50x64xf32, #tpu.memory_space<hbm>>
    %dma_wait3A_602 = tpu.memref_squeeze %dma_wait3A_601 : memref<1x50x64xf32, #tpu.memory_space<hbm>> -> memref<50x64xf32, #tpu.memory_space<hbm>>
    %dma_wait3A_603 = arith.constant 50 : i32
    %dma_wait3A_604 = arith.constant 0 : i32
    %dma_wait3A_605 = tpu.memref_slice %arg6[%dma_wait3A_589, %dma_wait3A_603, %dma_wait3A_604] : memref<8x100x64xf32, #tpu.memory_space<vmem>> -> memref<1x50x64xf32, #tpu.memory_space<vmem>>
    %dma_wait3A_606 = tpu.memref_squeeze %dma_wait3A_605 : memref<1x50x64xf32, #tpu.memory_space<vmem>> -> memref<50x64xf32, #tpu.memory_space<vmem>>
    tpu.wait_dma2 semaphore(%arg16 : memref<!tpu.dma_semaphore, #tpu.memory_space<semaphore_mem>>) src(%dma_wait3A_606 : memref<50x64xf32, #tpu.memory_space<vmem>>) dst(%dma_wait3A_602 : memref<50x64xf32, #tpu.memory_space<hbm>>)
    %dma_wait3A_607 = arith.constant 2 : i32
    %dma_wait3A_608 = arith.constant 0 : i32
    %dma_wait3A_609 = arith.constant 0 : i32
    %dma_wait3A_610 = arith.constant 0 : i32
    %dma_wait3A_611 = tpu.memref_slice %arg6[%dma_wait3A_607, %dma_wait3A_609, %dma_wait3A_610] : memref<8x100x64xf32, #tpu.memory_space<vmem>> -> memref<1x50x64xf32, #tpu.memory_space<vmem>>
    %dma_wait3A_612 = tpu.memref_squeeze %dma_wait3A_611 : memref<1x50x64xf32, #tpu.memory_space<vmem>> -> memref<50x64xf32, #tpu.memory_space<vmem>>
    %dma_wait3A_613 = arith.constant 0 : i32
    %dma_wait3A_614 = arith.constant 0 : i32
    %dma_wait3A_615 = tpu.memref_slice %arg4[%dma_wait3A_608, %dma_wait3A_613, %dma_wait3A_614] : memref<16384x56x128xf32, #tpu.memory_space<hbm>> -> memref<1x50x64xf32, #tpu.memory_space<hbm>>
    %dma_wait3A_616 = tpu.memref_squeeze %dma_wait3A_615 : memref<1x50x64xf32, #tpu.memory_space<hbm>> -> memref<50x64xf32, #tpu.memory_space<hbm>>
    %dma_wait3A_617 = arith.constant 0 : i32
    %dma_wait3A_618 = arith.constant 0 : i32
    %dma_wait3A_619 = tpu.memref_slice %arg4[%dma_wait3A_608, %dma_wait3A_617, %dma_wait3A_618] : memref<16384x56x128xf32, #tpu.memory_space<hbm>> -> memref<1x50x64xf32, #tpu.memory_space<hbm>>
    %dma_wait3A_620 = tpu.memref_squeeze %dma_wait3A_619 : memref<1x50x64xf32, #tpu.memory_space<hbm>> -> memref<50x64xf32, #tpu.memory_space<hbm>>
    %dma_wait3A_621 = arith.constant 0 : i32
    %dma_wait3A_622 = arith.constant 0 : i32
    %dma_wait3A_623 = tpu.memref_slice %arg6[%dma_wait3A_607, %dma_wait3A_621, %dma_wait3A_622] : memref<8x100x64xf32, #tpu.memory_space<vmem>> -> memref<1x50x64xf32, #tpu.memory_space<vmem>>
    %dma_wait3A_624 = tpu.memref_squeeze %dma_wait3A_623 : memref<1x50x64xf32, #tpu.memory_space<vmem>> -> memref<50x64xf32, #tpu.memory_space<vmem>>
    tpu.wait_dma2 semaphore(%arg17 : memref<!tpu.dma_semaphore, #tpu.memory_space<semaphore_mem>>) src(%dma_wait3A_624 : memref<50x64xf32, #tpu.memory_space<vmem>>) dst(%dma_wait3A_620 : memref<50x64xf32, #tpu.memory_space<hbm>>)
    %dma_wait3A_625 = arith.constant 2 : i32
    %dma_wait3A_626 = arith.constant 0 : i32
    %dma_wait3A_627 = arith.constant 50 : i32
    %dma_wait3A_628 = arith.constant 0 : i32
    %dma_wait3A_629 = tpu.memref_slice %arg6[%dma_wait3A_625, %dma_wait3A_627, %dma_wait3A_628] : memref<8x100x64xf32, #tpu.memory_space<vmem>> -> memref<1x50x64xf32, #tpu.memory_space<vmem>>
    %dma_wait3A_630 = tpu.memref_squeeze %dma_wait3A_629 : memref<1x50x64xf32, #tpu.memory_space<vmem>> -> memref<50x64xf32, #tpu.memory_space<vmem>>
    %dma_wait3A_631 = arith.constant 0 : i32
    %dma_wait3A_632 = arith.constant 0 : i32
    %dma_wait3A_633 = tpu.memref_slice %arg4[%dma_wait3A_626, %dma_wait3A_631, %dma_wait3A_632] : memref<16384x56x128xf32, #tpu.memory_space<hbm>> -> memref<1x50x64xf32, #tpu.memory_space<hbm>>
    %dma_wait3A_634 = tpu.memref_squeeze %dma_wait3A_633 : memref<1x50x64xf32, #tpu.memory_space<hbm>> -> memref<50x64xf32, #tpu.memory_space<hbm>>
    %dma_wait3A_635 = arith.constant 0 : i32
    %dma_wait3A_636 = arith.constant 0 : i32
    %dma_wait3A_637 = tpu.memref_slice %arg4[%dma_wait3A_626, %dma_wait3A_635, %dma_wait3A_636] : memref<16384x56x128xf32, #tpu.memory_space<hbm>> -> memref<1x50x64xf32, #tpu.memory_space<hbm>>
    %dma_wait3A_638 = tpu.memref_squeeze %dma_wait3A_637 : memref<1x50x64xf32, #tpu.memory_space<hbm>> -> memref<50x64xf32, #tpu.memory_space<hbm>>
    %dma_wait3A_639 = arith.constant 50 : i32
    %dma_wait3A_640 = arith.constant 0 : i32
    %dma_wait3A_641 = tpu.memref_slice %arg6[%dma_wait3A_625, %dma_wait3A_639, %dma_wait3A_640] : memref<8x100x64xf32, #tpu.memory_space<vmem>> -> memref<1x50x64xf32, #tpu.memory_space<vmem>>
    %dma_wait3A_642 = tpu.memref_squeeze %dma_wait3A_641 : memref<1x50x64xf32, #tpu.memory_space<vmem>> -> memref<50x64xf32, #tpu.memory_space<vmem>>
    tpu.wait_dma2 semaphore(%arg17 : memref<!tpu.dma_semaphore, #tpu.memory_space<semaphore_mem>>) src(%dma_wait3A_642 : memref<50x64xf32, #tpu.memory_space<vmem>>) dst(%dma_wait3A_638 : memref<50x64xf32, #tpu.memory_space<hbm>>)
    %dma_wait3A_643 = arith.constant 3 : i32
    %dma_wait3A_644 = arith.constant 0 : i32
    %dma_wait3A_645 = arith.constant 0 : i32
    %dma_wait3A_646 = arith.constant 0 : i32
    %dma_wait3A_647 = tpu.memref_slice %arg6[%dma_wait3A_643, %dma_wait3A_645, %dma_wait3A_646] : memref<8x100x64xf32, #tpu.memory_space<vmem>> -> memref<1x50x64xf32, #tpu.memory_space<vmem>>
    %dma_wait3A_648 = tpu.memref_squeeze %dma_wait3A_647 : memref<1x50x64xf32, #tpu.memory_space<vmem>> -> memref<50x64xf32, #tpu.memory_space<vmem>>
    %dma_wait3A_649 = arith.constant 0 : i32
    %dma_wait3A_650 = arith.constant 0 : i32
    %dma_wait3A_651 = tpu.memref_slice %arg4[%dma_wait3A_644, %dma_wait3A_649, %dma_wait3A_650] : memref<16384x56x128xf32, #tpu.memory_space<hbm>> -> memref<1x50x64xf32, #tpu.memory_space<hbm>>
    %dma_wait3A_652 = tpu.memref_squeeze %dma_wait3A_651 : memref<1x50x64xf32, #tpu.memory_space<hbm>> -> memref<50x64xf32, #tpu.memory_space<hbm>>
    %dma_wait3A_653 = arith.constant 0 : i32
    %dma_wait3A_654 = arith.constant 0 : i32
    %dma_wait3A_655 = tpu.memref_slice %arg4[%dma_wait3A_644, %dma_wait3A_653, %dma_wait3A_654] : memref<16384x56x128xf32, #tpu.memory_space<hbm>> -> memref<1x50x64xf32, #tpu.memory_space<hbm>>
    %dma_wait3A_656 = tpu.memref_squeeze %dma_wait3A_655 : memref<1x50x64xf32, #tpu.memory_space<hbm>> -> memref<50x64xf32, #tpu.memory_space<hbm>>
    %dma_wait3A_657 = arith.constant 0 : i32
    %dma_wait3A_658 = arith.constant 0 : i32
    %dma_wait3A_659 = tpu.memref_slice %arg6[%dma_wait3A_643, %dma_wait3A_657, %dma_wait3A_658] : memref<8x100x64xf32, #tpu.memory_space<vmem>> -> memref<1x50x64xf32, #tpu.memory_space<vmem>>
    %dma_wait3A_660 = tpu.memref_squeeze %dma_wait3A_659 : memref<1x50x64xf32, #tpu.memory_space<vmem>> -> memref<50x64xf32, #tpu.memory_space<vmem>>
    tpu.wait_dma2 semaphore(%arg18 : memref<!tpu.dma_semaphore, #tpu.memory_space<semaphore_mem>>) src(%dma_wait3A_660 : memref<50x64xf32, #tpu.memory_space<vmem>>) dst(%dma_wait3A_656 : memref<50x64xf32, #tpu.memory_space<hbm>>)
    %dma_wait3A_661 = arith.constant 3 : i32
    %dma_wait3A_662 = arith.constant 0 : i32
    %dma_wait3A_663 = arith.constant 50 : i32
    %dma_wait3A_664 = arith.constant 0 : i32
    %dma_wait3A_665 = tpu.memref_slice %arg6[%dma_wait3A_661, %dma_wait3A_663, %dma_wait3A_664] : memref<8x100x64xf32, #tpu.memory_space<vmem>> -> memref<1x50x64xf32, #tpu.memory_space<vmem>>
    %dma_wait3A_666 = tpu.memref_squeeze %dma_wait3A_665 : memref<1x50x64xf32, #tpu.memory_space<vmem>> -> memref<50x64xf32, #tpu.memory_space<vmem>>
    %dma_wait3A_667 = arith.constant 0 : i32
    %dma_wait3A_668 = arith.constant 0 : i32
    %dma_wait3A_669 = tpu.memref_slice %arg4[%dma_wait3A_662, %dma_wait3A_667, %dma_wait3A_668] : memref<16384x56x128xf32, #tpu.memory_space<hbm>> -> memref<1x50x64xf32, #tpu.memory_space<hbm>>
    %dma_wait3A_670 = tpu.memref_squeeze %dma_wait3A_669 : memref<1x50x64xf32, #tpu.memory_space<hbm>> -> memref<50x64xf32, #tpu.memory_space<hbm>>
    %dma_wait3A_671 = arith.constant 0 : i32
    %dma_wait3A_672 = arith.constant 0 : i32
    %dma_wait3A_673 = tpu.memref_slice %arg4[%dma_wait3A_662, %dma_wait3A_671, %dma_wait3A_672] : memref<16384x56x128xf32, #tpu.memory_space<hbm>> -> memref<1x50x64xf32, #tpu.memory_space<hbm>>
    %dma_wait3A_674 = tpu.memref_squeeze %dma_wait3A_673 : memref<1x50x64xf32, #tpu.memory_space<hbm>> -> memref<50x64xf32, #tpu.memory_space<hbm>>
    %dma_wait3A_675 = arith.constant 50 : i32
    %dma_wait3A_676 = arith.constant 0 : i32
    %dma_wait3A_677 = tpu.memref_slice %arg6[%dma_wait3A_661, %dma_wait3A_675, %dma_wait3A_676] : memref<8x100x64xf32, #tpu.memory_space<vmem>> -> memref<1x50x64xf32, #tpu.memory_space<vmem>>
    %dma_wait3A_678 = tpu.memref_squeeze %dma_wait3A_677 : memref<1x50x64xf32, #tpu.memory_space<vmem>> -> memref<50x64xf32, #tpu.memory_space<vmem>>
    tpu.wait_dma2 semaphore(%arg18 : memref<!tpu.dma_semaphore, #tpu.memory_space<semaphore_mem>>) src(%dma_wait3A_678 : memref<50x64xf32, #tpu.memory_space<vmem>>) dst(%dma_wait3A_674 : memref<50x64xf32, #tpu.memory_space<hbm>>)
    %dma_wait3A_679 = arith.constant 4 : i32
    %dma_wait3A_680 = arith.constant 0 : i32
    %dma_wait3A_681 = arith.constant 0 : i32
    %dma_wait3A_682 = arith.constant 0 : i32
    %dma_wait3A_683 = tpu.memref_slice %arg6[%dma_wait3A_679, %dma_wait3A_681, %dma_wait3A_682] : memref<8x100x64xf32, #tpu.memory_space<vmem>> -> memref<1x50x64xf32, #tpu.memory_space<vmem>>
    %dma_wait3A_684 = tpu.memref_squeeze %dma_wait3A_683 : memref<1x50x64xf32, #tpu.memory_space<vmem>> -> memref<50x64xf32, #tpu.memory_space<vmem>>
    %dma_wait3A_685 = arith.constant 0 : i32
    %dma_wait3A_686 = arith.constant 0 : i32
    %dma_wait3A_687 = tpu.memref_slice %arg4[%dma_wait3A_680, %dma_wait3A_685, %dma_wait3A_686] : memref<16384x56x128xf32, #tpu.memory_space<hbm>> -> memref<1x50x64xf32, #tpu.memory_space<hbm>>
    %dma_wait3A_688 = tpu.memref_squeeze %dma_wait3A_687 : memref<1x50x64xf32, #tpu.memory_space<hbm>> -> memref<50x64xf32, #tpu.memory_space<hbm>>
    %dma_wait3A_689 = arith.constant 0 : i32
    %dma_wait3A_690 = arith.constant 0 : i32
    %dma_wait3A_691 = tpu.memref_slice %arg4[%dma_wait3A_680, %dma_wait3A_689, %dma_wait3A_690] : memref<16384x56x128xf32, #tpu.memory_space<hbm>> -> memref<1x50x64xf32, #tpu.memory_space<hbm>>
    %dma_wait3A_692 = tpu.memref_squeeze %dma_wait3A_691 : memref<1x50x64xf32, #tpu.memory_space<hbm>> -> memref<50x64xf32, #tpu.memory_space<hbm>>
    %dma_wait3A_693 = arith.constant 0 : i32
    %dma_wait3A_694 = arith.constant 0 : i32
    %dma_wait3A_695 = tpu.memref_slice %arg6[%dma_wait3A_679, %dma_wait3A_693, %dma_wait3A_694] : memref<8x100x64xf32, #tpu.memory_space<vmem>> -> memref<1x50x64xf32, #tpu.memory_space<vmem>>
    %dma_wait3A_696 = tpu.memref_squeeze %dma_wait3A_695 : memref<1x50x64xf32, #tpu.memory_space<vmem>> -> memref<50x64xf32, #tpu.memory_space<vmem>>
    tpu.wait_dma2 semaphore(%arg19 : memref<!tpu.dma_semaphore, #tpu.memory_space<semaphore_mem>>) src(%dma_wait3A_696 : memref<50x64xf32, #tpu.memory_space<vmem>>) dst(%dma_wait3A_692 : memref<50x64xf32, #tpu.memory_space<hbm>>)
    %dma_wait3A_697 = arith.constant 4 : i32
    %dma_wait3A_698 = arith.constant 0 : i32
    %dma_wait3A_699 = arith.constant 50 : i32
    %dma_wait3A_700 = arith.constant 0 : i32
    %dma_wait3A_701 = tpu.memref_slice %arg6[%dma_wait3A_697, %dma_wait3A_699, %dma_wait3A_700] : memref<8x100x64xf32, #tpu.memory_space<vmem>> -> memref<1x50x64xf32, #tpu.memory_space<vmem>>
    %dma_wait3A_702 = tpu.memref_squeeze %dma_wait3A_701 : memref<1x50x64xf32, #tpu.memory_space<vmem>> -> memref<50x64xf32, #tpu.memory_space<vmem>>
    %dma_wait3A_703 = arith.constant 0 : i32
    %dma_wait3A_704 = arith.constant 0 : i32
    %dma_wait3A_705 = tpu.memref_slice %arg4[%dma_wait3A_698, %dma_wait3A_703, %dma_wait3A_704] : memref<16384x56x128xf32, #tpu.memory_space<hbm>> -> memref<1x50x64xf32, #tpu.memory_space<hbm>>
    %dma_wait3A_706 = tpu.memref_squeeze %dma_wait3A_705 : memref<1x50x64xf32, #tpu.memory_space<hbm>> -> memref<50x64xf32, #tpu.memory_space<hbm>>
    %dma_wait3A_707 = arith.constant 0 : i32
    %dma_wait3A_708 = arith.constant 0 : i32
    %dma_wait3A_709 = tpu.memref_slice %arg4[%dma_wait3A_698, %dma_wait3A_707, %dma_wait3A_708] : memref<16384x56x128xf32, #tpu.memory_space<hbm>> -> memref<1x50x64xf32, #tpu.memory_space<hbm>>
    %dma_wait3A_710 = tpu.memref_squeeze %dma_wait3A_709 : memref<1x50x64xf32, #tpu.memory_space<hbm>> -> memref<50x64xf32, #tpu.memory_space<hbm>>
    %dma_wait3A_711 = arith.constant 50 : i32
    %dma_wait3A_712 = arith.constant 0 : i32
    %dma_wait3A_713 = tpu.memref_slice %arg6[%dma_wait3A_697, %dma_wait3A_711, %dma_wait3A_712] : memref<8x100x64xf32, #tpu.memory_space<vmem>> -> memref<1x50x64xf32, #tpu.memory_space<vmem>>
    %dma_wait3A_714 = tpu.memref_squeeze %dma_wait3A_713 : memref<1x50x64xf32, #tpu.memory_space<vmem>> -> memref<50x64xf32, #tpu.memory_space<vmem>>
    tpu.wait_dma2 semaphore(%arg19 : memref<!tpu.dma_semaphore, #tpu.memory_space<semaphore_mem>>) src(%dma_wait3A_714 : memref<50x64xf32, #tpu.memory_space<vmem>>) dst(%dma_wait3A_710 : memref<50x64xf32, #tpu.memory_space<hbm>>)
    %dma_wait3A_715 = arith.constant 5 : i32
    %dma_wait3A_716 = arith.constant 0 : i32
    %dma_wait3A_717 = arith.constant 0 : i32
    %dma_wait3A_718 = arith.constant 0 : i32
    %dma_wait3A_719 = tpu.memref_slice %arg6[%dma_wait3A_715, %dma_wait3A_717, %dma_wait3A_718] : memref<8x100x64xf32, #tpu.memory_space<vmem>> -> memref<1x50x64xf32, #tpu.memory_space<vmem>>
    %dma_wait3A_720 = tpu.memref_squeeze %dma_wait3A_719 : memref<1x50x64xf32, #tpu.memory_space<vmem>> -> memref<50x64xf32, #tpu.memory_space<vmem>>
    %dma_wait3A_721 = arith.constant 0 : i32
    %dma_wait3A_722 = arith.constant 0 : i32
    %dma_wait3A_723 = tpu.memref_slice %arg4[%dma_wait3A_716, %dma_wait3A_721, %dma_wait3A_722] : memref<16384x56x128xf32, #tpu.memory_space<hbm>> -> memref<1x50x64xf32, #tpu.memory_space<hbm>>
    %dma_wait3A_724 = tpu.memref_squeeze %dma_wait3A_723 : memref<1x50x64xf32, #tpu.memory_space<hbm>> -> memref<50x64xf32, #tpu.memory_space<hbm>>
    %dma_wait3A_725 = arith.constant 0 : i32
    %dma_wait3A_726 = arith.constant 0 : i32
    %dma_wait3A_727 = tpu.memref_slice %arg4[%dma_wait3A_716, %dma_wait3A_725, %dma_wait3A_726] : memref<16384x56x128xf32, #tpu.memory_space<hbm>> -> memref<1x50x64xf32, #tpu.memory_space<hbm>>
    %dma_wait3A_728 = tpu.memref_squeeze %dma_wait3A_727 : memref<1x50x64xf32, #tpu.memory_space<hbm>> -> memref<50x64xf32, #tpu.memory_space<hbm>>
    %dma_wait3A_729 = arith.constant 0 : i32
    %dma_wait3A_730 = arith.constant 0 : i32
    %dma_wait3A_731 = tpu.memref_slice %arg6[%dma_wait3A_715, %dma_wait3A_729, %dma_wait3A_730] : memref<8x100x64xf32, #tpu.memory_space<vmem>> -> memref<1x50x64xf32, #tpu.memory_space<vmem>>
    %dma_wait3A_732 = tpu.memref_squeeze %dma_wait3A_731 : memref<1x50x64xf32, #tpu.memory_space<vmem>> -> memref<50x64xf32, #tpu.memory_space<vmem>>
    tpu.wait_dma2 semaphore(%arg20 : memref<!tpu.dma_semaphore, #tpu.memory_space<semaphore_mem>>) src(%dma_wait3A_732 : memref<50x64xf32, #tpu.memory_space<vmem>>) dst(%dma_wait3A_728 : memref<50x64xf32, #tpu.memory_space<hbm>>)
    %dma_wait3A_733 = arith.constant 5 : i32
    %dma_wait3A_734 = arith.constant 0 : i32
    %dma_wait3A_735 = arith.constant 50 : i32
    %dma_wait3A_736 = arith.constant 0 : i32
    %dma_wait3A_737 = tpu.memref_slice %arg6[%dma_wait3A_733, %dma_wait3A_735, %dma_wait3A_736] : memref<8x100x64xf32, #tpu.memory_space<vmem>> -> memref<1x50x64xf32, #tpu.memory_space<vmem>>
    %dma_wait3A_738 = tpu.memref_squeeze %dma_wait3A_737 : memref<1x50x64xf32, #tpu.memory_space<vmem>> -> memref<50x64xf32, #tpu.memory_space<vmem>>
    %dma_wait3A_739 = arith.constant 0 : i32
    %dma_wait3A_740 = arith.constant 0 : i32
    %dma_wait3A_741 = tpu.memref_slice %arg4[%dma_wait3A_734, %dma_wait3A_739, %dma_wait3A_740] : memref<16384x56x128xf32, #tpu.memory_space<hbm>> -> memref<1x50x64xf32, #tpu.memory_space<hbm>>
    %dma_wait3A_742 = tpu.memref_squeeze %dma_wait3A_741 : memref<1x50x64xf32, #tpu.memory_space<hbm>> -> memref<50x64xf32, #tpu.memory_space<hbm>>
    %dma_wait3A_743 = arith.constant 0 : i32
    %dma_wait3A_744 = arith.constant 0 : i32
    %dma_wait3A_745 = tpu.memref_slice %arg4[%dma_wait3A_734, %dma_wait3A_743, %dma_wait3A_744] : memref<16384x56x128xf32, #tpu.memory_space<hbm>> -> memref<1x50x64xf32, #tpu.memory_space<hbm>>
    %dma_wait3A_746 = tpu.memref_squeeze %dma_wait3A_745 : memref<1x50x64xf32, #tpu.memory_space<hbm>> -> memref<50x64xf32, #tpu.memory_space<hbm>>
    %dma_wait3A_747 = arith.constant 50 : i32
    %dma_wait3A_748 = arith.constant 0 : i32
    %dma_wait3A_749 = tpu.memref_slice %arg6[%dma_wait3A_733, %dma_wait3A_747, %dma_wait3A_748] : memref<8x100x64xf32, #tpu.memory_space<vmem>> -> memref<1x50x64xf32, #tpu.memory_space<vmem>>
    %dma_wait3A_750 = tpu.memref_squeeze %dma_wait3A_749 : memref<1x50x64xf32, #tpu.memory_space<vmem>> -> memref<50x64xf32, #tpu.memory_space<vmem>>
    tpu.wait_dma2 semaphore(%arg20 : memref<!tpu.dma_semaphore, #tpu.memory_space<semaphore_mem>>) src(%dma_wait3A_750 : memref<50x64xf32, #tpu.memory_space<vmem>>) dst(%dma_wait3A_746 : memref<50x64xf32, #tpu.memory_space<hbm>>)
    %dma_wait3A_751 = arith.constant 6 : i32
    %dma_wait3A_752 = arith.constant 0 : i32
    %dma_wait3A_753 = arith.constant 0 : i32
    %dma_wait3A_754 = arith.constant 0 : i32
    %dma_wait3A_755 = tpu.memref_slice %arg6[%dma_wait3A_751, %dma_wait3A_753, %dma_wait3A_754] : memref<8x100x64xf32, #tpu.memory_space<vmem>> -> memref<1x50x64xf32, #tpu.memory_space<vmem>>
    %dma_wait3A_756 = tpu.memref_squeeze %dma_wait3A_755 : memref<1x50x64xf32, #tpu.memory_space<vmem>> -> memref<50x64xf32, #tpu.memory_space<vmem>>
    %dma_wait3A_757 = arith.constant 0 : i32
    %dma_wait3A_758 = arith.constant 0 : i32
    %dma_wait3A_759 = tpu.memref_slice %arg4[%dma_wait3A_752, %dma_wait3A_757, %dma_wait3A_758] : memref<16384x56x128xf32, #tpu.memory_space<hbm>> -> memref<1x50x64xf32, #tpu.memory_space<hbm>>
    %dma_wait3A_760 = tpu.memref_squeeze %dma_wait3A_759 : memref<1x50x64xf32, #tpu.memory_space<hbm>> -> memref<50x64xf32, #tpu.memory_space<hbm>>
    %dma_wait3A_761 = arith.constant 0 : i32
    %dma_wait3A_762 = arith.constant 0 : i32
    %dma_wait3A_763 = tpu.memref_slice %arg4[%dma_wait3A_752, %dma_wait3A_761, %dma_wait3A_762] : memref<16384x56x128xf32, #tpu.memory_space<hbm>> -> memref<1x50x64xf32, #tpu.memory_space<hbm>>
    %dma_wait3A_764 = tpu.memref_squeeze %dma_wait3A_763 : memref<1x50x64xf32, #tpu.memory_space<hbm>> -> memref<50x64xf32, #tpu.memory_space<hbm>>
    %dma_wait3A_765 = arith.constant 0 : i32
    %dma_wait3A_766 = arith.constant 0 : i32
    %dma_wait3A_767 = tpu.memref_slice %arg6[%dma_wait3A_751, %dma_wait3A_765, %dma_wait3A_766] : memref<8x100x64xf32, #tpu.memory_space<vmem>> -> memref<1x50x64xf32, #tpu.memory_space<vmem>>
    %dma_wait3A_768 = tpu.memref_squeeze %dma_wait3A_767 : memref<1x50x64xf32, #tpu.memory_space<vmem>> -> memref<50x64xf32, #tpu.memory_space<vmem>>
    tpu.wait_dma2 semaphore(%arg21 : memref<!tpu.dma_semaphore, #tpu.memory_space<semaphore_mem>>) src(%dma_wait3A_768 : memref<50x64xf32, #tpu.memory_space<vmem>>) dst(%dma_wait3A_764 : memref<50x64xf32, #tpu.memory_space<hbm>>)
    %dma_wait3A_769 = arith.constant 6 : i32
    %dma_wait3A_770 = arith.constant 0 : i32
    %dma_wait3A_771 = arith.constant 50 : i32
    %dma_wait3A_772 = arith.constant 0 : i32
    %dma_wait3A_773 = tpu.memref_slice %arg6[%dma_wait3A_769, %dma_wait3A_771, %dma_wait3A_772] : memref<8x100x64xf32, #tpu.memory_space<vmem>> -> memref<1x50x64xf32, #tpu.memory_space<vmem>>
    %dma_wait3A_774 = tpu.memref_squeeze %dma_wait3A_773 : memref<1x50x64xf32, #tpu.memory_space<vmem>> -> memref<50x64xf32, #tpu.memory_space<vmem>>
    %dma_wait3A_775 = arith.constant 0 : i32
    %dma_wait3A_776 = arith.constant 0 : i32
    %dma_wait3A_777 = tpu.memref_slice %arg4[%dma_wait3A_770, %dma_wait3A_775, %dma_wait3A_776] : memref<16384x56x128xf32, #tpu.memory_space<hbm>> -> memref<1x50x64xf32, #tpu.memory_space<hbm>>
    %dma_wait3A_778 = tpu.memref_squeeze %dma_wait3A_777 : memref<1x50x64xf32, #tpu.memory_space<hbm>> -> memref<50x64xf32, #tpu.memory_space<hbm>>
    %dma_wait3A_779 = arith.constant 0 : i32
    %dma_wait3A_780 = arith.constant 0 : i32
    %dma_wait3A_781 = tpu.memref_slice %arg4[%dma_wait3A_770, %dma_wait3A_779, %dma_wait3A_780] : memref<16384x56x128xf32, #tpu.memory_space<hbm>> -> memref<1x50x64xf32, #tpu.memory_space<hbm>>
    %dma_wait3A_782 = tpu.memref_squeeze %dma_wait3A_781 : memref<1x50x64xf32, #tpu.memory_space<hbm>> -> memref<50x64xf32, #tpu.memory_space<hbm>>
    %dma_wait3A_783 = arith.constant 50 : i32
    %dma_wait3A_784 = arith.constant 0 : i32
    %dma_wait3A_785 = tpu.memref_slice %arg6[%dma_wait3A_769, %dma_wait3A_783, %dma_wait3A_784] : memref<8x100x64xf32, #tpu.memory_space<vmem>> -> memref<1x50x64xf32, #tpu.memory_space<vmem>>
    %dma_wait3A_786 = tpu.memref_squeeze %dma_wait3A_785 : memref<1x50x64xf32, #tpu.memory_space<vmem>> -> memref<50x64xf32, #tpu.memory_space<vmem>>
    tpu.wait_dma2 semaphore(%arg21 : memref<!tpu.dma_semaphore, #tpu.memory_space<semaphore_mem>>) src(%dma_wait3A_786 : memref<50x64xf32, #tpu.memory_space<vmem>>) dst(%dma_wait3A_782 : memref<50x64xf32, #tpu.memory_space<hbm>>)
    %dma_wait3A_787 = arith.constant 7 : i32
    %dma_wait3A_788 = arith.constant 0 : i32
    %dma_wait3A_789 = arith.constant 0 : i32
    %dma_wait3A_790 = arith.constant 0 : i32
    %dma_wait3A_791 = tpu.memref_slice %arg6[%dma_wait3A_787, %dma_wait3A_789, %dma_wait3A_790] : memref<8x100x64xf32, #tpu.memory_space<vmem>> -> memref<1x50x64xf32, #tpu.memory_space<vmem>>
    %dma_wait3A_792 = tpu.memref_squeeze %dma_wait3A_791 : memref<1x50x64xf32, #tpu.memory_space<vmem>> -> memref<50x64xf32, #tpu.memory_space<vmem>>
    %dma_wait3A_793 = arith.constant 0 : i32
    %dma_wait3A_794 = arith.constant 0 : i32
    %dma_wait3A_795 = tpu.memref_slice %arg4[%dma_wait3A_788, %dma_wait3A_793, %dma_wait3A_794] : memref<16384x56x128xf32, #tpu.memory_space<hbm>> -> memref<1x50x64xf32, #tpu.memory_space<hbm>>
    %dma_wait3A_796 = tpu.memref_squeeze %dma_wait3A_795 : memref<1x50x64xf32, #tpu.memory_space<hbm>> -> memref<50x64xf32, #tpu.memory_space<hbm>>
    %dma_wait3A_797 = arith.constant 0 : i32
    %dma_wait3A_798 = arith.constant 0 : i32
    %dma_wait3A_799 = tpu.memref_slice %arg4[%dma_wait3A_788, %dma_wait3A_797, %dma_wait3A_798] : memref<16384x56x128xf32, #tpu.memory_space<hbm>> -> memref<1x50x64xf32, #tpu.memory_space<hbm>>
    %dma_wait3A_800 = tpu.memref_squeeze %dma_wait3A_799 : memref<1x50x64xf32, #tpu.memory_space<hbm>> -> memref<50x64xf32, #tpu.memory_space<hbm>>
    %dma_wait3A_801 = arith.constant 0 : i32
    %dma_wait3A_802 = arith.constant 0 : i32
    %dma_wait3A_803 = tpu.memref_slice %arg6[%dma_wait3A_787, %dma_wait3A_801, %dma_wait3A_802] : memref<8x100x64xf32, #tpu.memory_space<vmem>> -> memref<1x50x64xf32, #tpu.memory_space<vmem>>
    %dma_wait3A_804 = tpu.memref_squeeze %dma_wait3A_803 : memref<1x50x64xf32, #tpu.memory_space<vmem>> -> memref<50x64xf32, #tpu.memory_space<vmem>>
    tpu.wait_dma2 semaphore(%arg22 : memref<!tpu.dma_semaphore, #tpu.memory_space<semaphore_mem>>) src(%dma_wait3A_804 : memref<50x64xf32, #tpu.memory_space<vmem>>) dst(%dma_wait3A_800 : memref<50x64xf32, #tpu.memory_space<hbm>>)
    %dma_wait3A_805 = arith.constant 7 : i32
    %dma_wait3A_806 = arith.constant 0 : i32
    %dma_wait3A_807 = arith.constant 50 : i32
    %dma_wait3A_808 = arith.constant 0 : i32
    %dma_wait3A_809 = tpu.memref_slice %arg6[%dma_wait3A_805, %dma_wait3A_807, %dma_wait3A_808] : memref<8x100x64xf32, #tpu.memory_space<vmem>> -> memref<1x50x64xf32, #tpu.memory_space<vmem>>
    %dma_wait3A_810 = tpu.memref_squeeze %dma_wait3A_809 : memref<1x50x64xf32, #tpu.memory_space<vmem>> -> memref<50x64xf32, #tpu.memory_space<vmem>>
    %dma_wait3A_811 = arith.constant 0 : i32
    %dma_wait3A_812 = arith.constant 0 : i32
    %dma_wait3A_813 = tpu.memref_slice %arg4[%dma_wait3A_806, %dma_wait3A_811, %dma_wait3A_812] : memref<16384x56x128xf32, #tpu.memory_space<hbm>> -> memref<1x50x64xf32, #tpu.memory_space<hbm>>
    %dma_wait3A_814 = tpu.memref_squeeze %dma_wait3A_813 : memref<1x50x64xf32, #tpu.memory_space<hbm>> -> memref<50x64xf32, #tpu.memory_space<hbm>>
    %dma_wait3A_815 = arith.constant 0 : i32
    %dma_wait3A_816 = arith.constant 0 : i32
    %dma_wait3A_817 = tpu.memref_slice %arg4[%dma_wait3A_806, %dma_wait3A_815, %dma_wait3A_816] : memref<16384x56x128xf32, #tpu.memory_space<hbm>> -> memref<1x50x64xf32, #tpu.memory_space<hbm>>
    %dma_wait3A_818 = tpu.memref_squeeze %dma_wait3A_817 : memref<1x50x64xf32, #tpu.memory_space<hbm>> -> memref<50x64xf32, #tpu.memory_space<hbm>>
    %dma_wait3A_819 = arith.constant 50 : i32
    %dma_wait3A_820 = arith.constant 0 : i32
    %dma_wait3A_821 = tpu.memref_slice %arg6[%dma_wait3A_805, %dma_wait3A_819, %dma_wait3A_820] : memref<8x100x64xf32, #tpu.memory_space<vmem>> -> memref<1x50x64xf32, #tpu.memory_space<vmem>>
    %dma_wait3A_822 = tpu.memref_squeeze %dma_wait3A_821 : memref<1x50x64xf32, #tpu.memory_space<vmem>> -> memref<50x64xf32, #tpu.memory_space<vmem>>
    tpu.wait_dma2 semaphore(%arg22 : memref<!tpu.dma_semaphore, #tpu.memory_space<semaphore_mem>>) src(%dma_wait3A_822 : memref<50x64xf32, #tpu.memory_space<vmem>>) dst(%dma_wait3A_818 : memref<50x64xf32, #tpu.memory_space<hbm>>)
    return
  }
}

</mosaic_0001>

<sc_bundles>
// kernel: kernel.3.cloned.1.call-start
scs
__scs_entry_jumppad:
0x0: {  	(pc) =	sbr.rel $0x88, $3  }
0x1: {  	(tag) =	ssettag $0x0;
	lr =	simm.s32 $0x1  }
0x2: {  	[smem:$0x3F9F] =	sst lr;
	_ =	strace $0xD0000000  }
0x3: {  	_ = 	snop  }
0x4: {  	_ = 	snop  }
0x5: {  	_ = 	snop  }
0x6: {  	_ = 	snop  }
0x7: {  	_ = 	snop  }
__scs_overlays_trampoline_lowered:
0x8: {  	[smem:$0x3FAE] =	sst s0  }
0x9: {  	[smem:$0x3FAF] =	sst s1  }
0xa: {  	[smem:$0x3FB0] =	sst s2  }
0xb: {  	[smem:$0x3FB1] =	sst s3  }
0xc: {  	[smem:$0x3FB2] =	sst s4  }
0xd: {  	[smem:$0x3FB3] =	sst s5  }
0xe: {  	[smem:$0x3FB4] =	sst s6  }
0xf: {  	[smem:$0x3FB5] =	sst s7  }
0x10: {  	[smem:$0x3FB6] =	sst s8  }
0x11: {  	[smem:$0x3FB7] =	sst s9;
	s0 =	simm.s32 @!p0 $0x0  }
0x12: {  	s1 =	sld [smem:$0x3F9D];
	s0 =	simm.s32 @p0 $0x1  }
0x13: {  	[smem:$0x3FB8] =	sst s0;
	s0 =	simm.s32 @!p1 $0x0  }
0x14: {  	s2 =	sld [smem:$0x3F9C];
	s0 =	simm.s32 @p1 $0x1  }
0x15: {  	[smem:$0x3FB9] =	sst s0;
	s0 =	simm.s32 @!p2 $0x0  }
0x16: {  	s3 =	sld [smem:$0x3FDB];
	s0 =	simm.s32 @p2 $0x1  }
0x17: {  	s4 =	simm.s32 $0x1BF5;
	[smem:$0x3FBB] =	sst s0  }
0x18: {  	s0 =	sld [smem:$0x3F9E];
	_ =	swait.ge [sflag:s4], $0x0  }
0x19: {  	s7 =	sld [smem:$0x3F9F]  }
0x1a: {  	s8 =	sadd.s32 $0xFFFFE003, lr  }
0x1b: {  	s9 =	sadd.s32 $0xFFFFFEF7, lr;
	s5 =	simm.s32 $0xFFFFFFFF;
	p2 =	slt.u32 s8, $0xFFFFF086  }
0x1c: {  	p1 =	slt.u32 s9, $0xF7A;
	s5 =	simm.s32 @!p2 $0x0  }
0x1d: {  	s5 =	simm.s32 @p1 $0x1;
	p0 =	seq.s32 s7, s2  }
0x1e: {  	s7 =	smul.u32 @!p0 $0xF7A, s2;
	p2 =	seq.s32 @!p0 s5, $0x0  }
0x1f: {  	s9 =	smul.u32 $0xF7A, s1;
	s8 =	simm.s32 @!p0 $0x1BF5;
	p2 =	por !p2, p0  }
0x20: {  	[sflag:s8] =	ssyncset.s32 @!p0 $0xFFFFF086;
	s6 =	sadd.s32 @!p0 s3, s7;
	s7 =	simm.s32 @!p0 $0x108  }
0x21: {  	s3 =	sadd.s32 s3, s9;
	s6 =	sadd.s32 @!p0 $0x88, s6;
	s7 =	simm.s32 @p2 $0x1082  }
0x22: {  	[simem:s7], [sflag:s8] =	dma.local @!p0 [hbm:s6], $0xF7A  }
0x23: {  	s9 =	sor.u32 $0xD0000000, s2;
	s6 =	simm.s32 $0x108;
	_ =	swait.ge @!p0 [sflag:s8], $0x0  }
0x24: {  	s3 =	sadd.s32 $0x88, s3;
	s6 =	simm.s32 @!p1 $0x1082;
	[sflag:s4] =	ssyncset.s32 $0xFFFFF086  }
0x25: {  	[simem:s6], [sflag:s4] =	dma.local [hbm:s3], $0xF7A  }
0x26: {  	[smem:$0x3F9F] =	sst s1;
	(tag) =	ssettag s2;
	_ =	strace s9  }
0x27: {  	s1 =	sld [smem:$0x3FAF]  }
0x28: {  	s2 =	sld [smem:$0x3FB0]  }
0x29: {  	s4 =	sld [smem:$0x3FB2]  }
0x2a: {  	p0 =	seq.s32 s5, $0x0;
	s5 =	sld [smem:$0x3FB3]  }
0x2b: {  	s6 =	sld [smem:$0x3FB4]  }
0x2c: {  	s7 =	sld [smem:$0x3FB5]  }
0x2d: {  	s3 =	simm.s32 $0x108;
	s8 =	sld [smem:$0x3FB6]  }
0x2e: {  	s3 =	simm.s32 @!p0 $0x1082;
	s9 =	sld [smem:$0x3FB7]  }
0x2f: {  	lr =	sadd.s32 s0, s3;
	s0 =	sld [smem:$0x3FAE]  }
0x30: {  	s3 =	sld [smem:$0x3FB1]  }
0x31: {  	[smem:$0x3FBA] =	sst s10  }
0x32: {  	s10 =	sld [smem:$0x3FB8];
	_ =	sdelay $0x3  }
0x33: {  	p0 =	seq.s32 s10, $0x1;
	s10 =	sld [smem:$0x3FBA];
	_ =	sdelay $0x3  }
0x34: {  	[smem:$0x3FBA] =	sst s10  }
0x35: {  	s10 =	sld [smem:$0x3FB9];
	_ =	sdelay $0x3  }
0x36: {  	p1 =	seq.s32 s10, $0x1;
	s10 =	sld [smem:$0x3FBA];
	_ =	sdelay $0x3  }
0x37: {  	[smem:$0x3FBA] =	sst s10  }
0x38: {  	s10 =	sld [smem:$0x3FBB]  }
0x39: {  	_ = 	snop;
	(pc) =	sbr.ind lr, $3  }
0x3a: {  	_ = 	snop  }
0x3b: {  	_ = 	snop  }
0x3c: {  	p2 =	seq.s32 s10, $0x1;
	s10 =	sld [smem:$0x3FBA]  }
0x3d: {  	_ =	shalt  }
0x3e: {  	_ =	shalt  }
0x3f: {  	_ =	shalt  }
0x40: {  	_ =	shalt  }
0x41: {  	_ =	shalt  }
0x42: {  	_ =	shalt  }
0x43: {  	_ =	shalt  }
0x44: {  	_ =	shalt  }
0x45: {  	_ =	shalt  }
0x46: {  	_ =	shalt  }
0x47: {  	_ =	shalt  }
0x48: {  	_ =	shalt  }
0x49: {  	_ =	shalt  }
0x4a: {  	_ =	shalt  }
0x4b: {  	_ =	shalt  }
0x4c: {  	_ =	shalt  }
0x4d: {  	_ =	shalt  }
0x4e: {  	_ =	shalt  }
0x4f: {  	_ =	shalt  }
0x50: {  	_ =	shalt  }
0x51: {  	_ =	shalt  }
0x52: {  	_ =	shalt  }
0x53: {  	_ =	shalt  }
0x54: {  	_ =	shalt  }
0x55: {  	_ =	shalt  }
0x56: {  	_ =	shalt  }
0x57: {  	_ =	shalt  }
0x58: {  	_ =	shalt  }
0x59: {  	_ =	shalt  }
0x5a: {  	_ =	shalt  }
0x5b: {  	_ =	shalt  }
0x5c: {  	_ =	shalt  }
0x5d: {  	_ =	shalt  }
0x5e: {  	_ =	shalt  }
0x5f: {  	_ =	shalt  }
0x60: {  	_ =	shalt  }
0x61: {  	_ =	shalt  }
0x62: {  	_ =	shalt  }
0x63: {  	_ =	shalt  }
0x64: {  	_ =	shalt  }
0x65: {  	_ =	shalt  }
0x66: {  	_ =	shalt  }
0x67: {  	_ =	shalt  }
0x68: {  	_ =	shalt  }
0x69: {  	_ =	shalt  }
0x6a: {  	_ =	shalt  }
0x6b: {  	_ =	shalt  }
0x6c: {  	_ =	shalt  }
0x6d: {  	_ =	shalt  }
0x6e: {  	_ =	shalt  }
0x6f: {  	_ =	shalt  }
0x70: {  	_ =	shalt  }
0x71: {  	_ =	shalt  }
0x72: {  	_ =	shalt  }
0x73: {  	_ =	shalt  }
0x74: {  	_ =	shalt  }
0x75: {  	_ =	shalt  }
0x76: {  	_ =	shalt  }
0x77: {  	_ =	shalt  }
0x78: {  	_ =	shalt  }
0x79: {  	_ =	shalt  }
0x7a: {  	_ =	shalt  }
0x7b: {  	_ =	shalt  }
0x7c: {  	_ =	shalt  }
0x7d: {  	_ =	shalt  }
0x7e: {  	_ =	shalt  }
0x7f: {  	_ =	shalt  }
0x80: {  	_ =	shalt  }
0x81: {  	_ =	shalt  }
0x82: {  	_ =	shalt  }
0x83: {  	_ =	shalt  }
0x84: {  	_ =	shalt  }
0x85: {  	_ =	shalt  }
0x86: {  	_ =	shalt  }
0x87: {  	_ =	shalt  }
.Lfunc_end0:
.L_simem_size_0:
called_computation.1_lowered:
.L_overlay_start_0:
0x88: {  	s2 =	sld [smem:$0x3FD9]  }
0x89: {  	s3 =	sld [smem:$0x3FFE];
	_ =	sdelay $0x1  }
0x8a: {  	s1 =	srdreg.scid  }
0x8b: {  	s0 =	sand.u32 $0x1, s1  }
0x8c: {  	s17 =	sshll.u32 s0, $0xA;
	s2 =	sadd.s32 s3, s2  }
0x8d: {  	s2 =	sadd.s32 s2, s17  }
0x8e: {  	[smem:$0x3FC6] =	sst s2  }
0x8f: {  	_ = 	snop  }
0x90: {  	s2 =	sld [smem:$0x3FD0];
	(tm) =	ssettm $0x1  }
0x91: {  	s18 =	sld [smem:$0x3FFB];
	_ =	sdelay $0x3  }
0x92: {  	_ =	strace s18  }
0x93: {  	s3 =	sld [smem:$0x3FFC];
	_ =	sdelay $0x3  }
0x94: {  	_ =	strace s3  }
0x95: {  	s3 =	sld [smem:$0x3FFD];
	_ =	sdelay $0x3  }
0x96: {  	_ =	strace s3  }
0x97: {  	_ =	strace $0x8FFFFFFF  }
0x98: {  	s19 =	sld [smem:$0x3FDB];
	_ =	sdelay $0x1  }
0x99: {  	s4 =	simm.s32 $_scs_section_size  }
0x9a: {  	s5 =	simm.s32 $_size__tile_overlayer_lowered;
	s6 =	simm.s32 $_tile_overlayer_lowered  }
0x9b: {  	s22 =	simm.s32 $0x1BFF;
	s21 =	sshll.u32 s6, $0x1;
	s3 =	sadd.s32 s4, s19  }
0x9c: {  	s7 =	simm.s32 $0x0;
	s20 =	sshll.u32 s5, $0x1;
	s5 =	sadd.s32 s21, s3  }
0x9d: {  	[timem:s7], [sflag:s22] =	dma.local [hbm:s5], s20  }
0x9e: {  	_ =	swait.ge [sflag:s22], s20  }
0x9f: {  	s4 =	ssub.s32 $0x0, s20;
	[sflag:s22] =	ssyncset.done $0x0  }
0xa0: {  	[sflag:s22] =	ssyncadd.s32 s4;
	_ =	sdelay $0x1  }
0xa1: {  	s23 =	simm.s32 $0x1B8B  }
0xa2: {  	_ =	swait.ge [sflag:s23], $0x1  }
0xa3: {  	[sflag:s23] =	ssyncset.done $0x0  }
0xa4: {  	s25 =	simm.s32 $0x1B8E;
	s24 =	sld [smem:$0x3FFE];
	[sflag:s23] =	ssyncadd.s32 $0xFFFFFFFF  }
0xa5: {  	s26 =	simm.s32 $execute0_lowered;
	[smem:$0x3FD2] =	sst s25  }
0xa6: {  	s5 =	sshll.u32 s26, $0x1;
	_ =	strace $0x80000046;
	[dreg:$0x1] =	wrdreg $0xFFFFFFFF  }
0xa7: {  	s28 =	simm.s32 $_size_execute0_lowered;
	s3 =	sadd.s32 s3, s5;
	[dreg:$0x0] =	wrdreg $0x0  }
0xa8: {  	s5 =	sshll.u32 s28, $0x1;
	[dreg:$0x2] =	wrdreg s3  }
0xa9: {  	[dreg:$0x3] =	wrdreg s5  }
0xaa: {  	[dreg:$0x4] =	wrdreg $0xC0  }
0xab: {  	_ =	task [dreg:s7], $0x5FFFF  }
0xac: {  	[dreg:$0x1] =	wrdreg $0xFFFFFFFF  }
0xad: {  	[dreg:$0x0] =	wrdreg $0x60  }
0xae: {  	[dreg:$0x2] =	wrdreg s24  }
0xaf: {  	[dreg:$0x3] =	wrdreg s2  }
0xb0: {  	[dreg:$0x4] =	wrdreg $0x9  }
0xb1: {  	_ =	task.clear_ibuf [dreg:s7], $0x5FFFF;
	_ =	strace $0x90000046  }
0xb2: {  	s29 =	simm.s32 $0x9;
	_ =	strace $0x80000048  }
0xb3: {  	_ =	swait.ge [sflag:s29], $0x1  }
0xb4: {  	[sflag:s29] =	ssyncadd.s32 $0xFFFFFFFF  }
0xb5: {  	_ =	strace $0x90000048  }
0xb6: {  	_ =	sfence  }
0xb7: {  	s30 =	sld [smem:$0x0];
	_ =	sdelay $0x2  }
0xb8: {  	s31 =	sshll.u32 s1, $0xD;
	s1 =	sshrl.u32 s1, $0x2  }
0xb9: {  	s3 =	sand.u32 $0x4000, s31;
	s1 =	sadd.s32 s1, s30  }
0xba: {  	s0 =	sor.u32 s3, s0;
	s1 =	sshll.u32 s1, $0x11  }
0xbb: {  	s0 =	sor.u32 s1, s0  }
0xbc: {  	s0 =	sadd.s32 $0x8F2B, s0  }
0xbd: {  	[sflag:s0] =	ssyncadd.remote.s32 $0x1  }
0xbe: {  	_ =	sfence.sel $0xFFFF  }
0xbf: {  	[dreg:$0x0] =	wrdreg $0xFFFFFFFF;
	(pc) =	sbr.abs _section_cstart, $3  }
0xc0: {  	[dreg:$0x1] =	wrdreg $0xFFFFFFFF  }
0xc1: {  	_ =	task.clear_ibuf [dreg:s7], $0x2FFFF;
	_ =	strace $0x9FFFFFFF  }
0xc2: {  	(tm) =	ssettm $0x7FFFFFFF  }
0xc3: {  	_ =	shalt  }
tec
execute0_lowered:
.L_overlay_start_1:
0x0: {  	(tag) =	ssettag $0x1  }
0x1: {  	s0 =	rddreg [dreg:$0x0]  }
0x2: {  	s1 =	rddreg [dreg:$0x1]  }
0x3: {  	s3 =	simm.s32 $0x0;
	s2 =	srdreg.scid;
	s9 =	stileid.u32  }
0x4: {  	[smem:$0x7FF] =	sst s3;
	s21 =	smul.u32 $0x700000, s9  }
0x5: {  	s2 =	sand.u32 $0x1, s2;
	s17 =	sshll.u32 s9, $0x1;
	s12 =	smul.u32 $0xE0000, s9  }
0x6: {  	s3 =	sadd.s32 $0xF42E00, s0;
	s0 =	sadd.s32 $0xA00, s0;
	s23 =	smul.u32 $0x380000, s2  }
0x7: {  	s4 =	sor.u32 s2, s17;
	s6 =	ssub.s32 $0x2, s2;
	s2 =	smul.u32 $0x70000, s2  }
0x8: {  	s31 =	simm.s32 $0x7480;
	s7 =	smul.u32 $0xD00, s4;
	s15 =	sadd.s32 s12, s0  }
0x9: {  	s29 =	simm.s32 $0x8D80;
	s5 =	smul.u32 $0x70000, s4;
	s2 =	sadd.s32 s2, s15  }
0xa: {  	_ =	strace $0x80000047;
	s1 =	sadd.s32 s1, s7;
	[dreg:$0x4] =	wrdreg s2  }
0xb: {  	s4 =	smul.u32 $0x380000, s4;
	s10 =	sadd.s32 s0, s5;
	[dreg:$0xb] =	wrdreg s1  }
0xc: {  	s9 =	simm.s32 $0x1;
	s18 =	sadd.s32 $0x380, s10;
	[dreg:$0xa] =	wrdreg s10  }
0xd: {  	s20 =	sshrl.u32 s4, $0x3;
	s19 =	sadd.s32 $0x700, s10;
	[dreg:$0xc] =	wrdreg s18  }
0xe: {  	s22 =	sadd.s32 $0xA80, s10;
	s1 =	sadd.s32 s0, s20;
	[dreg:$0xd] =	wrdreg s19  }
0xf: {  	s8 =	sshrl.u32 s6, $0x1;
	[dreg:$0xe] =	wrdreg s22;
	s24 =	sadd.s32 $0x6D600, s1  }
0x10: {  	s12 =	simm.s32 $0x2;
	s25 =	sadd.s32 $0x6D980, s1;
	[dreg:$0xf] =	wrdreg s24  }
0x11: {  	s5 =	ssub.s32 s6, s8;
	s26 =	sadd.s32 $0x6DD00, s1;
	[dreg:$0x10] =	wrdreg s25  }
0x12: {  	s4 =	sadd.s32 s23, s21;
	s28 =	sadd.s32 $0x6E080, s1;
	[dreg:$0x11] =	wrdreg s26  }
0x13: {  	s10 =	sor.u32 $0x1A400, s4;
	s30 =	sadd.s32 $0x6E400, s1;
	[dreg:$0x12] =	wrdreg s28  }
0x14: {  	s17 =	sor.u32 $0x16C00, s4;
	s7 =	sadd.s32 $0x6E780, s1;
	[dreg:$0x13] =	wrdreg s30  }
0x15: {  	s23 =	sor.u32 $0xC400, s4;
	s8 =	sadd.s32 $0x6EB00, s1;
	[dreg:$0x14] =	wrdreg s7  }
0x16: {  	s11 =	sadd.s32 $0x6EE80, s1;
	s6 =	sshrl.u32 s10, $0x3;
	[dreg:$0x15] =	wrdreg s8  }
0x17: {  	s13 =	sadd.s32 $0x6F200, s1;
	s14 =	sadd.s32 $0x6F580, s1;
	[dreg:$0x16] =	wrdreg s11  }
0x18: {  	s16 =	sadd.s32 $0x6F900, s1;
	s18 =	sshrl.u32 s17, $0x3;
	[dreg:$0x17] =	wrdreg s13  }
0x19: {  	s19 =	sor.u32 $0x13400, s4;
	s1 =	sadd.s32 $0x6FC80, s1;
	[dreg:$0x18] =	wrdreg s14  }
0x1a: {  	s17 =	simm.s32 $0xB;
	s10 =	simm.s32 $0xE;
	[dreg:$0x19] =	wrdreg s16  }
0x1b: {  	s6 =	sadd.s32 s6, s0;
	[dreg:$0x1a] =	wrdreg s1;
	s20 =	sadd.s32 s18, s0  }
0x1c: {  	s21 =	sshrl.u32 s19, $0x3;
	s24 =	sshrl.u32 s23, $0x3;
	s25 =	sor.u32 $0x8C00, s4  }
0x1d: {  	s4 =	sor.u32 $0x21400, s4;
	s30 =	smax.u32 s5, $0x1;
	s23 =	simm.s32 $0x64  }
0x1e: {  	s11 =	simm.s32 $0x9;
	s14 =	simm.s32 $0xA;
	s18 =	simm.s32 $0x6  }
0x1f: {  	s13 =	simm.s32 $0xF;
	s16 =	simm.s32 $0x10;
	[dreg:$0x3] =	wrdreg s6  }
0x20: {  	s5 =	simm.s32 $0x0;
	[dreg:$0x5] =	wrdreg s20;
	s22 =	sadd.s32 s21, s0  }
0x21: {  	s1 =	sadd.s32 s24, s0;
	s2 =	sshrl.u32 s25, $0x3;
	s28 =	sshrl.u32 s4, $0x3  }
0x22: {  	[dreg:$0x1b] =	wrdreg s30;
	s24 =	simm.s32 $0x8100;
	s25 =	simm.s32 $0x80  }
0x23: {  	s20 =	simm.s32 $0xC;
	s21 =	simm.s32 $0x7;
	[dreg:$0x6] =	wrdreg s22  }
0x24: {  	[dreg:$0x7] =	wrdreg s1;
	s26 =	sadd.s32 s2, s0;
	s0 =	sadd.s32 s28, s0  }
0x25: {  	s1 =	simm.s32 $0x6800;
	s22 =	simm.s32 $0xD;
	[dreg:$0x8] =	wrdreg s26  }
0x26: {  	s2 =	simm.s32 $0x8;
	[dreg:$0x9] =	wrdreg s0;
	s0 =	simm.s32 $0x40  }
.LBB2_1:
0x27: {  	[dreg:$0x1c] =	wrdreg s5  }
0x28: {  	s4 =	simm.s32 $0x0;
	s7 =	rddreg [dreg:$0xb];
	s19 =	simm.s32 $0x11  }
0x29: {  	[tilespmem:s4], [sflag:$0x11] =	stream.linear.gather [hbm4b:s7+s4], $0x6800, $0x38;
	[tilespmem:$0x13000] =	vst v63  }
0x2a: {  	_ =	swait.ge [sflag:s19], $0x6800  }
0x2b: {  	[sflag:s19] =	ssyncset.done $0x0  }
0x2c: {  	[sflag:s19] =	ssyncadd.s32 $0xFFFF9800  }
0x2d: {  	[tilespmem:s1], [sflag:$0x1] =	stream.indirect.gather [hbm4b:s3+s23], $0x40, s4, s23, $0xb8;
	[tilespmem:$0x13000] =	vst v63  }
0x2e: {  	s26 =	simm.s32 $0x68  }
0x2f: {  	[tilespmem:s24], [sflag:$0x2] =	stream.indirect.gather [hbm4b:s3+s23], $0x40, s26, s23, $0xb8;
	[tilespmem:$0x13000] =	vst v63  }
0x30: {  	s30 =	simm.s32 $0xD0;
	s5 =	simm.s32 $0x9A00  }
0x31: {  	[tilespmem:s5], [sflag:$0x3] =	stream.indirect.gather [hbm4b:s3+s23], $0x40, s30, s23, $0xb8;
	[tilespmem:$0x13000] =	vst v63  }
0x32: {  	s6 =	simm.s32 $0x138;
	s8 =	simm.s32 $0xB300  }
0x33: {  	[tilespmem:s8], [sflag:$0x4] =	stream.indirect.gather [hbm4b:s3+s23], $0x40, s6, s23, $0xb8;
	[tilespmem:$0x13000] =	vst v63  }
0x34: {  	s7 =	simm.s32 $0x1A0;
	s26 =	simm.s32 $0xCC00  }
0x35: {  	[tilespmem:s26], [sflag:$0x5] =	stream.indirect.gather [hbm4b:s3+s23], $0x40, s7, s23, $0xb8;
	[tilespmem:$0x13000] =	vst v63  }
0x36: {  	s15 =	simm.s32 $0x208;
	s6 =	simm.s32 $0xE500  }
0x37: {  	[tilespmem:s6], [sflag:$0x6] =	stream.indirect.gather [hbm4b:s3+s23], $0x40, s15, s23, $0xb8;
	[tilespmem:$0x13000] =	vst v63  }
0x38: {  	_ =	swait.ge [sflag:s9], $0x1900  }
0x39: {  	[sflag:s9] =	ssyncset.done $0x0  }
0x3a: {  	s19 =	rddreg [dreg:$0xa];
	[sflag:s9] =	ssyncadd.s32 $0xFFFFE700  }
0x3b: {  	[hbm4b:s19+s0] =	stream.strided.scatter [tilespmem:s1], [sflag:$0x9], $0xC80, s25, s0, $0x38;
	[tilespmem:$0x13000] =	vst v63  }
0x3c: {  	s30 =	rddreg [dreg:$0xc]  }
0x3d: {  	[hbm4b:s30+s0] =	stream.strided.scatter [tilespmem:s31], [sflag:$0x9], $0xC80, s25, s0, $0x38;
	[tilespmem:$0x13000] =	vst v63  }
0x3e: {  	s28 =	simm.s32 $0xFE00;
	s7 =	simm.s32 $0x270  }
0x3f: {  	[tilespmem:s28], [sflag:$0x7] =	stream.indirect.gather [hbm4b:s3+s23], $0x40, s7, s23, $0xb8;
	[tilespmem:$0x13000] =	vst v63  }
0x40: {  	_ =	swait.ge [sflag:s12], $0x1900  }
0x41: {  	[sflag:s12] =	ssyncset.done $0x0  }
0x42: {  	s15 =	rddreg [dreg:$0xd];
	[sflag:s12] =	ssyncadd.s32 $0xFFFFE700  }
0x43: {  	[hbm4b:s15+s0] =	stream.strided.scatter [tilespmem:s24], [sflag:$0xA], $0xC80, s25, s0, $0x38;
	[tilespmem:$0x13000] =	vst v63  }
0x44: {  	s19 =	rddreg [dreg:$0xe]  }
0x45: {  	[hbm4b:s19+s0] =	stream.strided.scatter [tilespmem:s29], [sflag:$0xA], $0xC80, s25, s0, $0x38;
	[tilespmem:$0x13000] =	vst v63  }
0x46: {  	s30 =	simm.s32 $0x2D8;
	s15 =	simm.s32 $0x11700;
	s19 =	simm.s32 $0x3  }
0x47: {  	[tilespmem:s15], [sflag:$0x8] =	stream.indirect.gather [hbm4b:s3+s23], $0x40, s30, s23, $0xb8;
	[tilespmem:$0x13000] =	vst v63  }
0x48: {  	_ =	swait.ge [sflag:s19], $0x1900  }
0x49: {  	s7 =	rddreg [dreg:$0x4]  }
0x4a: {  	[sflag:s19] =	ssyncset.done $0x0;
	s4 =	sadd.s32 $0x0, s7  }
0x4b: {  	s7 =	rddreg [dreg:$0x8];
	[sflag:s19] =	ssyncadd.s32 $0xFFFFE700;
	s30 =	sadd.s32 $0xE00, s4  }
0x4c: {  	[hbm4b:s30+s0] =	stream.strided.scatter [tilespmem:s5], [sflag:$0xB], $0xC80, s25, s0, $0x38;
	[tilespmem:$0x13000] =	vst v63  }
0x4d: {  	s7 =	sadd.s32 $0x0, s7;
	s30 =	simm.s32 $0xA680  }
0x4e: {  	[hbm4b:s7+s0] =	stream.strided.scatter [tilespmem:s30], [sflag:$0xB], $0xC80, s25, s0, $0x38;
	[tilespmem:$0x13000] =	vst v63  }
0x4f: {  	_ =	swait.ge [sflag:s11], $0xC80  }
0x50: {  	[sflag:s11] =	ssyncset.done $0x0  }
0x51: {  	[sflag:s11] =	ssyncadd.s32 $0xFFFFF380  }
0x52: {  	_ =	swait.ge [sflag:s11], $0xC80  }
0x53: {  	[sflag:s11] =	ssyncset.done $0x0  }
0x54: {  	s19 =	simm.s32 $0x340;
	s30 =	simm.s32 $0x4;
	[sflag:s11] =	ssyncadd.s32 $0xFFFFF380  }
0x55: {  	[tilespmem:s1], [sflag:$0x1] =	stream.indirect.gather [hbm4b:s3+s23], $0x40, s19, s23, $0xb8;
	[tilespmem:$0x13000] =	vst v63  }
0x56: {  	_ =	swait.ge [sflag:s30], $0x1900  }
0x57: {  	[sflag:s30] =	ssyncset.done $0x0  }
0x58: {  	s7 =	rddreg [dreg:$0x7];
	[sflag:s30] =	ssyncadd.s32 $0xFFFFE700;
	s30 =	sadd.s32 $0x1500, s4  }
0x59: {  	[hbm4b:s30+s0] =	stream.strided.scatter [tilespmem:s8], [sflag:$0xC], $0xC80, s25, s0, $0x38;
	[tilespmem:$0x13000] =	vst v63  }
0x5a: {  	s7 =	sadd.s32 $0x0, s7;
	s30 =	simm.s32 $0xBF80  }
0x5b: {  	[hbm4b:s7+s0] =	stream.strided.scatter [tilespmem:s30], [sflag:$0xC], $0xC80, s25, s0, $0x38;
	[tilespmem:$0x13000] =	vst v63  }
0x5c: {  	_ =	swait.ge [sflag:s14], $0xC80  }
0x5d: {  	[sflag:s14] =	ssyncset.done $0x0  }
0x5e: {  	[sflag:s14] =	ssyncadd.s32 $0xFFFFF380  }
0x5f: {  	_ =	swait.ge [sflag:s14], $0xC80  }
0x60: {  	[sflag:s14] =	ssyncset.done $0x0  }
0x61: {  	s19 =	simm.s32 $0x5;
	s30 =	simm.s32 $0x3A8;
	[sflag:s14] =	ssyncadd.s32 $0xFFFFF380  }
0x62: {  	[tilespmem:s24], [sflag:$0x2] =	stream.indirect.gather [hbm4b:s3+s23], $0x40, s30, s23, $0xb8;
	[tilespmem:$0x13000] =	vst v63  }
0x63: {  	_ =	swait.ge [sflag:s19], $0x1900  }
0x64: {  	[sflag:s19] =	ssyncset.done $0x0  }
0x65: {  	s30 =	sadd.s32 $0x1C00, s4;
	[sflag:s19] =	ssyncadd.s32 $0xFFFFE700  }
0x66: {  	[hbm4b:s30+s0] =	stream.strided.scatter [tilespmem:s26], [sflag:$0xD], $0xC80, s25, s0, $0x38;
	[tilespmem:$0x13000] =	vst v63  }
0x67: {  	s19 =	sadd.s32 $0x1F80, s4;
	s30 =	simm.s32 $0xD880  }
0x68: {  	[hbm4b:s19+s0] =	stream.strided.scatter [tilespmem:s30], [sflag:$0xD], $0xC80, s25, s0, $0x38;
	[tilespmem:$0x13000] =	vst v63  }
0x69: {  	_ =	swait.ge [sflag:s17], $0xC80  }
0x6a: {  	[sflag:s17] =	ssyncset.done $0x0  }
0x6b: {  	[sflag:s17] =	ssyncadd.s32 $0xFFFFF380  }
0x6c: {  	_ =	swait.ge [sflag:s17], $0xC80  }
0x6d: {  	[sflag:s17] =	ssyncset.done $0x0  }
0x6e: {  	s19 =	simm.s32 $0x410;
	[sflag:s17] =	ssyncadd.s32 $0xFFFFF380  }
0x6f: {  	[tilespmem:s5], [sflag:$0x3] =	stream.indirect.gather [hbm4b:s3+s23], $0x40, s19, s23, $0xb8;
	[tilespmem:$0x13000] =	vst v63  }
0x70: {  	_ =	swait.ge [sflag:s18], $0x1900  }
0x71: {  	[sflag:s18] =	ssyncset.done $0x0  }
0x72: {  	s5 =	sadd.s32 $0x2300, s4;
	s30 =	rddreg [dreg:$0x6];
	[sflag:s18] =	ssyncadd.s32 $0xFFFFE700  }
0x73: {  	[hbm4b:s5+s0] =	stream.strided.scatter [tilespmem:s6], [sflag:$0xE], $0xC80, s25, s0, $0x38;
	[tilespmem:$0x13000] =	vst v63  }
0x74: {  	s19 =	simm.s32 $0xF180;
	s7 =	sadd.s32 $0x0, s30  }
0x75: {  	[hbm4b:s7+s0] =	stream.strided.scatter [tilespmem:s19], [sflag:$0xE], $0xC80, s25, s0, $0x38;
	[tilespmem:$0x13000] =	vst v63  }
0x76: {  	_ =	swait.ge [sflag:s20], $0xC80  }
0x77: {  	[sflag:s20] =	ssyncset.done $0x0  }
0x78: {  	[sflag:s20] =	ssyncadd.s32 $0xFFFFF380  }
0x79: {  	_ =	swait.ge [sflag:s20], $0xC80  }
0x7a: {  	[sflag:s20] =	ssyncset.done $0x0  }
0x7b: {  	s30 =	simm.s32 $0x478;
	[sflag:s20] =	ssyncadd.s32 $0xFFFFF380  }
0x7c: {  	[tilespmem:s8], [sflag:$0x4] =	stream.indirect.gather [hbm4b:s3+s23], $0x40, s30, s23, $0xb8;
	[tilespmem:$0x13000] =	vst v63  }
0x7d: {  	_ =	swait.ge [sflag:s21], $0x1900  }
0x7e: {  	[sflag:s21] =	ssyncset.done $0x0  }
0x7f: {  	s8 =	sadd.s32 $0x2A00, s4;
	s5 =	rddreg [dreg:$0x5];
	[sflag:s21] =	ssyncadd.s32 $0xFFFFE700  }
0x80: {  	[hbm4b:s8+s0] =	stream.strided.scatter [tilespmem:s28], [sflag:$0xF], $0xC80, s25, s0, $0x38;
	[tilespmem:$0x13000] =	vst v63  }
0x81: {  	s30 =	simm.s32 $0x10A80;
	s7 =	sadd.s32 $0x0, s5  }
0x82: {  	[hbm4b:s7+s0] =	stream.strided.scatter [tilespmem:s30], [sflag:$0xF], $0xC80, s25, s0, $0x38;
	[tilespmem:$0x13000] =	vst v63  }
0x83: {  	_ =	swait.ge [sflag:s22], $0xC80  }
0x84: {  	[sflag:s22] =	ssyncset.done $0x0  }
0x85: {  	[sflag:s22] =	ssyncadd.s32 $0xFFFFF380  }
0x86: {  	_ =	swait.ge [sflag:s22], $0xC80  }
0x87: {  	[sflag:s22] =	ssyncset.done $0x0  }
0x88: {  	s5 =	simm.s32 $0x4E0;
	[sflag:s22] =	ssyncadd.s32 $0xFFFFF380  }
0x89: {  	[tilespmem:s26], [sflag:$0x5] =	stream.indirect.gather [hbm4b:s3+s23], $0x40, s5, s23, $0xb8;
	[tilespmem:$0x13000] =	vst v63  }
0x8a: {  	_ =	swait.ge [sflag:s2], $0x1900  }
0x8b: {  	[sflag:s2] =	ssyncset.done $0x0  }
0x8c: {  	s26 =	sadd.s32 $0x3100, s4;
	s8 =	rddreg [dreg:$0x3];
	[sflag:s2] =	ssyncadd.s32 $0xFFFFE700  }
0x8d: {  	[hbm4b:s26+s0] =	stream.strided.scatter [tilespmem:s15], [sflag:$0x10], $0xC80, s25, s0, $0x38;
	[tilespmem:$0x13000] =	vst v63  }
0x8e: {  	s30 =	simm.s32 $0x12380;
	s7 =	sadd.s32 $0x0, s8  }
0x8f: {  	[hbm4b:s7+s0] =	stream.strided.scatter [tilespmem:s30], [sflag:$0x10], $0xC80, s25, s0, $0x38;
	[tilespmem:$0x13000] =	vst v63  }
0x90: {  	_ =	swait.ge [sflag:s10], $0xC80  }
0x91: {  	[sflag:s10] =	ssyncset.done $0x0  }
0x92: {  	[sflag:s10] =	ssyncadd.s32 $0xFFFFF380  }
0x93: {  	_ =	swait.ge [sflag:s10], $0xC80  }
0x94: {  	[sflag:s10] =	ssyncset.done $0x0  }
0x95: {  	s8 =	simm.s32 $0x548;
	[sflag:s10] =	ssyncadd.s32 $0xFFFFF380  }
0x96: {  	[tilespmem:s6], [sflag:$0x6] =	stream.indirect.gather [hbm4b:s3+s23], $0x40, s8, s23, $0xb8;
	[tilespmem:$0x13000] =	vst v63  }
0x97: {  	_ =	swait.ge [sflag:s9], $0x1900  }
0x98: {  	[sflag:s9] =	ssyncset.done $0x0  }
0x99: {  	s15 =	sadd.s32 $0x3800, s4;
	[sflag:s9] =	ssyncadd.s32 $0xFFFFE700  }
0x9a: {  	[hbm4b:s15+s0] =	stream.strided.scatter [tilespmem:s1], [sflag:$0x9], $0xC80, s25, s0, $0x38;
	[tilespmem:$0x13000] =	vst v63  }
0x9b: {  	s19 =	sadd.s32 $0x3B80, s4  }
0x9c: {  	[hbm4b:s19+s0] =	stream.strided.scatter [tilespmem:s31], [sflag:$0x9], $0xC80, s25, s0, $0x38;
	[tilespmem:$0x13000] =	vst v63  }
0x9d: {  	_ =	swait.ge [sflag:s13], $0xC80  }
0x9e: {  	[sflag:s13] =	ssyncset.done $0x0  }
0x9f: {  	[sflag:s13] =	ssyncadd.s32 $0xFFFFF380  }
0xa0: {  	_ =	swait.ge [sflag:s13], $0xC80  }
0xa1: {  	[sflag:s13] =	ssyncset.done $0x0  }
0xa2: {  	s26 =	simm.s32 $0x5B0;
	[sflag:s13] =	ssyncadd.s32 $0xFFFFF380  }
0xa3: {  	[tilespmem:s28], [sflag:$0x7] =	stream.indirect.gather [hbm4b:s3+s23], $0x40, s26, s23, $0xb8;
	[tilespmem:$0x13000] =	vst v63  }
0xa4: {  	_ =	swait.ge [sflag:s12], $0x1900  }
0xa5: {  	[sflag:s12] =	ssyncset.done $0x0  }
0xa6: {  	s4 =	sadd.s32 $0x3F00, s4;
	s30 =	rddreg [dreg:$0x9];
	[sflag:s12] =	ssyncadd.s32 $0xFFFFE700  }
0xa7: {  	[hbm4b:s4+s0] =	stream.strided.scatter [tilespmem:s24], [sflag:$0xA], $0xC80, s25, s0, $0x38;
	[tilespmem:$0x13000] =	vst v63  }
0xa8: {  	s31 =	sadd.s32 $0x0, s30  }
0xa9: {  	[hbm4b:s31+s0] =	stream.strided.scatter [tilespmem:s29], [sflag:$0xA], $0xC80, s25, s0, $0x38;
	[tilespmem:$0x13000] =	vst v63  }
0xaa: {  	_ =	swait.ge [sflag:s16], $0xC80  }
0xab: {  	[sflag:s16] =	ssyncset.done $0x0  }
0xac: {  	[sflag:s16] =	ssyncadd.s32 $0xFFFFF380  }
0xad: {  	s7 =	simm.s32 $0x958;
	_ =	swait.ge [sflag:s16], $0xC80  }
0xae: {  	s1 =	simm.s32 $0x6800;
	s19 =	simm.s32 $0x618;
	[sflag:s16] =	ssyncset.done $0x0  }
0xaf: {  	s28 =	simm.s32 $0x8100;
	s4 =	simm.s32 $0x3800;
	[sflag:s16] =	ssyncadd.s32 $0xFFFFF380  }
.LBB2_2:
0xb0: {  	s15 =	simm.s32 $0x11700;
	s5 =	simm.s32 $0x3  }
0xb1: {  	[tilespmem:s15], [sflag:$0x8] =	stream.indirect.gather [hbm4b:s3+s23], $0x40, s19, s23, $0xb8;
	[tilespmem:$0x13000] =	vst v63  }
0xb2: {  	_ =	swait.ge [sflag:s5], $0x1900  }
0xb3: {  	s24 =	smov.u32 s4;
	s26 =	rddreg [dreg:$0x4]  }
0xb4: {  	s8 =	simm.s32 $0x9A00;
	[sflag:s5] =	ssyncset.done $0x0;
	s26 =	sadd.s32 s24, s26  }
0xb5: {  	s29 =	rddreg [dreg:$0x8];
	[sflag:s5] =	ssyncadd.s32 $0xFFFFE700;
	s31 =	sadd.s32 $0xE00, s26  }
0xb6: {  	[hbm4b:s31+s0] =	stream.strided.scatter [tilespmem:s8], [sflag:$0xB], $0xC80, s25, s0, $0x38;
	[tilespmem:$0x13000] =	vst v63  }
0xb7: {  	s6 =	simm.s32 $0xA680;
	s29 =	sadd.s32 s24, s29  }
0xb8: {  	[hbm4b:s29+s0] =	stream.strided.scatter [tilespmem:s6], [sflag:$0xB], $0xC80, s25, s0, $0x38;
	[tilespmem:$0x13000] =	vst v63  }
0xb9: {  	_ =	swait.ge [sflag:s11], $0xC80  }
0xba: {  	[sflag:s11] =	ssyncset.done $0x0  }
0xbb: {  	[sflag:s11] =	ssyncadd.s32 $0xFFFFF380  }
0xbc: {  	_ =	swait.ge [sflag:s11], $0xC80  }
0xbd: {  	[sflag:s11] =	ssyncset.done $0x0  }
0xbe: {  	s9 =	simm.s32 $0x4;
	s29 =	sadd.s32 $0xFFFFFD28, s7;
	[sflag:s11] =	ssyncadd.s32 $0xFFFFF380  }
0xbf: {  	[tilespmem:s1], [sflag:$0x1] =	stream.indirect.gather [hbm4b:s3+s23], $0x40, s29, s23, $0xb8;
	[tilespmem:$0x13000] =	vst v63  }
0xc0: {  	_ =	swait.ge [sflag:s9], $0x1900  }
0xc1: {  	s30 =	simm.s32 $0xB300;
	[sflag:s9] =	ssyncset.done $0x0  }
0xc2: {  	s31 =	sadd.s32 $0x1500, s26;
	s29 =	rddreg [dreg:$0x7];
	[sflag:s9] =	ssyncadd.s32 $0xFFFFE700  }
0xc3: {  	[hbm4b:s31+s0] =	stream.strided.scatter [tilespmem:s30], [sflag:$0xC], $0xC80, s25, s0, $0x38;
	[tilespmem:$0x13000] =	vst v63  }
0xc4: {  	s12 =	simm.s32 $0xBF80;
	s29 =	sadd.s32 s24, s29  }
0xc5: {  	[hbm4b:s29+s0] =	stream.strided.scatter [tilespmem:s12], [sflag:$0xC], $0xC80, s25, s0, $0x38;
	[tilespmem:$0x13000] =	vst v63  }
0xc6: {  	_ =	swait.ge [sflag:s14], $0xC80  }
0xc7: {  	[sflag:s14] =	ssyncset.done $0x0  }
0xc8: {  	[sflag:s14] =	ssyncadd.s32 $0xFFFFF380  }
0xc9: {  	_ =	swait.ge [sflag:s14], $0xC80  }
0xca: {  	[sflag:s14] =	ssyncset.done $0x0  }
0xcb: {  	s6 =	simm.s32 $0x5;
	s29 =	sadd.s32 $0xFFFFFD90, s7;
	[sflag:s14] =	ssyncadd.s32 $0xFFFFF380  }
0xcc: {  	[tilespmem:s28], [sflag:$0x2] =	stream.indirect.gather [hbm4b:s3+s23], $0x40, s29, s23, $0xb8;
	[tilespmem:$0x13000] =	vst v63  }
0xcd: {  	_ =	swait.ge [sflag:s6], $0x1900  }
0xce: {  	[sflag:s6] =	ssyncset.done $0x0  }
0xcf: {  	s29 =	sadd.s32 $0x1C00, s26;
	[sflag:s6] =	ssyncadd.s32 $0xFFFFE700;
	s6 =	simm.s32 $0xCC00  }
0xd0: {  	[hbm4b:s29+s0] =	stream.strided.scatter [tilespmem:s6], [sflag:$0xD], $0xC80, s25, s0, $0x38;
	[tilespmem:$0x13000] =	vst v63  }
0xd1: {  	s9 =	simm.s32 $0xD880;
	s29 =	sadd.s32 $0x1F80, s26  }
0xd2: {  	[hbm4b:s29+s0] =	stream.strided.scatter [tilespmem:s9], [sflag:$0xD], $0xC80, s25, s0, $0x38;
	[tilespmem:$0x13000] =	vst v63  }
0xd3: {  	_ =	swait.ge [sflag:s17], $0xC80  }
0xd4: {  	[sflag:s17] =	ssyncset.done $0x0  }
0xd5: {  	[sflag:s17] =	ssyncadd.s32 $0xFFFFF380  }
0xd6: {  	_ =	swait.ge [sflag:s17], $0xC80  }
0xd7: {  	[sflag:s17] =	ssyncset.done $0x0  }
0xd8: {  	s29 =	sadd.s32 $0xFFFFFDF8, s7;
	[sflag:s17] =	ssyncadd.s32 $0xFFFFF380  }
0xd9: {  	[tilespmem:s8], [sflag:$0x3] =	stream.indirect.gather [hbm4b:s3+s23], $0x40, s29, s23, $0xb8;
	[tilespmem:$0x13000] =	vst v63  }
0xda: {  	_ =	swait.ge [sflag:s18], $0x1900  }
0xdb: {  	s31 =	sadd.s32 $0x2300, s26;
	[sflag:s18] =	ssyncset.done $0x0  }
0xdc: {  	s9 =	simm.s32 $0xE500;
	s29 =	rddreg [dreg:$0x6];
	[sflag:s18] =	ssyncadd.s32 $0xFFFFE700  }
0xdd: {  	[hbm4b:s31+s0] =	stream.strided.scatter [tilespmem:s9], [sflag:$0xE], $0xC80, s25, s0, $0x38;
	[tilespmem:$0x13000] =	vst v63  }
0xde: {  	s12 =	simm.s32 $0xF180;
	s29 =	sadd.s32 s24, s29  }
0xdf: {  	[hbm4b:s29+s0] =	stream.strided.scatter [tilespmem:s12], [sflag:$0xE], $0xC80, s25, s0, $0x38;
	[tilespmem:$0x13000] =	vst v63  }
0xe0: {  	_ =	swait.ge [sflag:s20], $0xC80  }
0xe1: {  	[sflag:s20] =	ssyncset.done $0x0  }
0xe2: {  	[sflag:s20] =	ssyncadd.s32 $0xFFFFF380  }
0xe3: {  	_ =	swait.ge [sflag:s20], $0xC80  }
0xe4: {  	[sflag:s20] =	ssyncset.done $0x0  }
0xe5: {  	s29 =	sadd.s32 $0xFFFFFE60, s7;
	[sflag:s20] =	ssyncadd.s32 $0xFFFFF380  }
0xe6: {  	[tilespmem:s30], [sflag:$0x4] =	stream.indirect.gather [hbm4b:s3+s23], $0x40, s29, s23, $0xb8;
	[tilespmem:$0x13000] =	vst v63  }
0xe7: {  	_ =	swait.ge [sflag:s21], $0x1900  }
0xe8: {  	s31 =	sadd.s32 $0x2A00, s26;
	[sflag:s21] =	ssyncset.done $0x0  }
0xe9: {  	s12 =	simm.s32 $0xFE00;
	s29 =	rddreg [dreg:$0x5];
	[sflag:s21] =	ssyncadd.s32 $0xFFFFE700  }
0xea: {  	[hbm4b:s31+s0] =	stream.strided.scatter [tilespmem:s12], [sflag:$0xF], $0xC80, s25, s0, $0x38;
	[tilespmem:$0x13000] =	vst v63  }
0xeb: {  	s30 =	simm.s32 $0x10A80;
	s29 =	sadd.s32 s24, s29  }
0xec: {  	[hbm4b:s29+s0] =	stream.strided.scatter [tilespmem:s30], [sflag:$0xF], $0xC80, s25, s0, $0x38;
	[tilespmem:$0x13000] =	vst v63  }
0xed: {  	_ =	swait.ge [sflag:s22], $0xC80  }
0xee: {  	[sflag:s22] =	ssyncset.done $0x0  }
0xef: {  	[sflag:s22] =	ssyncadd.s32 $0xFFFFF380  }
0xf0: {  	_ =	swait.ge [sflag:s22], $0xC80  }
0xf1: {  	[sflag:s22] =	ssyncset.done $0x0  }
0xf2: {  	s29 =	sadd.s32 $0xFFFFFEC8, s7;
	[sflag:s22] =	ssyncadd.s32 $0xFFFFF380  }
0xf3: {  	[tilespmem:s6], [sflag:$0x5] =	stream.indirect.gather [hbm4b:s3+s23], $0x40, s29, s23, $0xb8;
	[tilespmem:$0x13000] =	vst v63  }
0xf4: {  	_ =	swait.ge [sflag:s2], $0x1900  }
0xf5: {  	[sflag:s2] =	ssyncset.done $0x0  }
0xf6: {  	s31 =	sadd.s32 $0x3100, s26;
	s29 =	rddreg [dreg:$0x3];
	[sflag:s2] =	ssyncadd.s32 $0xFFFFE700  }
0xf7: {  	[hbm4b:s31+s0] =	stream.strided.scatter [tilespmem:s15], [sflag:$0x10], $0xC80, s25, s0, $0x38;
	[tilespmem:$0x13000] =	vst v63  }
0xf8: {  	s29 =	sadd.s32 s24, s29;
	s15 =	simm.s32 $0x12380  }
0xf9: {  	[hbm4b:s29+s0] =	stream.strided.scatter [tilespmem:s15], [sflag:$0x10], $0xC80, s25, s0, $0x38;
	[tilespmem:$0x13000] =	vst v63  }
0xfa: {  	_ =	swait.ge [sflag:s10], $0xC80  }
0xfb: {  	[sflag:s10] =	ssyncset.done $0x0  }
0xfc: {  	[sflag:s10] =	ssyncadd.s32 $0xFFFFF380  }
0xfd: {  	_ =	swait.ge [sflag:s10], $0xC80  }
0xfe: {  	[sflag:s10] =	ssyncset.done $0x0  }
0xff: {  	s29 =	sadd.s32 $0xFFFFFF30, s7;
	[sflag:s10] =	ssyncadd.s32 $0xFFFFF380  }
0x100: {  	[tilespmem:s9], [sflag:$0x6] =	stream.indirect.gather [hbm4b:s3+s23], $0x40, s29, s23, $0xb8;
	[tilespmem:$0x13000] =	vst v63  }
0x101: {  	s9 =	simm.s32 $0x1  }
0x102: {  	_ =	swait.ge [sflag:s9], $0x1900  }
0x103: {  	[sflag:s9] =	ssyncset.done $0x0  }
0x104: {  	s29 =	sadd.s32 $0x3800, s26;
	[sflag:s9] =	ssyncadd.s32 $0xFFFFE700  }
0x105: {  	[hbm4b:s29+s0] =	stream.strided.scatter [tilespmem:s1], [sflag:$0x9], $0xC80, s25, s0, $0x38;
	[tilespmem:$0x13000] =	vst v63  }
0x106: {  	s31 =	simm.s32 $0x7480;
	s29 =	sadd.s32 $0x3B80, s26  }
0x107: {  	[hbm4b:s29+s0] =	stream.strided.scatter [tilespmem:s31], [sflag:$0x9], $0xC80, s25, s0, $0x38;
	[tilespmem:$0x13000] =	vst v63  }
0x108: {  	_ =	swait.ge [sflag:s13], $0xC80  }
0x109: {  	[sflag:s13] =	ssyncset.done $0x0  }
0x10a: {  	[sflag:s13] =	ssyncadd.s32 $0xFFFFF380  }
0x10b: {  	_ =	swait.ge [sflag:s13], $0xC80  }
0x10c: {  	[sflag:s13] =	ssyncset.done $0x0  }
0x10d: {  	s29 =	sadd.s32 $0xFFFFFF98, s7;
	[sflag:s13] =	ssyncadd.s32 $0xFFFFF380  }
0x10e: {  	[tilespmem:s12], [sflag:$0x7] =	stream.indirect.gather [hbm4b:s3+s23], $0x40, s29, s23, $0xb8;
	[tilespmem:$0x13000] =	vst v63  }
0x10f: {  	s12 =	simm.s32 $0x2  }
0x110: {  	_ =	swait.ge [sflag:s12], $0x1900  }
0x111: {  	[sflag:s12] =	ssyncset.done $0x0  }
0x112: {  	s26 =	sadd.s32 $0x3F00, s26;
	s29 =	rddreg [dreg:$0x9];
	[sflag:s12] =	ssyncadd.s32 $0xFFFFE700  }
0x113: {  	[hbm4b:s26+s0] =	stream.strided.scatter [tilespmem:s28], [sflag:$0xA], $0xC80, s25, s0, $0x38;
	[tilespmem:$0x13000] =	vst v63  }
0x114: {  	s24 =	sadd.s32 s24, s29;
	s29 =	simm.s32 $0x8D80  }
0x115: {  	[hbm4b:s24+s0] =	stream.strided.scatter [tilespmem:s29], [sflag:$0xA], $0xC80, s25, s0, $0x38;
	[tilespmem:$0x13000] =	vst v63  }
0x116: {  	p0 =	sne.s32 s4, $0x69000;
	_ =	swait.ge [sflag:s16], $0xC80  }
.Ltmp0:
0x117: {  	[sflag:s16] =	ssyncset.done $0x0;
	(pc) =	sbr.rel @p0 .LBB2_2-.Ltmp0, $4  }
0x118: {  	s4 =	sadd.s32 $0x3800, s4;
	s19 =	smov.u32 s7;
	[sflag:s16] =	ssyncadd.s32 $0xFFFFF380  }
0x119: {  	s5 =	simm.s32 $0x9A00;
	s8 =	simm.s32 $0xB300;
	_ =	swait.ge [sflag:s16], $0xC80  }
0x11a: {  	s30 =	simm.s32 $0xCC00;
	s6 =	simm.s32 $0xE500;
	[sflag:s16] =	ssyncset.done $0x0  }
0x11b: {  	s15 =	simm.s32 $0xFE00;
	s7 =	sadd.s32 $0x340, s7;
	[sflag:s16] =	ssyncadd.s32 $0xFFFFF380  }
0x11c: {  	s1 =	simm.s32 $0x11700;
	s4 =	simm.s32 $0x3  }
0x11d: {  	[tilespmem:s1], [sflag:$0x8] =	stream.indirect.gather [hbm4b:s3+s23], $0x40, s19, s23, $0xb8;
	[tilespmem:$0x13000] =	vst v63  }
0x11e: {  	_ =	swait.ge [sflag:s4], $0x1900  }
0x11f: {  	[sflag:s4] =	ssyncset.done $0x0  }
0x120: {  	s19 =	rddreg [dreg:$0xf];
	[sflag:s4] =	ssyncadd.s32 $0xFFFFE700  }
0x121: {  	[hbm4b:s19+s0] =	stream.strided.scatter [tilespmem:s5], [sflag:$0xB], $0xC80, s25, s0, $0x38;
	[tilespmem:$0x13000] =	vst v63  }
0x122: {  	s26 =	simm.s32 $0xA680;
	s28 =	simm.s32 $0x4;
	s24 =	rddreg [dreg:$0x10]  }
0x123: {  	[hbm4b:s24+s0] =	stream.strided.scatter [tilespmem:s26], [sflag:$0xB], $0xC80, s25, s0, $0x38;
	[tilespmem:$0x13000] =	vst v63  }
0x124: {  	_ =	swait.ge [sflag:s28], $0x1900  }
0x125: {  	[sflag:s28] =	ssyncset.done $0x0  }
0x126: {  	s5 =	rddreg [dreg:$0x11];
	[sflag:s28] =	ssyncadd.s32 $0xFFFFE700  }
0x127: {  	[hbm4b:s5+s0] =	stream.strided.scatter [tilespmem:s8], [sflag:$0xC], $0xC80, s25, s0, $0x38;
	[tilespmem:$0x13000] =	vst v63  }
0x128: {  	s19 =	simm.s32 $0x5;
	s7 =	rddreg [dreg:$0x12];
	s8 =	simm.s32 $0xBF80  }
0x129: {  	[hbm4b:s7+s0] =	stream.strided.scatter [tilespmem:s8], [sflag:$0xC], $0xC80, s25, s0, $0x38;
	[tilespmem:$0x13000] =	vst v63  }
0x12a: {  	_ =	swait.ge [sflag:s19], $0x1900  }
0x12b: {  	[sflag:s19] =	ssyncset.done $0x0  }
0x12c: {  	s24 =	rddreg [dreg:$0x13];
	[sflag:s19] =	ssyncadd.s32 $0xFFFFE700  }
0x12d: {  	[hbm4b:s24+s0] =	stream.strided.scatter [tilespmem:s30], [sflag:$0xD], $0xC80, s25, s0, $0x38;
	[tilespmem:$0x13000] =	vst v63  }
0x12e: {  	s28 =	simm.s32 $0xD880;
	s26 =	rddreg [dreg:$0x14]  }
0x12f: {  	[hbm4b:s26+s0] =	stream.strided.scatter [tilespmem:s28], [sflag:$0xD], $0xC80, s25, s0, $0x38;
	[tilespmem:$0x13000] =	vst v63  }
0x130: {  	_ =	swait.ge [sflag:s18], $0x1900  }
0x131: {  	[sflag:s18] =	ssyncset.done $0x0  }
0x132: {  	s30 =	rddreg [dreg:$0x15];
	[sflag:s18] =	ssyncadd.s32 $0xFFFFE700  }
0x133: {  	[hbm4b:s30+s0] =	stream.strided.scatter [tilespmem:s6], [sflag:$0xE], $0xC80, s25, s0, $0x38;
	[tilespmem:$0x13000] =	vst v63  }
0x134: {  	s5 =	rddreg [dreg:$0x16];
	s6 =	simm.s32 $0xF180  }
0x135: {  	[hbm4b:s5+s0] =	stream.strided.scatter [tilespmem:s6], [sflag:$0xE], $0xC80, s25, s0, $0x38;
	[tilespmem:$0x13000] =	vst v63  }
0x136: {  	_ =	swait.ge [sflag:s21], $0x1900  }
0x137: {  	[sflag:s21] =	ssyncset.done $0x0  }
0x138: {  	s7 =	rddreg [dreg:$0x17];
	[sflag:s21] =	ssyncadd.s32 $0xFFFFE700  }
0x139: {  	[hbm4b:s7+s0] =	stream.strided.scatter [tilespmem:s15], [sflag:$0xF], $0xC80, s25, s0, $0x38;
	[tilespmem:$0x13000] =	vst v63  }
0x13a: {  	s8 =	rddreg [dreg:$0x18];
	s15 =	simm.s32 $0x10A80  }
0x13b: {  	[hbm4b:s8+s0] =	stream.strided.scatter [tilespmem:s15], [sflag:$0xF], $0xC80, s25, s0, $0x38;
	[tilespmem:$0x13000] =	vst v63  }
0x13c: {  	_ =	swait.ge [sflag:s2], $0x1900  }
0x13d: {  	[sflag:s2] =	ssyncset.done $0x0  }
0x13e: {  	s19 =	rddreg [dreg:$0x19];
	[sflag:s2] =	ssyncadd.s32 $0xFFFFE700  }
0x13f: {  	[hbm4b:s19+s0] =	stream.strided.scatter [tilespmem:s1], [sflag:$0x10], $0xC80, s25, s0, $0x38;
	[tilespmem:$0x13000] =	vst v63  }
0x140: {  	s26 =	simm.s32 $0x12380;
	s24 =	rddreg [dreg:$0x1a]  }
0x141: {  	[hbm4b:s24+s0] =	stream.strided.scatter [tilespmem:s26], [sflag:$0x10], $0xC80, s25, s0, $0x38;
	[tilespmem:$0x13000] =	vst v63  }
0x142: {  	_ =	swait.ge [sflag:s11], $0xC80  }
0x143: {  	[sflag:s11] =	ssyncset.done $0x0  }
0x144: {  	[sflag:s11] =	ssyncadd.s32 $0xFFFFF380  }
0x145: {  	_ =	swait.ge [sflag:s11], $0xC80  }
0x146: {  	[sflag:s11] =	ssyncset.done $0x0  }
0x147: {  	[sflag:s11] =	ssyncadd.s32 $0xFFFFF380  }
0x148: {  	_ =	swait.ge [sflag:s14], $0xC80  }
0x149: {  	[sflag:s14] =	ssyncset.done $0x0  }
0x14a: {  	[sflag:s14] =	ssyncadd.s32 $0xFFFFF380  }
0x14b: {  	_ =	swait.ge [sflag:s14], $0xC80  }
0x14c: {  	[sflag:s14] =	ssyncset.done $0x0  }
0x14d: {  	[sflag:s14] =	ssyncadd.s32 $0xFFFFF380  }
0x14e: {  	_ =	swait.ge [sflag:s17], $0xC80  }
0x14f: {  	[sflag:s17] =	ssyncset.done $0x0  }
0x150: {  	[sflag:s17] =	ssyncadd.s32 $0xFFFFF380  }
0x151: {  	_ =	swait.ge [sflag:s17], $0xC80  }
0x152: {  	[sflag:s17] =	ssyncset.done $0x0  }
0x153: {  	[sflag:s17] =	ssyncadd.s32 $0xFFFFF380  }
0x154: {  	_ =	swait.ge [sflag:s20], $0xC80  }
0x155: {  	[sflag:s20] =	ssyncset.done $0x0  }
0x156: {  	[sflag:s20] =	ssyncadd.s32 $0xFFFFF380  }
0x157: {  	_ =	swait.ge [sflag:s20], $0xC80  }
0x158: {  	[sflag:s20] =	ssyncset.done $0x0  }
0x159: {  	[sflag:s20] =	ssyncadd.s32 $0xFFFFF380  }
0x15a: {  	_ =	swait.ge [sflag:s22], $0xC80  }
0x15b: {  	[sflag:s22] =	ssyncset.done $0x0  }
0x15c: {  	[sflag:s22] =	ssyncadd.s32 $0xFFFFF380  }
0x15d: {  	_ =	swait.ge [sflag:s22], $0xC80  }
0x15e: {  	[sflag:s22] =	ssyncset.done $0x0  }
0x15f: {  	[sflag:s22] =	ssyncadd.s32 $0xFFFFF380  }
0x160: {  	_ =	swait.ge [sflag:s10], $0xC80  }
0x161: {  	[sflag:s10] =	ssyncset.done $0x0  }
0x162: {  	[sflag:s10] =	ssyncadd.s32 $0xFFFFF380  }
0x163: {  	_ =	swait.ge [sflag:s10], $0xC80  }
0x164: {  	[sflag:s10] =	ssyncset.done $0x0  }
0x165: {  	[sflag:s10] =	ssyncadd.s32 $0xFFFFF380  }
0x166: {  	_ =	swait.ge [sflag:s13], $0xC80  }
0x167: {  	[sflag:s13] =	ssyncset.done $0x0  }
0x168: {  	[sflag:s13] =	ssyncadd.s32 $0xFFFFF380  }
0x169: {  	_ =	swait.ge [sflag:s13], $0xC80  }
0x16a: {  	[sflag:s13] =	ssyncset.done $0x0  }
0x16b: {  	[sflag:s13] =	ssyncadd.s32 $0xFFFFF380  }
0x16c: {  	_ =	swait.ge [sflag:s16], $0xC80  }
0x16d: {  	[sflag:s16] =	ssyncset.done $0x0  }
0x16e: {  	[sflag:s16] =	ssyncadd.s32 $0xFFFFF380  }
0x16f: {  	_ =	swait.ge [sflag:s16], $0xC80  }
0x170: {  	s28 =	rddreg [dreg:$0x1c]  }
0x171: {  	s30 =	rddreg [dreg:$0x1b];
	s5 =	sadd.s32 $0x1, s28  }
0x172: {  	p0 =	sne.s32 s5, s30  }
.Ltmp1:
0x173: {  	_ = 	snop;
	(pc) =	sbr.rel @p0 .LBB2_1-.Ltmp1, $3  }
0x174: {  	_ =	sdelay $0x1  }
0x175: {  	[sflag:s16] =	ssyncset.done $0x0  }
0x176: {  	s1 =	simm.s32 $0x6800;
	s24 =	simm.s32 $0x8100;
	[sflag:s16] =	ssyncadd.s32 $0xFFFFF380  }
0x177: {  	_ =	sfence.sel $0x180000  }
0x178: {  	[bflag:$0x0] =	sbarrier.arrive $0xFFFF  }
0x179: {  	_ =	strace $0x90000047  }
0x17a: {  	s0 =	stileid.u32;
	[bflag:$0x2] =	sbarrier.arrive $0xFFFF  }
0x17b: {  	p0 =	sne.s32 s0, $0x0;
	s0 =	rddreg [dreg:$0x2]  }
0x17c: {  	s0 =	sadd.s32 @!p0 $0x100000, s0  }
0x17d: {  	[sflag:s0] =	ssyncadd.tile.s32 @!p0 $0x1;
	_ =	shalt  }
.Lfunc_end2:
_tile_overlayer_lowered:
.L_overlay_start_2:
0x17e: {  	(tag) =	ssettag $0x2  }
0x17f: {  	s0 =	rddreg [dreg:$0x0];
	s2 =	stileid.u32  }
0x180: {  	s1 =	rddreg [dreg:$0x1];
	p0 =	sne.s32 s2, $0x0  }
0x181: {  	s3 =	rddreg [dreg:$0x2];
	[bflag:$0x3] =	sbarrier.arrive $0xFFFF;
	s2 =	simm.s32 @!p0 $0x1C11  }
0x182: {  	[timem:s3], [sflag:s2] =	dma.local @!p0 [hbm:s0], s1  }
0x183: {  	s0 =	simm.s32 @!p0 $0x11  }
0x184: {  	_ =	swait.ge @!p0 [sflag:s0], s1  }
0x185: {  	s1 =	ssub.s32 @!p0 $0x0, s1;
	[sflag:s0] =	ssyncset.done @!p0 $0x0  }
0x186: {  	[sflag:s0] =	ssyncadd.s32 @!p0 s1  }
0x187: {  	[bflag:$0x3] =	sbarrier.arrive $0xFFFF  }
0x188: {  	_ =	shalt  }

// kernel: sparse-core-data-format-call.cloned.1.call-start
scs
called_computation_lowered:
.L_overlay_start_0:
0x0: {  	s2 =	sld [smem:$0x3FD9]  }
0x1: {  	s3 =	sld [smem:$0x3FFE];
	_ =	sdelay $0x1  }
0x2: {  	s1 =	srdreg.scid  }
0x3: {  	s0 =	sand.u32 $0x1, s1  }
0x4: {  	s18 =	sshll.u32 s0, $0xA;
	s2 =	sadd.s32 s3, s2  }
0x5: {  	s2 =	sadd.s32 s2, s18  }
0x6: {  	[smem:$0x3FC6] =	sst s2  }
0x7: {  	_ = 	snop  }
0x8: {  	s2 =	sld [smem:$0x3FD0];
	(tm) =	ssettm $0x1  }
0x9: {  	s19 =	sld [smem:$0x3FFB];
	_ =	sdelay $0x3  }
0xa: {  	_ =	strace s19  }
0xb: {  	s3 =	sld [smem:$0x3FFC];
	_ =	sdelay $0x3  }
0xc: {  	_ =	strace s3  }
0xd: {  	s3 =	sld [smem:$0x3FFD];
	_ =	sdelay $0x3  }
0xe: {  	_ =	strace s3  }
0xf: {  	_ =	strace $0x8FFFFFFF  }
0x10: {  	s20 =	sld [smem:$0x3FDB];
	_ =	sdelay $0x1  }
0x11: {  	s4 =	simm.s32 $_scs_section_size  }
0x12: {  	s5 =	simm.s32 $_size__tile_overlayer_lowered;
	s6 =	simm.s32 $_tile_overlayer_lowered  }
0x13: {  	s23 =	simm.s32 $0x1BFF;
	s22 =	sshll.u32 s6, $0x1;
	s3 =	sadd.s32 s4, s20  }
0x14: {  	s7 =	simm.s32 $0x0;
	s21 =	sshll.u32 s5, $0x1;
	s5 =	sadd.s32 s22, s3  }
0x15: {  	[timem:s7], [sflag:s23] =	dma.local [hbm:s5], s21  }
0x16: {  	_ =	swait.ge [sflag:s23], s21  }
0x17: {  	s4 =	ssub.s32 $0x0, s21;
	[sflag:s23] =	ssyncset.done $0x0  }
0x18: {  	[sflag:s23] =	ssyncadd.s32 s4;
	_ =	sdelay $0x1  }
0x19: {  	s24 =	simm.s32 $0x1B8B  }
0x1a: {  	_ =	swait.ge [sflag:s24], $0x1  }
0x1b: {  	[sflag:s24] =	ssyncset.done $0x0  }
0x1c: {  	s26 =	simm.s32 $0x1B8E;
	s25 =	sld [smem:$0x3FFE];
	[sflag:s24] =	ssyncadd.s32 $0xFFFFFFFF  }
0x1d: {  	s27 =	simm.s32 $execute0_lowered;
	[smem:$0x3FD2] =	sst s26  }
0x1e: {  	s5 =	sshll.u32 s27, $0x1;
	_ =	strace $0x80000049;
	[dreg:$0x1] =	wrdreg $0xFFFFFFFF  }
0x1f: {  	s28 =	simm.s32 $_size_execute0_lowered;
	s3 =	sadd.s32 s3, s5;
	[dreg:$0x0] =	wrdreg $0x0  }
0x20: {  	s5 =	sshll.u32 s28, $0x1;
	[dreg:$0x2] =	wrdreg s3  }
0x21: {  	[dreg:$0x3] =	wrdreg s5  }
0x22: {  	[dreg:$0x4] =	wrdreg $0xC0  }
0x23: {  	_ =	task [dreg:s7], $0x5FFFF  }
0x24: {  	[dreg:$0x1] =	wrdreg $0xFFFFFFFF  }
0x25: {  	[dreg:$0x0] =	wrdreg $0x60  }
0x26: {  	[dreg:$0x2] =	wrdreg s25  }
0x27: {  	[dreg:$0x3] =	wrdreg s2  }
0x28: {  	[dreg:$0x4] =	wrdreg $0x9  }
0x29: {  	_ =	task.clear_ibuf [dreg:s7], $0x5FFFF;
	_ =	strace $0x90000049  }
0x2a: {  	s29 =	simm.s32 $0x9;
	_ =	strace $0x8000004B  }
0x2b: {  	_ =	swait.ge [sflag:s29], $0x1  }
0x2c: {  	[sflag:s29] =	ssyncadd.s32 $0xFFFFFFFF  }
0x2d: {  	_ =	strace $0x9000004B  }
0x2e: {  	_ =	sfence  }
0x2f: {  	s30 =	sld [smem:$0x0];
	_ =	sdelay $0x2  }
0x30: {  	s31 =	sshll.u32 s1, $0xD;
	s1 =	sshrl.u32 s1, $0x2  }
0x31: {  	s3 =	sand.u32 $0x4000, s31;
	s1 =	sadd.s32 s1, s30  }
0x32: {  	s0 =	sor.u32 s3, s0;
	s1 =	sshll.u32 s1, $0x11  }
0x33: {  	s0 =	sor.u32 s1, s0  }
0x34: {  	s0 =	sadd.s32 $0x8F2B, s0  }
0x35: {  	[sflag:s0] =	ssyncadd.remote.s32 $0x1  }
0x36: {  	_ =	sfence.sel $0xFFFF  }
0x37: {  	[dreg:$0x0] =	wrdreg $0xFFFFFFFF;
	(pc) =	sbr.abs _section_cstart, $3  }
0x38: {  	[dreg:$0x1] =	wrdreg $0xFFFFFFFF  }
0x39: {  	_ =	task.clear_ibuf [dreg:s7], $0x2FFFF;
	_ =	strace $0x9FFFFFFF  }
0x3a: {  	(tm) =	ssettm $0x7FFFFFFF  }
0x3b: {  	_ =	shalt  }
tec
execute0_lowered:
.L_overlay_start_1:
0x0: {  	(tag) =	ssettag $0x1  }
0x1: {  	s0 =	srdreg.scid  }
0x2: {  	s1 =	sshll.u32 s0, $0x4  }
0x3: {  	s0 =	stileid.u32;
	s1 =	sand.u32 $0x10, s1  }
0x4: {  	s1 =	sor.u32 s0, s1  }
0x5: {  	s6 =	rddreg [dreg:$0x0];
	s4 =	simm.s32 $0x1;
	s2 =	sshll.u32 s1, $0x7  }
0x6: {  	s7 =	simm.s32 $0x2;
	s12 =	simm.s32 $0x0;
	s1 =	ssub.s32 $0x4000, s2  }
0x7: {  	s8 =	simm.s32 $0x20000;
	s13 =	simm.s32 $0x0;
	s3 =	sand.u32 $0xF80, s1  }
0x8: {  	s9 =	simm.s32 $0x0;
	s5 =	sshrl.u32 s1, $0xC;
	p0 =	sne.s32 s3, $0x0  }
.Ltmp0:
0x9: {  	s1 =	rddreg [dreg:$0x2];
	s4 =	simm.s32 @!p0 $0x0;
	(pc) =	sbr.rel .LBB1_1-.Ltmp0, $4  }
0xa: {  	s11 =	simm.s32 $0x0;
	s3 =	rddreg [dreg:$0x1];
	s5 =	sadd.s32 s4, s5  }
0xb: {  	_ =	strace $0x8000004A;
	s4 =	simm.s32 $0x1;
	s5 =	smul.u32 $0x32, s5  }
0xc: {  	s6 =	sadd.s32 $0xA00, s6;
	s10 =	smov.u32 s2;
	[sflag:s4] =	ssyncpa.u1 $0x0  }
0xd: {  	p0 =	por $0x0, $0x0;
	[sflag:s7] =	ssyncpa.u1 $0x0;
	s7 =	sor.u32 $0x1, s5  }
.LBB1_4:
0xe: {  	s16 =	sshll.u32 s13, $0x3;
	s17 =	sand.u32 $0x78, s13  }
0xf: {  	s30 =	sand.u32 $0x1F800, s13;
	s12 =	sshll.u32 s12, $0x11;
	s16 =	sand.u32 $0x3C00, s16  }
0x10: {  	[tilespmem:s15+$0x810 ss:$0x81] =	vst.msk $0xffff, v2;
	s31 =	sand.u32 $0x7, s13;
	s16 =	sor.u32 s17, s16;
	s17 =	sadd.s32 s3, s30  }
0x11: {  	[tilespmem:s15+$0x1020 ss:$0x81] =	vst.msk $0xffff, v0;
	s13 =	sshll.u32 s31, $0x12;
	s12 =	sadd.s32 s12, s17;
	s16 =	sshrl.u32 s16, $0x3  }
0x12: {  	[tilespmem:s15+$0x0 ss:$0x81] =	vst.msk $0xffff, v1;
	s13 =	sor.u32 $0x400, s13;
	s12 =	sadd.s32 s16, s12  }
0x13: {  	[hbm4b:s12+s13] =	stream.strided.scatter [tilespmem:s14], [sflag:$0x2], $0x2000, s8, s13, $0x20;
	[tilespmem:$0x8080] =	vst v63  }
.LBB1_5:
0x14: {  	s14 =	sadd.s32 $0x1, s9  }
0x15: {  	s12 =	sadd.s32 $0x1000, s10;
	s16 =	smov.u32 s10;
	p2 =	sgt.s32 s14, $0x31  }
0x16: {  	s16 =	smov.u32 @p2 s12  }
0x17: {  	s14 =	simm.s32 @p2 $0x0;
	p2 =	sgt.s32 s16, $0x3FFF  }
0x18: {  	s16 =	smov.u32 @p2 s2;
	p2 =	sne.s32 s11, s7  }
.Ltmp1:
0x19: {  	p1 =	slt.u32 s11, $0x2;
	(pc) =	sbr.rel @!p2 .LBB1_6-.Ltmp1, $4  }
0x1a: {  	s15 =	simm.s32 @!p1 $0x2  }
0x1b: {  	s13 =	smov.u32 s10;
	p0 =	por !p0, !p0;
	_ =	swait.ge @!p1 [sflag:s15], $0x2000  }
0x1c: {  	s12 =	smov.u32 s9;
	[sflag:s15] =	ssyncset.done @!p1 $0x0;
	s9 =	smov.u32 s14  }
0x1d: {  	s11 =	sadd.s32 $0x1, s11;
	[sflag:s15] =	ssyncadd.s32 @!p1 $0xFFFFE000;
	s10 =	smov.u32 s16  }
.LBB1_1:
0x1e: {  	p1 =	sge.u32 s11, s5  }
0x1f: {  	s14 =	sand.u32 @!p1 $0x1FFFFFF, s9  }
0x20: {  	s15 =	smulhi.u32 @!p1 $0x4924925, s14;
	_ =	sdelay $0x1  }
0x21: {  	s15 =	smul.u32 @!p1 $0x38, s15  }
0x22: {  	s16 =	sxor.u32 @!p1 $0xFFFFFFFF, s11;
	s17 =	smul.u32 @!p1 $0x380, s10  }
0x23: {  	s31 =	sadd.s32 $0xFFFFFFFF, s11;
	s16 =	sshll.u32 @!p1 s16, $0xD;
	s14 =	ssub.s32 @!p1 s14, s15  }
0x24: {  	s15 =	sand.u32 @!p1 $0x2000, s16;
	s16 =	sadd.s32 @!p1 s6, s17;
	s14 =	sshll.u32 @!p1 s14, $0x4  }
0x25: {  	s17 =	simm.s32 @!p1 $0x1C00;
	s14 =	sadd.s32 @!p1 s14, s16;
	s16 =	simm.s32 @!p1 $0x40  }
0x26: {  	[tilespmem:s15], [sflag:$0x1] =	stream.strided.gather @!p1 [hbm4b:s14+s16], $0x2000, s17, s16, $0x38;
	[tilespmem:$0x8080] =	vst v63  }
0x27: {  	p1 =	sge.u32 s31, s5  }
.Ltmp2:
0x28: {  	_ = 	snop;
	(pc) =	sbr.rel @p1 .LBB1_5-.Ltmp2, $1  }
0x29: {  	_ =	sdelay $0x3  }
0x2a: {  	s14 =	simm.s32 $0x1  }
0x2b: {  	_ =	swait.ge [sflag:s4], $0x2000;
	s14 =	simm.s32 @!p0 $0x0  }
0x2c: {  	[sflag:s4] =	ssyncset.done $0x0;
	s15 =	sshll.u32 s14, $0xD  }
0x2d: {  	[sflag:s4] =	ssyncadd.s32 $0xFFFFE000;
	s18 =	sor.u32 $0x20, s15  }
0x2e: {  	s14 =	smul.u32 $0x8100, s14;
	v3 =	vld [tilespmem:s18+$0x10]  }
0x2f: {  	s30 =	sand.u32 $0x1, s11;
	v2 =	vld [tilespmem:s18+$0xFFFFFFF0]  }
0x30: {  	s15 =	smul.u32 $0x8100, s30;
	s14 =	sshrl.u32 s14, $0x2;
	v0 =	vld [tilespmem:s18+$0x0]  }
0x31: {  	v1 =	vld [tilespmem:s18+$0xFFFFFFE0];
	s16 =	sor.u32 $0x4000, s14  }
0x32: {  	s31 =	sshrl.u32 s15, $0x2;
	s15 =	sadd.s32 $0x0, s16  }
0x33: {  	s17 =	simm.s32 $0x4;
	s18 =	sadd.s32 $0x40, s18;
	s14 =	sor.u32 $0x4000, s31;
	[tilespmem:s15+$0x1830 ss:$0x81] =	vst.msk $0xffff, v3  }
.LBB1_3:
0x34: {  	v3 =	vld [tilespmem:s18+$0x10];
	p1 =	sne.s32 s17, $0x1FC;
	[tilespmem:s15+$0x810 ss:$0x81] =	vst.msk $0xffff, v2;
	s19 =	smov.u32 s17;
	s17 =	sadd.s32 $0x4, s17  }
.Ltmp3:
0x35: {  	v2 =	vld [tilespmem:s18+$0xFFFFFFF0];
	[tilespmem:s15+$0x1020 ss:$0x81] =	vst.msk $0xffff, v0;
	(pc) =	sbr.rel @p1 .LBB1_3-.Ltmp3, $4  }
0x36: {  	v0 =	vld [tilespmem:s18+$0x0];
	[tilespmem:s15+$0x0 ss:$0x81] =	vst.msk $0xffff, v1  }
0x37: {  	s15 =	sshra.s32 s19, $0x2;
	v1 =	vld [tilespmem:s18+$0xFFFFFFE0]  }
0x38: {  	s15 =	sadd.s32 s15, s16  }
0x39: {  	s18 =	sadd.s32 $0x40, s18;
	[tilespmem:s15+$0x1830 ss:$0x81] =	vst.msk $0xffff, v3  }
.Ltmp4:
0x3a: {  	_ = 	snop;
	(pc) =	sbr.rel .LBB1_4-.Ltmp4, $1  }
0x3b: {  	_ =	sdelay $0x3  }
.LBB1_6:
0x3c: {  	_ =	sfence.sel $0x180000  }
0x3d: {  	s2 =	simm.s32 $0x1;
	[bflag:$0x0] =	sbarrier.arrive $0xFFFF  }
0x3e: {  	s31 =	simm.s32 $0x2;
	[sflag:s2] =	ssyncpa.u1 $0x1  }
0x3f: {  	[sflag:s31] =	ssyncpa.u1 $0x1  }
0x40: {  	p0 =	sne.s32 s0, $0x0;
	_ =	strace $0x9000004A  }
0x41: {  	s0 =	sadd.s32 @!p0 $0x100000, s1;
	[bflag:$0x2] =	sbarrier.arrive $0xFFFF  }
0x42: {  	[sflag:s0] =	ssyncadd.tile.s32 @!p0 $0x1;
	_ =	shalt  }
.Lfunc_end1:
_tile_overlayer_lowered:
.L_overlay_start_2:
0x43: {  	(tag) =	ssettag $0x2  }
0x44: {  	s0 =	rddreg [dreg:$0x0];
	s2 =	stileid.u32  }
0x45: {  	s1 =	rddreg [dreg:$0x1];
	p0 =	sne.s32 s2, $0x0  }
0x46: {  	s3 =	rddreg [dreg:$0x2];
	[bflag:$0x3] =	sbarrier.arrive $0xFFFF;
	s2 =	simm.s32 @!p0 $0x1C01  }
0x47: {  	[timem:s3], [sflag:s2] =	dma.local @!p0 [hbm:s0], s1  }
0x48: {  	s0 =	simm.s32 @!p0 $0x1  }
0x49: {  	_ =	swait.ge @!p0 [sflag:s0], s1  }
0x4a: {  	s1 =	ssub.s32 @!p0 $0x0, s1;
	[sflag:s0] =	ssyncset.done @!p0 $0x0  }
0x4b: {  	[sflag:s0] =	ssyncadd.s32 @!p0 s1  }
0x4c: {  	[bflag:$0x3] =	sbarrier.arrive $0xFFFF  }
0x4d: {  	_ =	shalt  }

</sc_bundles>
